<compile_context>
chip_gen: v7x
topology: tpu7x:2x2x1
jax: 0.10.2.dev20260603
libtpu: 0.0.44.dev20260713+nightly
codegen_flags: <defaults>
</compile_context>

<pallas_src>
import functools

import jax
import jax.numpy as jnp
from jax import lax
from jax.experimental import pallas as pl
from jax.experimental.pallas import tpu as pltpu
from jax.experimental.pallas import tpu_sc as plsc

N = 10000
E = 320000
NP = 10240
NC = 2
NS = 16
NW = NC * NS
EPW = E // NW
CH = 80
NCHUNK = EPW // CH
STRIPE = NP // NS
DCHUNKS = E // CH // NS

_mesh = plsc.VectorSubcoreMesh(core_axis_name="c", subcore_axis_name="s")


@functools.partial(
    pl.kernel,
    mesh=_mesh,
    out_type=jax.ShapeDtypeStruct((NC, NP, 128), jnp.float32),
    scratch_types=[
        pltpu.VMEM((2, CH), jnp.int32),
        pltpu.VMEM((128, 128), jnp.float32),
        pltpu.VMEM_SHARED((NP, 128), jnp.float32),
        pltpu.SemaphoreType.DMA,
    ],
)
def _deg_kernel(ei2_hbm, out_hbm, idxb, ob, acc, isem):
    c = lax.axis_index("c")
    s = lax.axis_index("s")

    def zrow(r, carry):
        for k in range(8):
            ob[r, pl.ds(k * 16, 16)] = jnp.zeros((16,), jnp.float32)
        return carry
    lax.fori_loop(0, 128, zrow, 0)
    for t in range(STRIPE // 128):
        pltpu.sync_copy(ob, acc.at[pl.ds(s * STRIPE + t * 128, 128)])

    def orow(r, carry):
        for k in range(8):
            ob[r, pl.ds(k * 16, 16)] = jnp.ones((16,), jnp.float32)
        return carry
    lax.fori_loop(0, 128, orow, 0)
    plsc.subcore_barrier()

    base = s * DCHUNKS
    pltpu.async_copy(ei2_hbm.at[c, base], idxb.at[0], isem)

    def body(j, carry):
        b = lax.bitwise_and(j, 1)
        pltpu.make_async_copy(ei2_hbm.at[c, base + j], idxb.at[b], isem).wait()

        @pl.when(j + 1 < DCHUNKS)
        def _():
            pltpu.async_copy(ei2_hbm.at[c, base + j + 1], idxb.at[1 - b], isem)

        pltpu.sync_copy(ob.at[pl.ds(0, CH)], acc.at[idxb.at[b]], add=True)
        return carry
    lax.fori_loop(0, DCHUNKS, body, 0)

    plsc.subcore_barrier()
    pltpu.sync_copy(acc.at[pl.ds(s * STRIPE, STRIPE)],
                    out_hbm.at[c, pl.ds(s * STRIPE, STRIPE)])


@functools.partial(
    pl.kernel,
    mesh=_mesh,
    out_type=jax.ShapeDtypeStruct((NC, NP, 128), jnp.float32),
    scratch_types=[
        pltpu.VMEM((2, 2, CH), jnp.int32),
        pltpu.VMEM((2, CH, 128), jnp.float32),
        pltpu.VMEM_SHARED((NP, 128), jnp.float32),
        pltpu.SemaphoreType.DMA,
        pltpu.SemaphoreType.DMA,
    ],
)
def _agg_kernel(h_hbm, e_hbm, out_hbm, idxb, rows, acc, isem, gsem):
    c = lax.axis_index("c")
    s = lax.axis_index("s")
    w = c * NS + s

    def zrow(r, carry):
        for k in range(8):
            rows[0, r, pl.ds(k * 16, 16)] = jnp.zeros((16,), jnp.float32)
        return carry
    lax.fori_loop(0, CH, zrow, 0)
    for t in range(STRIPE // CH):
        pltpu.sync_copy(rows.at[0], acc.at[pl.ds(s * STRIPE + t * CH, CH)])

    plsc.subcore_barrier()

    pltpu.async_copy(e_hbm.at[w, 0], idxb.at[0], isem)
    pltpu.make_async_copy(e_hbm.at[w, 0], idxb.at[0], isem).wait()
    pltpu.async_copy(e_hbm.at[w, 1], idxb.at[1], isem)
    pltpu.async_copy(h_hbm.at[idxb.at[0, 0]], rows.at[0], gsem)

    def body(j, carry):
        b = lax.bitwise_and(j, 1)
        pltpu.make_async_copy(h_hbm.at[idxb.at[b, 0]], rows.at[b], gsem).wait()

        @pl.when(j + 1 < NCHUNK)
        def _():
            pltpu.make_async_copy(e_hbm.at[w, j + 1], idxb.at[1 - b], isem).wait()
            pltpu.async_copy(h_hbm.at[idxb.at[1 - b, 0]], rows.at[1 - b], gsem)

        pltpu.sync_copy(rows.at[b], acc.at[idxb.at[b, 1]], add=True)

        @pl.when(j + 2 < NCHUNK)
        def _():
            pltpu.async_copy(e_hbm.at[w, j + 2], idxb.at[b], isem)
        return carry
    lax.fori_loop(0, NCHUNK, body, 0)

    plsc.subcore_barrier()
    pltpu.sync_copy(acc.at[pl.ds(s * STRIPE, STRIPE)],
                    out_hbm.at[c, pl.ds(s * STRIPE, STRIPE)])


_R = 2560
_G = NP // _R


def _mm1_body(f_ref, w_ref, n_ref, o_ref):
    o_ref[...] = jnp.dot(f_ref[...], w_ref[...],
                         preferred_element_type=jnp.float32) * n_ref[...]


def _mm1(fpad, W1, nsrc):
    return pl.pallas_call(
        _mm1_body,
        grid=(_G,),
        in_specs=[
            pl.BlockSpec((_R, 128), lambda i: (i, 0)),
            pl.BlockSpec((128, 128), lambda i: (0, 0)),
            pl.BlockSpec((_R, 1), lambda i: (i, 0)),
        ],
        out_specs=pl.BlockSpec((_R, 128), lambda i: (i, 0)),
        out_shape=jax.ShapeDtypeStruct((NP, 128), jnp.float32),
    )(fpad, W1, nsrc)


def _mm2_body(p_ref, nd_ref, b_ref, w_ref, ns_ref, o_ref):
    x = (p_ref[0] + p_ref[1]) * nd_ref[...] + b_ref[...]
    x = jnp.maximum(x, 0.0)
    o_ref[...] = jnp.dot(x, w_ref[...],
                         preferred_element_type=jnp.float32) * ns_ref[...]


def _mm2(parts, ndst, b1r, W2, nsrc):
    return pl.pallas_call(
        _mm2_body,
        grid=(_G,),
        in_specs=[
            pl.BlockSpec((NC, _R, 128), lambda i: (0, i, 0)),
            pl.BlockSpec((_R, 1), lambda i: (i, 0)),
            pl.BlockSpec((1, 128), lambda i: (0, 0)),
            pl.BlockSpec((128, 128), lambda i: (0, 0)),
            pl.BlockSpec((_R, 1), lambda i: (i, 0)),
        ],
        out_specs=pl.BlockSpec((_R, 128), lambda i: (i, 0)),
        out_shape=jax.ShapeDtypeStruct((NP, 128), jnp.float32),
    )(parts, ndst, b1r, W2, nsrc)


def _final_body(p_ref, nd_ref, b_ref, w_ref, bp_ref, o_ref):
    x = (p_ref[0] + p_ref[1]) * nd_ref[...] + b_ref[...]
    x = jnp.maximum(x, 0.0)
    lg = jnp.dot(x, w_ref[...], preferred_element_type=jnp.float32) + bp_ref[...]
    m = jnp.max(lg, axis=1, keepdims=True)
    e = jnp.exp(lg - m)
    o_ref[...] = e / jnp.sum(e, axis=1, keepdims=True)


def _final(parts, ndst, b2r, Wpp, bpp):
    return pl.pallas_call(
        _final_body,
        grid=(_G,),
        in_specs=[
            pl.BlockSpec((NC, _R, 128), lambda i: (0, i, 0)),
            pl.BlockSpec((_R, 1), lambda i: (i, 0)),
            pl.BlockSpec((1, 128), lambda i: (0, 0)),
            pl.BlockSpec((128, 128), lambda i: (0, 0)),
            pl.BlockSpec((1, 128), lambda i: (0, 0)),
        ],
        out_specs=pl.BlockSpec((_R, 128), lambda i: (i, 0)),
        out_shape=jax.ShapeDtypeStruct((NP, 128), jnp.float32),
    )(parts, ndst, b2r, Wpp, bpp)


def kernel(features, edge_index, edge_types, W1, b1, W2, b2, Wp, bp):
    L = Wp.shape[1]
    e4d = jnp.stack(
        [edge_index[0].astype(jnp.int32).reshape(NW, NCHUNK, CH),
         edge_index[1].astype(jnp.int32).reshape(NW, NCHUNK, CH)],
        axis=2)

    ei2 = jnp.stack([edge_index[0].astype(jnp.int32).reshape(E // CH, CH),
                     edge_index[1].astype(jnp.int32).reshape(E // CH, CH)])
    deg = _deg_kernel(ei2)[:, :, 0]
    nsrc = lax.rsqrt(jnp.maximum(deg[0], 1.0)).reshape(NP, 1)
    ndst = lax.rsqrt(jnp.maximum(deg[1], 1.0)).reshape(NP, 1)

    fpad = jnp.pad(features, ((0, NP - N), (0, 0)))
    b1r = b1.reshape(1, 128)
    b2r = b2.reshape(1, 128)
    Wpp = jnp.pad(Wp, ((0, 0), (0, 128 - L)))
    bpp = jnp.pad(bp, (0, 128 - L), constant_values=-1e30).reshape(1, 128)

    h1 = _mm1(fpad, W1, nsrc)
    p1 = _agg_kernel(h1, e4d)
    h2 = _mm2(p1, ndst, b1r, W2, nsrc)
    p2 = _agg_kernel(h2, e4d)
    out = _final(p2, ndst, b2r, Wpp, bpp)
    return out[:N, :L]

# --- scband reference (transcript-rebuilt; emitter-appended) ---
"""Pipeline reference for scband-gcnmodel3-45045617001060 (READ-ONLY COPY).

The authoritative reference and input builder live on the scoring server;
editing this copy changes nothing except your own understanding.
"""

import jax, jax.numpy as jnp
import numpy as np

N = 10000
E = 320000
D = 128
H = 128
O = 128
L = 40  # n_labels (global constant in the original module)


def setup_inputs(seed: int = 0) -> dict:
    key = jax.random.key(seed)
    ks = jax.random.split(key, 9)
    features = jax.random.normal(ks[0], (N, D), dtype=jnp.float32)
    edge_index = jax.random.randint(ks[1], (2, E), 0, N)
    edge_types = jax.random.randint(ks[2], (E,), 0, 4)
    # learned parameters (GraphConv uses glorot-like init; scale ~ 1/sqrt(fan_in))
    W1 = jax.random.normal(ks[3], (D, H), dtype=jnp.float32) / np.sqrt(D)
    b1 = jnp.zeros((H,), dtype=jnp.float32)
    W2 = jax.random.normal(ks[4], (H, O), dtype=jnp.float32) / np.sqrt(H)
    b2 = jnp.zeros((O,), dtype=jnp.float32)
    Wp = jax.random.normal(ks[5], (O, L), dtype=jnp.float32) / np.sqrt(O)
    bp = jnp.zeros((L,), dtype=jnp.float32)
    return {"features": features, "edge_index": edge_index, "edge_types": edge_types,
            "W1": W1, "b1": b1, "W2": W2, "b2": b2, "Wp": Wp, "bp": bp}


def reference(features, edge_index, edge_types, W1, b1, W2, b2, Wp, bp):
    # DGL GraphConv with norm='both' (symmetric normalization), weight + bias.
    src = edge_index[0]
    dst = edge_index[1]
    ones = jnp.ones((edge_index.shape[1],), dtype=features.dtype)
    deg_out = jax.ops.segment_sum(ones, src, num_segments=N)
    deg_in = jax.ops.segment_sum(ones, dst, num_segments=N)
    norm_src = jax.lax.rsqrt(jnp.maximum(deg_out, 1.0))
    norm_dst = jax.lax.rsqrt(jnp.maximum(deg_in, 1.0))

    def gconv(x, W, b):
        h = x @ W
        h = h * norm_src[:, None]
        msgs = h[src]
        agg = jax.ops.segment_sum(msgs, dst, num_segments=N)
        agg = agg * norm_dst[:, None]
        return agg + b

    x = jax.nn.relu(gconv(features, W1, b1))
    # dropout p=0.0 -> identity (eval / deterministic)
    x = jax.nn.relu(gconv(x, W2, b2))
    logits = x @ Wp + bp  # squeeze(1) is a no-op for [N, L] with L > 1
    return jax.nn.softmax(logits, axis=1)

if __name__ == "__main__":
    import jax
    _d = setup_inputs()
    print(jax.jit(kernel)(*tuple(_d.values())))

</pallas_src>

<mosaic_0001>
#map = affine_map<(d0, d1) -> (0, 0, 0)>
module attributes {stable_mosaic.version = 14 : i64} {
  func.func @_deg_kernel(%arg0: i32, %arg1: i32, %arg2: memref<2x4000x80xi32, #tpu.memory_space<hbm>>, %arg3: memref<2x10240x128xf32, #tpu.memory_space<hbm>>, %arg4: memref<2x80xi32, #tpu.memory_space<vmem>>, %arg5: memref<128x128xf32, #tpu.memory_space<vmem>>, %arg6: memref<10240x128xf32, #tpu.memory_space<vmem_shared>>, %arg7: memref<!tpu.dma_semaphore, #tpu.memory_space<semaphore_mem>>) attributes {dimension_semantics = [#tpu.dimension_semantics<core_parallel>, #tpu.dimension_semantics<subcore_parallel>], iteration_bounds = array<i64: 2, 16>, scalar_prefetch = 0 : i64, scratch_operands = 4 : i64, tpu.core_type = #tpu.core_type<sc_vector_subcore>, window_params = [{transform_indices = #map}, {transform_indices = #map}]} {
    %scan3A = arith.constant 0 : i32
    %scan3A_0 = arith.constant 0 : i32
    %scan3A_1 = arith.constant 128 : i32
    %scan3A_2 = arith.addi %scan3A_0, %scan3A_1 : i32
    %scan3A_3 = arith.constant 1 : i32
    scf.for %scan3A_54 = %scan3A_0 to %scan3A_2 step %scan3A_3  : i32 {
      %broadcast_in_dim3A = arith.constant 0.000000e+00 : f32
      %broadcast_in_dim3A_55 = vector.broadcast %broadcast_in_dim3A : f32 to vector<16xf32>
      %swap3A = arith.index_cast %scan3A_54 : i32 to index
      %swap3A_56 = arith.constant 0 : index
      %swap3A_57 = tpu.vector_load %arg5[%swap3A, %swap3A_56] {strides = array<i32>} : memref<128x128xf32, #tpu.memory_space<vmem>>, vector<1x16xf32>,
      %swap3A_58 = vector.shape_cast %swap3A_57 : vector<1x16xf32> to vector<16xf32>
      %swap3A_59 = vector.shape_cast %broadcast_in_dim3A_55 : vector<16xf32> to vector<1x16xf32>
      tpu.vector_store %arg5[%swap3A, %swap3A_56], %swap3A_59 {strides = array<i32>} : memref<128x128xf32, #tpu.memory_space<vmem>>, vector<1x16xf32>,
      %broadcast_in_dim3A_60 = arith.constant 0.000000e+00 : f32
      %broadcast_in_dim3A_61 = vector.broadcast %broadcast_in_dim3A_60 : f32 to vector<16xf32>
      %swap3A_62 = arith.index_cast %scan3A_54 : i32 to index
      %swap3A_63 = arith.constant 16 : index
      %swap3A_64 = tpu.vector_load %arg5[%swap3A_62, %swap3A_63] {strides = array<i32>} : memref<128x128xf32, #tpu.memory_space<vmem>>, vector<1x16xf32>,
      %swap3A_65 = vector.shape_cast %swap3A_64 : vector<1x16xf32> to vector<16xf32>
      %swap3A_66 = vector.shape_cast %broadcast_in_dim3A_61 : vector<16xf32> to vector<1x16xf32>
      tpu.vector_store %arg5[%swap3A_62, %swap3A_63], %swap3A_66 {strides = array<i32>} : memref<128x128xf32, #tpu.memory_space<vmem>>, vector<1x16xf32>,
      %broadcast_in_dim3A_67 = arith.constant 0.000000e+00 : f32
      %broadcast_in_dim3A_68 = vector.broadcast %broadcast_in_dim3A_67 : f32 to vector<16xf32>
      %swap3A_69 = arith.index_cast %scan3A_54 : i32 to index
      %swap3A_70 = arith.constant 32 : index
      %swap3A_71 = tpu.vector_load %arg5[%swap3A_69, %swap3A_70] {strides = array<i32>} : memref<128x128xf32, #tpu.memory_space<vmem>>, vector<1x16xf32>,
      %swap3A_72 = vector.shape_cast %swap3A_71 : vector<1x16xf32> to vector<16xf32>
      %swap3A_73 = vector.shape_cast %broadcast_in_dim3A_68 : vector<16xf32> to vector<1x16xf32>
      tpu.vector_store %arg5[%swap3A_69, %swap3A_70], %swap3A_73 {strides = array<i32>} : memref<128x128xf32, #tpu.memory_space<vmem>>, vector<1x16xf32>,
      %broadcast_in_dim3A_74 = arith.constant 0.000000e+00 : f32
      %broadcast_in_dim3A_75 = vector.broadcast %broadcast_in_dim3A_74 : f32 to vector<16xf32>
      %swap3A_76 = arith.index_cast %scan3A_54 : i32 to index
      %swap3A_77 = arith.constant 48 : index
      %swap3A_78 = tpu.vector_load %arg5[%swap3A_76, %swap3A_77] {strides = array<i32>} : memref<128x128xf32, #tpu.memory_space<vmem>>, vector<1x16xf32>,
      %swap3A_79 = vector.shape_cast %swap3A_78 : vector<1x16xf32> to vector<16xf32>
      %swap3A_80 = vector.shape_cast %broadcast_in_dim3A_75 : vector<16xf32> to vector<1x16xf32>
      tpu.vector_store %arg5[%swap3A_76, %swap3A_77], %swap3A_80 {strides = array<i32>} : memref<128x128xf32, #tpu.memory_space<vmem>>, vector<1x16xf32>,
      %broadcast_in_dim3A_81 = arith.constant 0.000000e+00 : f32
      %broadcast_in_dim3A_82 = vector.broadcast %broadcast_in_dim3A_81 : f32 to vector<16xf32>
      %swap3A_83 = arith.index_cast %scan3A_54 : i32 to index
      %swap3A_84 = arith.constant 64 : index
      %swap3A_85 = tpu.vector_load %arg5[%swap3A_83, %swap3A_84] {strides = array<i32>} : memref<128x128xf32, #tpu.memory_space<vmem>>, vector<1x16xf32>,
      %swap3A_86 = vector.shape_cast %swap3A_85 : vector<1x16xf32> to vector<16xf32>
      %swap3A_87 = vector.shape_cast %broadcast_in_dim3A_82 : vector<16xf32> to vector<1x16xf32>
      tpu.vector_store %arg5[%swap3A_83, %swap3A_84], %swap3A_87 {strides = array<i32>} : memref<128x128xf32, #tpu.memory_space<vmem>>, vector<1x16xf32>,
      %broadcast_in_dim3A_88 = arith.constant 0.000000e+00 : f32
      %broadcast_in_dim3A_89 = vector.broadcast %broadcast_in_dim3A_88 : f32 to vector<16xf32>
      %swap3A_90 = arith.index_cast %scan3A_54 : i32 to index
      %swap3A_91 = arith.constant 80 : index
      %swap3A_92 = tpu.vector_load %arg5[%swap3A_90, %swap3A_91] {strides = array<i32>} : memref<128x128xf32, #tpu.memory_space<vmem>>, vector<1x16xf32>,
      %swap3A_93 = vector.shape_cast %swap3A_92 : vector<1x16xf32> to vector<16xf32>
      %swap3A_94 = vector.shape_cast %broadcast_in_dim3A_89 : vector<16xf32> to vector<1x16xf32>
      tpu.vector_store %arg5[%swap3A_90, %swap3A_91], %swap3A_94 {strides = array<i32>} : memref<128x128xf32, #tpu.memory_space<vmem>>, vector<1x16xf32>,
      %broadcast_in_dim3A_95 = arith.constant 0.000000e+00 : f32
      %broadcast_in_dim3A_96 = vector.broadcast %broadcast_in_dim3A_95 : f32 to vector<16xf32>
      %swap3A_97 = arith.index_cast %scan3A_54 : i32 to index
      %swap3A_98 = arith.constant 96 : index
      %swap3A_99 = tpu.vector_load %arg5[%swap3A_97, %swap3A_98] {strides = array<i32>} : memref<128x128xf32, #tpu.memory_space<vmem>>, vector<1x16xf32>,
      %swap3A_100 = vector.shape_cast %swap3A_99 : vector<1x16xf32> to vector<16xf32>
      %swap3A_101 = vector.shape_cast %broadcast_in_dim3A_96 : vector<16xf32> to vector<1x16xf32>
      tpu.vector_store %arg5[%swap3A_97, %swap3A_98], %swap3A_101 {strides = array<i32>} : memref<128x128xf32, #tpu.memory_space<vmem>>, vector<1x16xf32>,
      %broadcast_in_dim3A_102 = arith.constant 0.000000e+00 : f32
      %broadcast_in_dim3A_103 = vector.broadcast %broadcast_in_dim3A_102 : f32 to vector<16xf32>
      %swap3A_104 = arith.index_cast %scan3A_54 : i32 to index
      %swap3A_105 = arith.constant 112 : index
      %swap3A_106 = tpu.vector_load %arg5[%swap3A_104, %swap3A_105] {strides = array<i32>} : memref<128x128xf32, #tpu.memory_space<vmem>>, vector<1x16xf32>,
      %swap3A_107 = vector.shape_cast %swap3A_106 : vector<1x16xf32> to vector<16xf32>
      %swap3A_108 = vector.shape_cast %broadcast_in_dim3A_103 : vector<16xf32> to vector<1x16xf32>
      tpu.vector_store %arg5[%swap3A_104, %swap3A_105], %swap3A_108 {strides = array<i32>} : memref<128x128xf32, #tpu.memory_space<vmem>>, vector<1x16xf32>,
    }
    %scan3A_4 = arith.constant 128 : i32
    %mul3A = arith.constant 640 : i32
    %mul3A_5 = arith.muli %arg1, %mul3A : i32
    %add3A = arith.constant 0 : i32
    %add3A_6 = arith.addi %mul3A_5, %add3A : i32
    "tpu.region"() ({
      %run_scoped3A = tpu.sem_alloc : memref<!tpu.dma_semaphore, #tpu.memory_space<semaphore_mem>>
      %dma_start3A_54 = arith.constant 0 : i32
      %dma_start3A_55 = tpu.memref_slice %arg6[%add3A_6, %dma_start3A_54] : memref<10240x128xf32, #tpu.memory_space<vmem_shared>> -> memref<128x128xf32, #tpu.memory_space<vmem_shared>>
      %dma_start3A_56 = arith.constant 0 : i32
      %dma_start3A_57 = tpu.memref_slice %arg6[%add3A_6, %dma_start3A_56] : memref<10240x128xf32, #tpu.memory_space<vmem_shared>> -> memref<128x128xf32, #tpu.memory_space<vmem_shared>>
      tpu.enqueue_dma source(%arg5 : memref<128x128xf32, #tpu.memory_space<vmem>>) target(%dma_start3A_57 : memref<128x128xf32, #tpu.memory_space<vmem_shared>>) target_semaphore(%run_scoped3A : memref<!tpu.dma_semaphore, #tpu.memory_space<semaphore_mem>>)
      %dma_wait3A = arith.constant 0 : i32
      %dma_wait3A_58 = tpu.memref_slice %arg6[%add3A_6, %dma_wait3A] : memref<10240x128xf32, #tpu.memory_space<vmem_shared>> -> memref<128x128xf32, #tpu.memory_space<vmem_shared>>
      %dma_wait3A_59 = arith.constant 0 : i32
      %dma_wait3A_60 = tpu.memref_slice %arg6[%add3A_6, %dma_wait3A_59] : memref<10240x128xf32, #tpu.memory_space<vmem_shared>> -> memref<128x128xf32, #tpu.memory_space<vmem_shared>>
      tpu.wait_dma2 semaphore(%run_scoped3A : memref<!tpu.dma_semaphore, #tpu.memory_space<semaphore_mem>>) src(%arg5 : memref<128x128xf32, #tpu.memory_space<vmem>>) dst(%dma_wait3A_60 : memref<128x128xf32, #tpu.memory_space<vmem_shared>>)
      tpu.yield
    }) : () -> ()
    %mul3A_7 = arith.constant 640 : i32
    %mul3A_8 = arith.muli %arg1, %mul3A_7 : i32
    %add3A_9 = arith.constant 128 : i32
    %add3A_10 = arith.addi %mul3A_8, %add3A_9 : i32
    "tpu.region"() ({
      %run_scoped3A = tpu.sem_alloc : memref<!tpu.dma_semaphore, #tpu.memory_space<semaphore_mem>>
      %dma_start3A_54 = arith.constant 0 : i32
      %dma_start3A_55 = tpu.memref_slice %arg6[%add3A_10, %dma_start3A_54] : memref<10240x128xf32, #tpu.memory_space<vmem_shared>> -> memref<128x128xf32, #tpu.memory_space<vmem_shared>>
      %dma_start3A_56 = arith.constant 0 : i32
      %dma_start3A_57 = tpu.memref_slice %arg6[%add3A_10, %dma_start3A_56] : memref<10240x128xf32, #tpu.memory_space<vmem_shared>> -> memref<128x128xf32, #tpu.memory_space<vmem_shared>>
      tpu.enqueue_dma source(%arg5 : memref<128x128xf32, #tpu.memory_space<vmem>>) target(%dma_start3A_57 : memref<128x128xf32, #tpu.memory_space<vmem_shared>>) target_semaphore(%run_scoped3A : memref<!tpu.dma_semaphore, #tpu.memory_space<semaphore_mem>>)
      %dma_wait3A = arith.constant 0 : i32
      %dma_wait3A_58 = tpu.memref_slice %arg6[%add3A_10, %dma_wait3A] : memref<10240x128xf32, #tpu.memory_space<vmem_shared>> -> memref<128x128xf32, #tpu.memory_space<vmem_shared>>
      %dma_wait3A_59 = arith.constant 0 : i32
      %dma_wait3A_60 = tpu.memref_slice %arg6[%add3A_10, %dma_wait3A_59] : memref<10240x128xf32, #tpu.memory_space<vmem_shared>> -> memref<128x128xf32, #tpu.memory_space<vmem_shared>>
      tpu.wait_dma2 semaphore(%run_scoped3A : memref<!tpu.dma_semaphore, #tpu.memory_space<semaphore_mem>>) src(%arg5 : memref<128x128xf32, #tpu.memory_space<vmem>>) dst(%dma_wait3A_60 : memref<128x128xf32, #tpu.memory_space<vmem_shared>>)
      tpu.yield
    }) : () -> ()
    %mul3A_11 = arith.constant 640 : i32
    %mul3A_12 = arith.muli %arg1, %mul3A_11 : i32
    %add3A_13 = arith.constant 256 : i32
    %add3A_14 = arith.addi %mul3A_12, %add3A_13 : i32
    "tpu.region"() ({
      %run_scoped3A = tpu.sem_alloc : memref<!tpu.dma_semaphore, #tpu.memory_space<semaphore_mem>>
      %dma_start3A_54 = arith.constant 0 : i32
      %dma_start3A_55 = tpu.memref_slice %arg6[%add3A_14, %dma_start3A_54] : memref<10240x128xf32, #tpu.memory_space<vmem_shared>> -> memref<128x128xf32, #tpu.memory_space<vmem_shared>>
      %dma_start3A_56 = arith.constant 0 : i32
      %dma_start3A_57 = tpu.memref_slice %arg6[%add3A_14, %dma_start3A_56] : memref<10240x128xf32, #tpu.memory_space<vmem_shared>> -> memref<128x128xf32, #tpu.memory_space<vmem_shared>>
      tpu.enqueue_dma source(%arg5 : memref<128x128xf32, #tpu.memory_space<vmem>>) target(%dma_start3A_57 : memref<128x128xf32, #tpu.memory_space<vmem_shared>>) target_semaphore(%run_scoped3A : memref<!tpu.dma_semaphore, #tpu.memory_space<semaphore_mem>>)
      %dma_wait3A = arith.constant 0 : i32
      %dma_wait3A_58 = tpu.memref_slice %arg6[%add3A_14, %dma_wait3A] : memref<10240x128xf32, #tpu.memory_space<vmem_shared>> -> memref<128x128xf32, #tpu.memory_space<vmem_shared>>
      %dma_wait3A_59 = arith.constant 0 : i32
      %dma_wait3A_60 = tpu.memref_slice %arg6[%add3A_14, %dma_wait3A_59] : memref<10240x128xf32, #tpu.memory_space<vmem_shared>> -> memref<128x128xf32, #tpu.memory_space<vmem_shared>>
      tpu.wait_dma2 semaphore(%run_scoped3A : memref<!tpu.dma_semaphore, #tpu.memory_space<semaphore_mem>>) src(%arg5 : memref<128x128xf32, #tpu.memory_space<vmem>>) dst(%dma_wait3A_60 : memref<128x128xf32, #tpu.memory_space<vmem_shared>>)
      tpu.yield
    }) : () -> ()
    %mul3A_15 = arith.constant 640 : i32
    %mul3A_16 = arith.muli %arg1, %mul3A_15 : i32
    %add3A_17 = arith.constant 384 : i32
    %add3A_18 = arith.addi %mul3A_16, %add3A_17 : i32
    "tpu.region"() ({
      %run_scoped3A = tpu.sem_alloc : memref<!tpu.dma_semaphore, #tpu.memory_space<semaphore_mem>>
      %dma_start3A_54 = arith.constant 0 : i32
      %dma_start3A_55 = tpu.memref_slice %arg6[%add3A_18, %dma_start3A_54] : memref<10240x128xf32, #tpu.memory_space<vmem_shared>> -> memref<128x128xf32, #tpu.memory_space<vmem_shared>>
      %dma_start3A_56 = arith.constant 0 : i32
      %dma_start3A_57 = tpu.memref_slice %arg6[%add3A_18, %dma_start3A_56] : memref<10240x128xf32, #tpu.memory_space<vmem_shared>> -> memref<128x128xf32, #tpu.memory_space<vmem_shared>>
      tpu.enqueue_dma source(%arg5 : memref<128x128xf32, #tpu.memory_space<vmem>>) target(%dma_start3A_57 : memref<128x128xf32, #tpu.memory_space<vmem_shared>>) target_semaphore(%run_scoped3A : memref<!tpu.dma_semaphore, #tpu.memory_space<semaphore_mem>>)
      %dma_wait3A = arith.constant 0 : i32
      %dma_wait3A_58 = tpu.memref_slice %arg6[%add3A_18, %dma_wait3A] : memref<10240x128xf32, #tpu.memory_space<vmem_shared>> -> memref<128x128xf32, #tpu.memory_space<vmem_shared>>
      %dma_wait3A_59 = arith.constant 0 : i32
      %dma_wait3A_60 = tpu.memref_slice %arg6[%add3A_18, %dma_wait3A_59] : memref<10240x128xf32, #tpu.memory_space<vmem_shared>> -> memref<128x128xf32, #tpu.memory_space<vmem_shared>>
      tpu.wait_dma2 semaphore(%run_scoped3A : memref<!tpu.dma_semaphore, #tpu.memory_space<semaphore_mem>>) src(%arg5 : memref<128x128xf32, #tpu.memory_space<vmem>>) dst(%dma_wait3A_60 : memref<128x128xf32, #tpu.memory_space<vmem_shared>>)
      tpu.yield
    }) : () -> ()
    %mul3A_19 = arith.constant 640 : i32
    %mul3A_20 = arith.muli %arg1, %mul3A_19 : i32
    %add3A_21 = arith.constant 512 : i32
    %add3A_22 = arith.addi %mul3A_20, %add3A_21 : i32
    "tpu.region"() ({
      %run_scoped3A = tpu.sem_alloc : memref<!tpu.dma_semaphore, #tpu.memory_space<semaphore_mem>>
      %dma_start3A_54 = arith.constant 0 : i32
      %dma_start3A_55 = tpu.memref_slice %arg6[%add3A_22, %dma_start3A_54] : memref<10240x128xf32, #tpu.memory_space<vmem_shared>> -> memref<128x128xf32, #tpu.memory_space<vmem_shared>>
      %dma_start3A_56 = arith.constant 0 : i32
      %dma_start3A_57 = tpu.memref_slice %arg6[%add3A_22, %dma_start3A_56] : memref<10240x128xf32, #tpu.memory_space<vmem_shared>> -> memref<128x128xf32, #tpu.memory_space<vmem_shared>>
      tpu.enqueue_dma source(%arg5 : memref<128x128xf32, #tpu.memory_space<vmem>>) target(%dma_start3A_57 : memref<128x128xf32, #tpu.memory_space<vmem_shared>>) target_semaphore(%run_scoped3A : memref<!tpu.dma_semaphore, #tpu.memory_space<semaphore_mem>>)
      %dma_wait3A = arith.constant 0 : i32
      %dma_wait3A_58 = tpu.memref_slice %arg6[%add3A_22, %dma_wait3A] : memref<10240x128xf32, #tpu.memory_space<vmem_shared>> -> memref<128x128xf32, #tpu.memory_space<vmem_shared>>
      %dma_wait3A_59 = arith.constant 0 : i32
      %dma_wait3A_60 = tpu.memref_slice %arg6[%add3A_22, %dma_wait3A_59] : memref<10240x128xf32, #tpu.memory_space<vmem_shared>> -> memref<128x128xf32, #tpu.memory_space<vmem_shared>>
      tpu.wait_dma2 semaphore(%run_scoped3A : memref<!tpu.dma_semaphore, #tpu.memory_space<semaphore_mem>>) src(%arg5 : memref<128x128xf32, #tpu.memory_space<vmem>>) dst(%dma_wait3A_60 : memref<128x128xf32, #tpu.memory_space<vmem_shared>>)
      tpu.yield
    }) : () -> ()
    %scan3A_23 = arith.constant 0 : i32
    %scan3A_24 = arith.constant 0 : i32
    %scan3A_25 = arith.constant 128 : i32
    %scan3A_26 = arith.addi %scan3A_24, %scan3A_25 : i32
    %scan3A_27 = arith.constant 1 : i32
    scf.for %scan3A_54 = %scan3A_24 to %scan3A_26 step %scan3A_27  : i32 {
      %broadcast_in_dim3A = arith.constant 1.000000e+00 : f32
      %broadcast_in_dim3A_55 = vector.broadcast %broadcast_in_dim3A : f32 to vector<16xf32>
      %swap3A = arith.index_cast %scan3A_54 : i32 to index
      %swap3A_56 = arith.constant 0 : index
      %swap3A_57 = tpu.vector_load %arg5[%swap3A, %swap3A_56] {strides = array<i32>} : memref<128x128xf32, #tpu.memory_space<vmem>>, vector<1x16xf32>,
      %swap3A_58 = vector.shape_cast %swap3A_57 : vector<1x16xf32> to vector<16xf32>
      %swap3A_59 = vector.shape_cast %broadcast_in_dim3A_55 : vector<16xf32> to vector<1x16xf32>
      tpu.vector_store %arg5[%swap3A, %swap3A_56], %swap3A_59 {strides = array<i32>} : memref<128x128xf32, #tpu.memory_space<vmem>>, vector<1x16xf32>,
      %broadcast_in_dim3A_60 = arith.constant 1.000000e+00 : f32
      %broadcast_in_dim3A_61 = vector.broadcast %broadcast_in_dim3A_60 : f32 to vector<16xf32>
      %swap3A_62 = arith.index_cast %scan3A_54 : i32 to index
      %swap3A_63 = arith.constant 16 : index
      %swap3A_64 = tpu.vector_load %arg5[%swap3A_62, %swap3A_63] {strides = array<i32>} : memref<128x128xf32, #tpu.memory_space<vmem>>, vector<1x16xf32>,
      %swap3A_65 = vector.shape_cast %swap3A_64 : vector<1x16xf32> to vector<16xf32>
      %swap3A_66 = vector.shape_cast %broadcast_in_dim3A_61 : vector<16xf32> to vector<1x16xf32>
      tpu.vector_store %arg5[%swap3A_62, %swap3A_63], %swap3A_66 {strides = array<i32>} : memref<128x128xf32, #tpu.memory_space<vmem>>, vector<1x16xf32>,
      %broadcast_in_dim3A_67 = arith.constant 1.000000e+00 : f32
      %broadcast_in_dim3A_68 = vector.broadcast %broadcast_in_dim3A_67 : f32 to vector<16xf32>
      %swap3A_69 = arith.index_cast %scan3A_54 : i32 to index
      %swap3A_70 = arith.constant 32 : index
      %swap3A_71 = tpu.vector_load %arg5[%swap3A_69, %swap3A_70] {strides = array<i32>} : memref<128x128xf32, #tpu.memory_space<vmem>>, vector<1x16xf32>,
      %swap3A_72 = vector.shape_cast %swap3A_71 : vector<1x16xf32> to vector<16xf32>
      %swap3A_73 = vector.shape_cast %broadcast_in_dim3A_68 : vector<16xf32> to vector<1x16xf32>
      tpu.vector_store %arg5[%swap3A_69, %swap3A_70], %swap3A_73 {strides = array<i32>} : memref<128x128xf32, #tpu.memory_space<vmem>>, vector<1x16xf32>,
      %broadcast_in_dim3A_74 = arith.constant 1.000000e+00 : f32
      %broadcast_in_dim3A_75 = vector.broadcast %broadcast_in_dim3A_74 : f32 to vector<16xf32>
      %swap3A_76 = arith.index_cast %scan3A_54 : i32 to index
      %swap3A_77 = arith.constant 48 : index
      %swap3A_78 = tpu.vector_load %arg5[%swap3A_76, %swap3A_77] {strides = array<i32>} : memref<128x128xf32, #tpu.memory_space<vmem>>, vector<1x16xf32>,
      %swap3A_79 = vector.shape_cast %swap3A_78 : vector<1x16xf32> to vector<16xf32>
      %swap3A_80 = vector.shape_cast %broadcast_in_dim3A_75 : vector<16xf32> to vector<1x16xf32>
      tpu.vector_store %arg5[%swap3A_76, %swap3A_77], %swap3A_80 {strides = array<i32>} : memref<128x128xf32, #tpu.memory_space<vmem>>, vector<1x16xf32>,
      %broadcast_in_dim3A_81 = arith.constant 1.000000e+00 : f32
      %broadcast_in_dim3A_82 = vector.broadcast %broadcast_in_dim3A_81 : f32 to vector<16xf32>
      %swap3A_83 = arith.index_cast %scan3A_54 : i32 to index
      %swap3A_84 = arith.constant 64 : index
      %swap3A_85 = tpu.vector_load %arg5[%swap3A_83, %swap3A_84] {strides = array<i32>} : memref<128x128xf32, #tpu.memory_space<vmem>>, vector<1x16xf32>,
      %swap3A_86 = vector.shape_cast %swap3A_85 : vector<1x16xf32> to vector<16xf32>
      %swap3A_87 = vector.shape_cast %broadcast_in_dim3A_82 : vector<16xf32> to vector<1x16xf32>
      tpu.vector_store %arg5[%swap3A_83, %swap3A_84], %swap3A_87 {strides = array<i32>} : memref<128x128xf32, #tpu.memory_space<vmem>>, vector<1x16xf32>,
      %broadcast_in_dim3A_88 = arith.constant 1.000000e+00 : f32
      %broadcast_in_dim3A_89 = vector.broadcast %broadcast_in_dim3A_88 : f32 to vector<16xf32>
      %swap3A_90 = arith.index_cast %scan3A_54 : i32 to index
      %swap3A_91 = arith.constant 80 : index
      %swap3A_92 = tpu.vector_load %arg5[%swap3A_90, %swap3A_91] {strides = array<i32>} : memref<128x128xf32, #tpu.memory_space<vmem>>, vector<1x16xf32>,
      %swap3A_93 = vector.shape_cast %swap3A_92 : vector<1x16xf32> to vector<16xf32>
      %swap3A_94 = vector.shape_cast %broadcast_in_dim3A_89 : vector<16xf32> to vector<1x16xf32>
      tpu.vector_store %arg5[%swap3A_90, %swap3A_91], %swap3A_94 {strides = array<i32>} : memref<128x128xf32, #tpu.memory_space<vmem>>, vector<1x16xf32>,
      %broadcast_in_dim3A_95 = arith.constant 1.000000e+00 : f32
      %broadcast_in_dim3A_96 = vector.broadcast %broadcast_in_dim3A_95 : f32 to vector<16xf32>
      %swap3A_97 = arith.index_cast %scan3A_54 : i32 to index
      %swap3A_98 = arith.constant 96 : index
      %swap3A_99 = tpu.vector_load %arg5[%swap3A_97, %swap3A_98] {strides = array<i32>} : memref<128x128xf32, #tpu.memory_space<vmem>>, vector<1x16xf32>,
      %swap3A_100 = vector.shape_cast %swap3A_99 : vector<1x16xf32> to vector<16xf32>
      %swap3A_101 = vector.shape_cast %broadcast_in_dim3A_96 : vector<16xf32> to vector<1x16xf32>
      tpu.vector_store %arg5[%swap3A_97, %swap3A_98], %swap3A_101 {strides = array<i32>} : memref<128x128xf32, #tpu.memory_space<vmem>>, vector<1x16xf32>,
      %broadcast_in_dim3A_102 = arith.constant 1.000000e+00 : f32
      %broadcast_in_dim3A_103 = vector.broadcast %broadcast_in_dim3A_102 : f32 to vector<16xf32>
      %swap3A_104 = arith.index_cast %scan3A_54 : i32 to index
      %swap3A_105 = arith.constant 112 : index
      %swap3A_106 = tpu.vector_load %arg5[%swap3A_104, %swap3A_105] {strides = array<i32>} : memref<128x128xf32, #tpu.memory_space<vmem>>, vector<1x16xf32>,
      %swap3A_107 = vector.shape_cast %swap3A_106 : vector<1x16xf32> to vector<16xf32>
      %swap3A_108 = vector.shape_cast %broadcast_in_dim3A_103 : vector<16xf32> to vector<1x16xf32>
      tpu.vector_store %arg5[%swap3A_104, %swap3A_105], %swap3A_108 {strides = array<i32>} : memref<128x128xf32, #tpu.memory_space<vmem>>, vector<1x16xf32>,
    }
    %scan3A_28 = arith.constant 128 : i32
    %barrier3A = arith.constant 0 : index
    tpu.barrier barrier_id(%barrier3A)
    %mul3A_29 = arith.constant 250 : i32
    %mul3A_30 = arith.muli %arg1, %mul3A_29 : i32
    %dma_start3A = arith.constant 0 : i32
    %dma_start3A_31 = arith.constant 0 : i32
    %dma_start3A_32 = tpu.memref_slice %arg4[%dma_start3A, %dma_start3A_31] : memref<2x80xi32, #tpu.memory_space<vmem>> -> memref<1x80xi32, #tpu.memory_space<vmem>>
    %dma_start3A_33 = tpu.memref_squeeze %dma_start3A_32 : memref<1x80xi32, #tpu.memory_space<vmem>> -> memref<80xi32, #tpu.memory_space<vmem>>
    %dma_start3A_34 = arith.constant 0 : i32
    %dma_start3A_35 = tpu.memref_slice %arg2[%arg0, %mul3A_30, %dma_start3A_34] : memref<2x4000x80xi32, #tpu.memory_space<hbm>> -> memref<1x1x80xi32, #tpu.memory_space<hbm>>
    %dma_start3A_36 = tpu.memref_squeeze %dma_start3A_35 : memref<1x1x80xi32, #tpu.memory_space<hbm>> -> memref<80xi32, #tpu.memory_space<hbm>>
    %dma_start3A_37 = arith.constant 0 : i32
    %dma_start3A_38 = tpu.memref_slice %arg4[%dma_start3A, %dma_start3A_37] : memref<2x80xi32, #tpu.memory_space<vmem>> -> memref<1x80xi32, #tpu.memory_space<vmem>>
    %dma_start3A_39 = tpu.memref_squeeze %dma_start3A_38 : memref<1x80xi32, #tpu.memory_space<vmem>> -> memref<80xi32, #tpu.memory_space<vmem>>
    %dma_start3A_40 = arith.constant 0 : i32
    %dma_start3A_41 = tpu.memref_slice %arg2[%arg0, %mul3A_30, %dma_start3A_40] : memref<2x4000x80xi32, #tpu.memory_space<hbm>> -> memref<1x1x80xi32, #tpu.memory_space<hbm>>
    %dma_start3A_42 = tpu.memref_squeeze %dma_start3A_41 : memref<1x1x80xi32, #tpu.memory_space<hbm>> -> memref<80xi32, #tpu.memory_space<hbm>>
    tpu.enqueue_dma source(%dma_start3A_42 : memref<80xi32, #tpu.memory_space<hbm>>) target(%dma_start3A_39 : memref<80xi32, #tpu.memory_space<vmem>>) target_semaphore(%arg7 : memref<!tpu.dma_semaphore, #tpu.memory_space<semaphore_mem>>)
    %scan3A_43 = arith.constant 0 : i32
    %scan3A_44 = arith.constant 0 : i32
    %scan3A_45 = arith.constant 250 : i32
    %scan3A_46 = arith.addi %scan3A_44, %scan3A_45 : i32
    %scan3A_47 = arith.constant 1 : i32
    scf.for %scan3A_54 = %scan3A_44 to %scan3A_46 step %scan3A_47  : i32 {
      %and3A = arith.constant 1 : i32
      %and3A_55 = arith.andi %scan3A_54, %and3A : i32
      %add3A_56 = arith.addi %mul3A_30, %scan3A_54 : i32
      %dma_wait3A = arith.constant 0 : i32
      %dma_wait3A_57 = tpu.memref_slice %arg4[%and3A_55, %dma_wait3A] : memref<2x80xi32, #tpu.memory_space<vmem>> -> memref<1x80xi32, #tpu.memory_space<vmem>>
      %dma_wait3A_58 = tpu.memref_squeeze %dma_wait3A_57 : memref<1x80xi32, #tpu.memory_space<vmem>> -> memref<80xi32, #tpu.memory_space<vmem>>
      %dma_wait3A_59 = arith.constant 0 : i32
      %dma_wait3A_60 = tpu.memref_slice %arg2[%arg0, %add3A_56, %dma_wait3A_59] : memref<2x4000x80xi32, #tpu.memory_space<hbm>> -> memref<1x1x80xi32, #tpu.memory_space<hbm>>
      %dma_wait3A_61 = tpu.memref_squeeze %dma_wait3A_60 : memref<1x1x80xi32, #tpu.memory_space<hbm>> -> memref<80xi32, #tpu.memory_space<hbm>>
      %dma_wait3A_62 = arith.constant 0 : i32
      %dma_wait3A_63 = tpu.memref_slice %arg4[%and3A_55, %dma_wait3A_62] : memref<2x80xi32, #tpu.memory_space<vmem>> -> memref<1x80xi32, #tpu.memory_space<vmem>>
      %dma_wait3A_64 = tpu.memref_squeeze %dma_wait3A_63 : memref<1x80xi32, #tpu.memory_space<vmem>> -> memref<80xi32, #tpu.memory_space<vmem>>
      %dma_wait3A_65 = arith.constant 0 : i32
      %dma_wait3A_66 = tpu.memref_slice %arg2[%arg0, %add3A_56, %dma_wait3A_65] : memref<2x4000x80xi32, #tpu.memory_space<hbm>> -> memref<1x1x80xi32, #tpu.memory_space<hbm>>
      %dma_wait3A_67 = tpu.memref_squeeze %dma_wait3A_66 : memref<1x1x80xi32, #tpu.memory_space<hbm>> -> memref<80xi32, #tpu.memory_space<hbm>>
      tpu.wait_dma2 semaphore(%arg7 : memref<!tpu.dma_semaphore, #tpu.memory_space<semaphore_mem>>) src(%dma_wait3A_67 : memref<80xi32, #tpu.memory_space<hbm>>) dst(%dma_wait3A_64 : memref<80xi32, #tpu.memory_space<vmem>>)
      %add3A_68 = arith.constant 1 : i32
      %add3A_69 = arith.addi %scan3A_54, %add3A_68 : i32
      %lt3A = arith.constant 250 : i32
      %lt3A_70 = arith.cmpi slt, %add3A_69, %lt3A : i32
      %convert_element_type3A = arith.extui %lt3A_70 : i1 to i32
      %cond3A = arith.constant 0 : i32
      %cond3A_71 = arith.cmpi ne, %convert_element_type3A, %cond3A : i32
      scf.if %cond3A_71 {
        %add3A_72 = arith.addi %mul3A_30, %scan3A_54 : i32
        %add3A_73 = arith.constant 1 : i32
        %add3A_74 = arith.addi %add3A_72, %add3A_73 : i32
        %sub3A = arith.constant 1 : i32
        %sub3A_75 = arith.subi %sub3A, %and3A_55 : i32
        %dma_start3A_76 = arith.constant 0 : i32
        %dma_start3A_77 = tpu.memref_slice %arg4[%sub3A_75, %dma_start3A_76] : memref<2x80xi32, #tpu.memory_space<vmem>> -> memref<1x80xi32, #tpu.memory_space<vmem>>
        %dma_start3A_78 = tpu.memref_squeeze %dma_start3A_77 : memref<1x80xi32, #tpu.memory_space<vmem>> -> memref<80xi32, #tpu.memory_space<vmem>>
        %dma_start3A_79 = arith.constant 0 : i32
        %dma_start3A_80 = tpu.memref_slice %arg2[%arg0, %add3A_74, %dma_start3A_79] : memref<2x4000x80xi32, #tpu.memory_space<hbm>> -> memref<1x1x80xi32, #tpu.memory_space<hbm>>
        %dma_start3A_81 = tpu.memref_squeeze %dma_start3A_80 : memref<1x1x80xi32, #tpu.memory_space<hbm>> -> memref<80xi32, #tpu.memory_space<hbm>>
        %dma_start3A_82 = arith.constant 0 : i32
        %dma_start3A_83 = tpu.memref_slice %arg4[%sub3A_75, %dma_start3A_82] : memref<2x80xi32, #tpu.memory_space<vmem>> -> memref<1x80xi32, #tpu.memory_space<vmem>>
        %dma_start3A_84 = tpu.memref_squeeze %dma_start3A_83 : memref<1x80xi32, #tpu.memory_space<vmem>> -> memref<80xi32, #tpu.memory_space<vmem>>
        %dma_start3A_85 = arith.constant 0 : i32
        %dma_start3A_86 = tpu.memref_slice %arg2[%arg0, %add3A_74, %dma_start3A_85] : memref<2x4000x80xi32, #tpu.memory_space<hbm>> -> memref<1x1x80xi32, #tpu.memory_space<hbm>>
        %dma_start3A_87 = tpu.memref_squeeze %dma_start3A_86 : memref<1x1x80xi32, #tpu.memory_space<hbm>> -> memref<80xi32, #tpu.memory_space<hbm>>
        tpu.enqueue_dma source(%dma_start3A_87 : memref<80xi32, #tpu.memory_space<hbm>>) target(%dma_start3A_84 : memref<80xi32, #tpu.memory_space<vmem>>) target_semaphore(%arg7 : memref<!tpu.dma_semaphore, #tpu.memory_space<semaphore_mem>>)
      } else {
      }
      "tpu.region"() ({
        %run_scoped3A = tpu.sem_alloc : memref<!tpu.dma_semaphore, #tpu.memory_space<semaphore_mem>>
        %dma_start3A_72 = arith.constant 0 : i32
        %dma_start3A_73 = arith.constant 0 : i32
        %dma_start3A_74 = tpu.memref_slice %arg5[%dma_start3A_72, %dma_start3A_73] : memref<128x128xf32, #tpu.memory_space<vmem>> -> memref<80x128xf32, #tpu.memory_space<vmem>>
        %dma_start3A_75 = arith.constant 0 : i32
        %dma_start3A_76 = tpu.memref_slice %arg4[%and3A_55, %dma_start3A_75] : memref<2x80xi32, #tpu.memory_space<vmem>> -> memref<1x80xi32, #tpu.memory_space<vmem>>
        %dma_start3A_77 = tpu.memref_squeeze %dma_start3A_76 : memref<1x80xi32, #tpu.memory_space<vmem>> -> memref<80xi32, #tpu.memory_space<vmem>>
        %dma_start3A_78 = arith.constant 0 : i32
        %dma_start3A_79 = arith.constant 0 : i32
        %dma_start3A_80 = tpu.memref_slice %arg6[%dma_start3A_78, %dma_start3A_79] : memref<10240x128xf32, #tpu.memory_space<vmem_shared>> -> memref<10240x128xf32, #tpu.memory_space<vmem_shared>>
        tpu.enqueue_indirect_dma source(%dma_start3A_74 : memref<80x128xf32, #tpu.memory_space<vmem>>) target(%dma_start3A_80 : memref<10240x128xf32, #tpu.memory_space<vmem_shared>>) offsets(%dma_start3A_77 : memref<80xi32, #tpu.memory_space<vmem>>) semaphore(%run_scoped3A : memref<!tpu.dma_semaphore, #tpu.memory_space<semaphore_mem>>) {add = true}
        %dma_wait3A_81 = arith.constant 0 : i32
        %dma_wait3A_82 = arith.constant 0 : i32
        %dma_wait3A_83 = tpu.memref_slice %arg5[%dma_wait3A_81, %dma_wait3A_82] : memref<128x128xf32, #tpu.memory_space<vmem>> -> memref<80x128xf32, #tpu.memory_space<vmem>>
        %dma_wait3A_84 = arith.constant 0 : i32
        %dma_wait3A_85 = tpu.memref_slice %arg4[%and3A_55, %dma_wait3A_84] : memref<2x80xi32, #tpu.memory_space<vmem>> -> memref<1x80xi32, #tpu.memory_space<vmem>>
        %dma_wait3A_86 = tpu.memref_squeeze %dma_wait3A_85 : memref<1x80xi32, #tpu.memory_space<vmem>> -> memref<80xi32, #tpu.memory_space<vmem>>
        %dma_wait3A_87 = arith.constant 0 : i32
        %dma_wait3A_88 = arith.constant 0 : i32
        %dma_wait3A_89 = tpu.memref_slice %arg6[%dma_wait3A_87, %dma_wait3A_88] : memref<10240x128xf32, #tpu.memory_space<vmem_shared>> -> memref<10240x128xf32, #tpu.memory_space<vmem_shared>>
        tpu.wait_indirect_dma semaphore(%run_scoped3A : memref<!tpu.dma_semaphore, #tpu.memory_space<semaphore_mem>>) src(%dma_wait3A_83 : memref<80x128xf32, #tpu.memory_space<vmem>>) dst(%dma_wait3A_89 : memref<10240x128xf32, #tpu.memory_space<vmem_shared>>)
        tpu.yield
      }) : () -> ()
    }
    %scan3A_48 = arith.constant 250 : i32
    %barrier3A_49 = arith.constant 0 : index
    tpu.barrier barrier_id(%barrier3A_49)
    %mul3A_50 = arith.constant 640 : i32
    %mul3A_51 = arith.muli %arg1, %mul3A_50 : i32
    %mul3A_52 = arith.constant 640 : i32
    %mul3A_53 = arith.muli %arg1, %mul3A_52 : i32
    "tpu.region"() ({
      %run_scoped3A = tpu.sem_alloc : memref<!tpu.dma_semaphore, #tpu.memory_space<semaphore_mem>>
      %dma_start3A_54 = arith.constant 0 : i32
      %dma_start3A_55 = tpu.memref_slice %arg3[%arg0, %mul3A_53, %dma_start3A_54] : memref<2x10240x128xf32, #tpu.memory_space<hbm>> -> memref<1x640x128xf32, #tpu.memory_space<hbm>>
      %dma_start3A_56 = tpu.memref_squeeze %dma_start3A_55 : memref<1x640x128xf32, #tpu.memory_space<hbm>> -> memref<640x128xf32, #tpu.memory_space<hbm>>
      %dma_start3A_57 = arith.constant 0 : i32
      %dma_start3A_58 = tpu.memref_slice %arg6[%mul3A_51, %dma_start3A_57] : memref<10240x128xf32, #tpu.memory_space<vmem_shared>> -> memref<640x128xf32, #tpu.memory_space<vmem_shared>>
      tpu.enqueue_dma source(%dma_start3A_58 : memref<640x128xf32, #tpu.memory_space<vmem_shared>>) target(%dma_start3A_56 : memref<640x128xf32, #tpu.memory_space<hbm>>) target_semaphore(%run_scoped3A : memref<!tpu.dma_semaphore, #tpu.memory_space<semaphore_mem>>)
      %dma_wait3A = arith.constant 0 : i32
      %dma_wait3A_59 = tpu.memref_slice %arg3[%arg0, %mul3A_53, %dma_wait3A] : memref<2x10240x128xf32, #tpu.memory_space<hbm>> -> memref<1x640x128xf32, #tpu.memory_space<hbm>>
      %dma_wait3A_60 = tpu.memref_squeeze %dma_wait3A_59 : memref<1x640x128xf32, #tpu.memory_space<hbm>> -> memref<640x128xf32, #tpu.memory_space<hbm>>
      %dma_wait3A_61 = arith.constant 0 : i32
      %dma_wait3A_62 = tpu.memref_slice %arg6[%mul3A_51, %dma_wait3A_61] : memref<10240x128xf32, #tpu.memory_space<vmem_shared>> -> memref<640x128xf32, #tpu.memory_space<vmem_shared>>
      tpu.wait_dma2 semaphore(%run_scoped3A : memref<!tpu.dma_semaphore, #tpu.memory_space<semaphore_mem>>) src(%dma_wait3A_62 : memref<640x128xf32, #tpu.memory_space<vmem_shared>>) dst(%dma_wait3A_60 : memref<640x128xf32, #tpu.memory_space<hbm>>)
      tpu.yield
    }) : () -> ()
    return
  }
}

#map = affine_map<(d0, d1) -> (0, 0)>
#map1 = affine_map<(d0, d1) -> (0, 0, 0, 0)>
#map2 = affine_map<(d0, d1) -> (0, 0, 0)>
module attributes {stable_mosaic.version = 14 : i64} {
  func.func @_agg_kernel(%arg0: i32, %arg1: i32, %arg2: memref<10240x128xf32, #tpu.memory_space<hbm>>, %arg3: memref<32x125x2x80xi32, #tpu.memory_space<hbm>>, %arg4: memref<2x10240x128xf32, #tpu.memory_space<hbm>>, %arg5: memref<2x2x80xi32, #tpu.memory_space<vmem>>, %arg6: memref<2x80x128xf32, #tpu.memory_space<vmem>>, %arg7: memref<10240x128xf32, #tpu.memory_space<vmem_shared>>, %arg8: memref<!tpu.dma_semaphore, #tpu.memory_space<semaphore_mem>>, %arg9: memref<!tpu.dma_semaphore, #tpu.memory_space<semaphore_mem>>) attributes {dimension_semantics = [#tpu.dimension_semantics<core_parallel>, #tpu.dimension_semantics<subcore_parallel>], iteration_bounds = array<i64: 2, 16>, scalar_prefetch = 0 : i64, scratch_operands = 5 : i64, tpu.core_type = #tpu.core_type<sc_vector_subcore>, window_params = [{transform_indices = #map}, {transform_indices = #map1}, {transform_indices = #map2}]} {
    %mul3A = arith.constant 16 : i32
    %mul3A_0 = arith.muli %arg0, %mul3A : i32
    %add3A = arith.addi %mul3A_0, %arg1 : i32
    %scan3A = arith.constant 0 : i32
    %scan3A_1 = arith.constant 0 : i32
    %scan3A_2 = arith.constant 80 : i32
    %scan3A_3 = arith.addi %scan3A_1, %scan3A_2 : i32
    %scan3A_4 = arith.constant 1 : i32
    scf.for %scan3A_121 = %scan3A_1 to %scan3A_3 step %scan3A_4  : i32 {
      %broadcast_in_dim3A = arith.constant 0.000000e+00 : f32
      %broadcast_in_dim3A_122 = vector.broadcast %broadcast_in_dim3A : f32 to vector<16xf32>
      %swap3A = arith.constant 0 : i32
      %swap3A_123 = arith.index_cast %swap3A : i32 to index
      %swap3A_124 = arith.index_cast %scan3A_121 : i32 to index
      %swap3A_125 = arith.constant 0 : index
      %swap3A_126 = tpu.vector_load %arg6[%swap3A_123, %swap3A_124, %swap3A_125] {strides = array<i32>} : memref<2x80x128xf32, #tpu.memory_space<vmem>>, vector<1x1x16xf32>,
      %swap3A_127 = vector.shape_cast %swap3A_126 : vector<1x1x16xf32> to vector<16xf32>
      %swap3A_128 = vector.shape_cast %broadcast_in_dim3A_122 : vector<16xf32> to vector<1x1x16xf32>
      tpu.vector_store %arg6[%swap3A_123, %swap3A_124, %swap3A_125], %swap3A_128 {strides = array<i32>} : memref<2x80x128xf32, #tpu.memory_space<vmem>>, vector<1x1x16xf32>,
      %broadcast_in_dim3A_129 = arith.constant 0.000000e+00 : f32
      %broadcast_in_dim3A_130 = vector.broadcast %broadcast_in_dim3A_129 : f32 to vector<16xf32>
      %swap3A_131 = arith.constant 0 : i32
      %swap3A_132 = arith.index_cast %swap3A_131 : i32 to index
      %swap3A_133 = arith.index_cast %scan3A_121 : i32 to index
      %swap3A_134 = arith.constant 16 : index
      %swap3A_135 = tpu.vector_load %arg6[%swap3A_132, %swap3A_133, %swap3A_134] {strides = array<i32>} : memref<2x80x128xf32, #tpu.memory_space<vmem>>, vector<1x1x16xf32>,
      %swap3A_136 = vector.shape_cast %swap3A_135 : vector<1x1x16xf32> to vector<16xf32>
      %swap3A_137 = vector.shape_cast %broadcast_in_dim3A_130 : vector<16xf32> to vector<1x1x16xf32>
      tpu.vector_store %arg6[%swap3A_132, %swap3A_133, %swap3A_134], %swap3A_137 {strides = array<i32>} : memref<2x80x128xf32, #tpu.memory_space<vmem>>, vector<1x1x16xf32>,
      %broadcast_in_dim3A_138 = arith.constant 0.000000e+00 : f32
      %broadcast_in_dim3A_139 = vector.broadcast %broadcast_in_dim3A_138 : f32 to vector<16xf32>
      %swap3A_140 = arith.constant 0 : i32
      %swap3A_141 = arith.index_cast %swap3A_140 : i32 to index
      %swap3A_142 = arith.index_cast %scan3A_121 : i32 to index
      %swap3A_143 = arith.constant 32 : index
      %swap3A_144 = tpu.vector_load %arg6[%swap3A_141, %swap3A_142, %swap3A_143] {strides = array<i32>} : memref<2x80x128xf32, #tpu.memory_space<vmem>>, vector<1x1x16xf32>,
      %swap3A_145 = vector.shape_cast %swap3A_144 : vector<1x1x16xf32> to vector<16xf32>
      %swap3A_146 = vector.shape_cast %broadcast_in_dim3A_139 : vector<16xf32> to vector<1x1x16xf32>
      tpu.vector_store %arg6[%swap3A_141, %swap3A_142, %swap3A_143], %swap3A_146 {strides = array<i32>} : memref<2x80x128xf32, #tpu.memory_space<vmem>>, vector<1x1x16xf32>,
      %broadcast_in_dim3A_147 = arith.constant 0.000000e+00 : f32
      %broadcast_in_dim3A_148 = vector.broadcast %broadcast_in_dim3A_147 : f32 to vector<16xf32>
      %swap3A_149 = arith.constant 0 : i32
      %swap3A_150 = arith.index_cast %swap3A_149 : i32 to index
      %swap3A_151 = arith.index_cast %scan3A_121 : i32 to index
      %swap3A_152 = arith.constant 48 : index
      %swap3A_153 = tpu.vector_load %arg6[%swap3A_150, %swap3A_151, %swap3A_152] {strides = array<i32>} : memref<2x80x128xf32, #tpu.memory_space<vmem>>, vector<1x1x16xf32>,
      %swap3A_154 = vector.shape_cast %swap3A_153 : vector<1x1x16xf32> to vector<16xf32>
      %swap3A_155 = vector.shape_cast %broadcast_in_dim3A_148 : vector<16xf32> to vector<1x1x16xf32>
      tpu.vector_store %arg6[%swap3A_150, %swap3A_151, %swap3A_152], %swap3A_155 {strides = array<i32>} : memref<2x80x128xf32, #tpu.memory_space<vmem>>, vector<1x1x16xf32>,
      %broadcast_in_dim3A_156 = arith.constant 0.000000e+00 : f32
      %broadcast_in_dim3A_157 = vector.broadcast %broadcast_in_dim3A_156 : f32 to vector<16xf32>
      %swap3A_158 = arith.constant 0 : i32
      %swap3A_159 = arith.index_cast %swap3A_158 : i32 to index
      %swap3A_160 = arith.index_cast %scan3A_121 : i32 to index
      %swap3A_161 = arith.constant 64 : index
      %swap3A_162 = tpu.vector_load %arg6[%swap3A_159, %swap3A_160, %swap3A_161] {strides = array<i32>} : memref<2x80x128xf32, #tpu.memory_space<vmem>>, vector<1x1x16xf32>,
      %swap3A_163 = vector.shape_cast %swap3A_162 : vector<1x1x16xf32> to vector<16xf32>
      %swap3A_164 = vector.shape_cast %broadcast_in_dim3A_157 : vector<16xf32> to vector<1x1x16xf32>
      tpu.vector_store %arg6[%swap3A_159, %swap3A_160, %swap3A_161], %swap3A_164 {strides = array<i32>} : memref<2x80x128xf32, #tpu.memory_space<vmem>>, vector<1x1x16xf32>,
      %broadcast_in_dim3A_165 = arith.constant 0.000000e+00 : f32
      %broadcast_in_dim3A_166 = vector.broadcast %broadcast_in_dim3A_165 : f32 to vector<16xf32>
      %swap3A_167 = arith.constant 0 : i32
      %swap3A_168 = arith.index_cast %swap3A_167 : i32 to index
      %swap3A_169 = arith.index_cast %scan3A_121 : i32 to index
      %swap3A_170 = arith.constant 80 : index
      %swap3A_171 = tpu.vector_load %arg6[%swap3A_168, %swap3A_169, %swap3A_170] {strides = array<i32>} : memref<2x80x128xf32, #tpu.memory_space<vmem>>, vector<1x1x16xf32>,
      %swap3A_172 = vector.shape_cast %swap3A_171 : vector<1x1x16xf32> to vector<16xf32>
      %swap3A_173 = vector.shape_cast %broadcast_in_dim3A_166 : vector<16xf32> to vector<1x1x16xf32>
      tpu.vector_store %arg6[%swap3A_168, %swap3A_169, %swap3A_170], %swap3A_173 {strides = array<i32>} : memref<2x80x128xf32, #tpu.memory_space<vmem>>, vector<1x1x16xf32>,
      %broadcast_in_dim3A_174 = arith.constant 0.000000e+00 : f32
      %broadcast_in_dim3A_175 = vector.broadcast %broadcast_in_dim3A_174 : f32 to vector<16xf32>
      %swap3A_176 = arith.constant 0 : i32
      %swap3A_177 = arith.index_cast %swap3A_176 : i32 to index
      %swap3A_178 = arith.index_cast %scan3A_121 : i32 to index
      %swap3A_179 = arith.constant 96 : index
      %swap3A_180 = tpu.vector_load %arg6[%swap3A_177, %swap3A_178, %swap3A_179] {strides = array<i32>} : memref<2x80x128xf32, #tpu.memory_space<vmem>>, vector<1x1x16xf32>,
      %swap3A_181 = vector.shape_cast %swap3A_180 : vector<1x1x16xf32> to vector<16xf32>
      %swap3A_182 = vector.shape_cast %broadcast_in_dim3A_175 : vector<16xf32> to vector<1x1x16xf32>
      tpu.vector_store %arg6[%swap3A_177, %swap3A_178, %swap3A_179], %swap3A_182 {strides = array<i32>} : memref<2x80x128xf32, #tpu.memory_space<vmem>>, vector<1x1x16xf32>,
      %broadcast_in_dim3A_183 = arith.constant 0.000000e+00 : f32
      %broadcast_in_dim3A_184 = vector.broadcast %broadcast_in_dim3A_183 : f32 to vector<16xf32>
      %swap3A_185 = arith.constant 0 : i32
      %swap3A_186 = arith.index_cast %swap3A_185 : i32 to index
      %swap3A_187 = arith.index_cast %scan3A_121 : i32 to index
      %swap3A_188 = arith.constant 112 : index
      %swap3A_189 = tpu.vector_load %arg6[%swap3A_186, %swap3A_187, %swap3A_188] {strides = array<i32>} : memref<2x80x128xf32, #tpu.memory_space<vmem>>, vector<1x1x16xf32>,
      %swap3A_190 = vector.shape_cast %swap3A_189 : vector<1x1x16xf32> to vector<16xf32>
      %swap3A_191 = vector.shape_cast %broadcast_in_dim3A_184 : vector<16xf32> to vector<1x1x16xf32>
      tpu.vector_store %arg6[%swap3A_186, %swap3A_187, %swap3A_188], %swap3A_191 {strides = array<i32>} : memref<2x80x128xf32, #tpu.memory_space<vmem>>, vector<1x1x16xf32>,
    }
    %scan3A_5 = arith.constant 80 : i32
    %mul3A_6 = arith.constant 640 : i32
    %mul3A_7 = arith.muli %arg1, %mul3A_6 : i32
    %add3A_8 = arith.constant 0 : i32
    %add3A_9 = arith.addi %mul3A_7, %add3A_8 : i32
    %run_scoped3A = arith.constant 0 : i32
    "tpu.region"() ({
      %run_scoped3A_121 = tpu.sem_alloc : memref<!tpu.dma_semaphore, #tpu.memory_space<semaphore_mem>>
      %dma_start3A_122 = arith.constant 0 : i32
      %dma_start3A_123 = arith.constant 0 : i32
      %dma_start3A_124 = tpu.memref_slice %arg6[%run_scoped3A, %dma_start3A_122, %dma_start3A_123] : memref<2x80x128xf32, #tpu.memory_space<vmem>> -> memref<1x80x128xf32, #tpu.memory_space<vmem>>
      %dma_start3A_125 = tpu.memref_squeeze %dma_start3A_124 : memref<1x80x128xf32, #tpu.memory_space<vmem>> -> memref<80x128xf32, #tpu.memory_space<vmem>>
      %dma_start3A_126 = arith.constant 0 : i32
      %dma_start3A_127 = tpu.memref_slice %arg7[%add3A_9, %dma_start3A_126] : memref<10240x128xf32, #tpu.memory_space<vmem_shared>> -> memref<80x128xf32, #tpu.memory_space<vmem_shared>>
      %dma_start3A_128 = arith.constant 0 : i32
      %dma_start3A_129 = tpu.memref_slice %arg7[%add3A_9, %dma_start3A_128] : memref<10240x128xf32, #tpu.memory_space<vmem_shared>> -> memref<80x128xf32, #tpu.memory_space<vmem_shared>>
      %dma_start3A_130 = arith.constant 0 : i32
      %dma_start3A_131 = arith.constant 0 : i32
      %dma_start3A_132 = tpu.memref_slice %arg6[%run_scoped3A, %dma_start3A_130, %dma_start3A_131] : memref<2x80x128xf32, #tpu.memory_space<vmem>> -> memref<1x80x128xf32, #tpu.memory_space<vmem>>
      %dma_start3A_133 = tpu.memref_squeeze %dma_start3A_132 : memref<1x80x128xf32, #tpu.memory_space<vmem>> -> memref<80x128xf32, #tpu.memory_space<vmem>>
      tpu.enqueue_dma source(%dma_start3A_133 : memref<80x128xf32, #tpu.memory_space<vmem>>) target(%dma_start3A_129 : memref<80x128xf32, #tpu.memory_space<vmem_shared>>) target_semaphore(%run_scoped3A_121 : memref<!tpu.dma_semaphore, #tpu.memory_space<semaphore_mem>>)
      %dma_wait3A_134 = arith.constant 0 : i32
      %dma_wait3A_135 = arith.constant 0 : i32
      %dma_wait3A_136 = tpu.memref_slice %arg6[%run_scoped3A, %dma_wait3A_134, %dma_wait3A_135] : memref<2x80x128xf32, #tpu.memory_space<vmem>> -> memref<1x80x128xf32, #tpu.memory_space<vmem>>
      %dma_wait3A_137 = tpu.memref_squeeze %dma_wait3A_136 : memref<1x80x128xf32, #tpu.memory_space<vmem>> -> memref<80x128xf32, #tpu.memory_space<vmem>>
      %dma_wait3A_138 = arith.constant 0 : i32
      %dma_wait3A_139 = tpu.memref_slice %arg7[%add3A_9, %dma_wait3A_138] : memref<10240x128xf32, #tpu.memory_space<vmem_shared>> -> memref<80x128xf32, #tpu.memory_space<vmem_shared>>
      %dma_wait3A_140 = arith.constant 0 : i32
      %dma_wait3A_141 = tpu.memref_slice %arg7[%add3A_9, %dma_wait3A_140] : memref<10240x128xf32, #tpu.memory_space<vmem_shared>> -> memref<80x128xf32, #tpu.memory_space<vmem_shared>>
      %dma_wait3A_142 = arith.constant 0 : i32
      %dma_wait3A_143 = arith.constant 0 : i32
      %dma_wait3A_144 = tpu.memref_slice %arg6[%run_scoped3A, %dma_wait3A_142, %dma_wait3A_143] : memref<2x80x128xf32, #tpu.memory_space<vmem>> -> memref<1x80x128xf32, #tpu.memory_space<vmem>>
      %dma_wait3A_145 = tpu.memref_squeeze %dma_wait3A_144 : memref<1x80x128xf32, #tpu.memory_space<vmem>> -> memref<80x128xf32, #tpu.memory_space<vmem>>
      tpu.wait_dma2 semaphore(%run_scoped3A_121 : memref<!tpu.dma_semaphore, #tpu.memory_space<semaphore_mem>>) src(%dma_wait3A_145 : memref<80x128xf32, #tpu.memory_space<vmem>>) dst(%dma_wait3A_141 : memref<80x128xf32, #tpu.memory_space<vmem_shared>>)
      tpu.yield
    }) : () -> ()
    %mul3A_10 = arith.constant 640 : i32
    %mul3A_11 = arith.muli %arg1, %mul3A_10 : i32
    %add3A_12 = arith.constant 80 : i32
    %add3A_13 = arith.addi %mul3A_11, %add3A_12 : i32
    %run_scoped3A_14 = arith.constant 0 : i32
    "tpu.region"() ({
      %run_scoped3A_121 = tpu.sem_alloc : memref<!tpu.dma_semaphore, #tpu.memory_space<semaphore_mem>>
      %dma_start3A_122 = arith.constant 0 : i32
      %dma_start3A_123 = arith.constant 0 : i32
      %dma_start3A_124 = tpu.memref_slice %arg6[%run_scoped3A_14, %dma_start3A_122, %dma_start3A_123] : memref<2x80x128xf32, #tpu.memory_space<vmem>> -> memref<1x80x128xf32, #tpu.memory_space<vmem>>
      %dma_start3A_125 = tpu.memref_squeeze %dma_start3A_124 : memref<1x80x128xf32, #tpu.memory_space<vmem>> -> memref<80x128xf32, #tpu.memory_space<vmem>>
      %dma_start3A_126 = arith.constant 0 : i32
      %dma_start3A_127 = tpu.memref_slice %arg7[%add3A_13, %dma_start3A_126] : memref<10240x128xf32, #tpu.memory_space<vmem_shared>> -> memref<80x128xf32, #tpu.memory_space<vmem_shared>>
      %dma_start3A_128 = arith.constant 0 : i32
      %dma_start3A_129 = tpu.memref_slice %arg7[%add3A_13, %dma_start3A_128] : memref<10240x128xf32, #tpu.memory_space<vmem_shared>> -> memref<80x128xf32, #tpu.memory_space<vmem_shared>>
      %dma_start3A_130 = arith.constant 0 : i32
      %dma_start3A_131 = arith.constant 0 : i32
      %dma_start3A_132 = tpu.memref_slice %arg6[%run_scoped3A_14, %dma_start3A_130, %dma_start3A_131] : memref<2x80x128xf32, #tpu.memory_space<vmem>> -> memref<1x80x128xf32, #tpu.memory_space<vmem>>
      %dma_start3A_133 = tpu.memref_squeeze %dma_start3A_132 : memref<1x80x128xf32, #tpu.memory_space<vmem>> -> memref<80x128xf32, #tpu.memory_space<vmem>>
      tpu.enqueue_dma source(%dma_start3A_133 : memref<80x128xf32, #tpu.memory_space<vmem>>) target(%dma_start3A_129 : memref<80x128xf32, #tpu.memory_space<vmem_shared>>) target_semaphore(%run_scoped3A_121 : memref<!tpu.dma_semaphore, #tpu.memory_space<semaphore_mem>>)
      %dma_wait3A_134 = arith.constant 0 : i32
      %dma_wait3A_135 = arith.constant 0 : i32
      %dma_wait3A_136 = tpu.memref_slice %arg6[%run_scoped3A_14, %dma_wait3A_134, %dma_wait3A_135] : memref<2x80x128xf32, #tpu.memory_space<vmem>> -> memref<1x80x128xf32, #tpu.memory_space<vmem>>
      %dma_wait3A_137 = tpu.memref_squeeze %dma_wait3A_136 : memref<1x80x128xf32, #tpu.memory_space<vmem>> -> memref<80x128xf32, #tpu.memory_space<vmem>>
      %dma_wait3A_138 = arith.constant 0 : i32
      %dma_wait3A_139 = tpu.memref_slice %arg7[%add3A_13, %dma_wait3A_138] : memref<10240x128xf32, #tpu.memory_space<vmem_shared>> -> memref<80x128xf32, #tpu.memory_space<vmem_shared>>
      %dma_wait3A_140 = arith.constant 0 : i32
      %dma_wait3A_141 = tpu.memref_slice %arg7[%add3A_13, %dma_wait3A_140] : memref<10240x128xf32, #tpu.memory_space<vmem_shared>> -> memref<80x128xf32, #tpu.memory_space<vmem_shared>>
      %dma_wait3A_142 = arith.constant 0 : i32
      %dma_wait3A_143 = arith.constant 0 : i32
      %dma_wait3A_144 = tpu.memref_slice %arg6[%run_scoped3A_14, %dma_wait3A_142, %dma_wait3A_143] : memref<2x80x128xf32, #tpu.memory_space<vmem>> -> memref<1x80x128xf32, #tpu.memory_space<vmem>>
      %dma_wait3A_145 = tpu.memref_squeeze %dma_wait3A_144 : memref<1x80x128xf32, #tpu.memory_space<vmem>> -> memref<80x128xf32, #tpu.memory_space<vmem>>
      tpu.wait_dma2 semaphore(%run_scoped3A_121 : memref<!tpu.dma_semaphore, #tpu.memory_space<semaphore_mem>>) src(%dma_wait3A_145 : memref<80x128xf32, #tpu.memory_space<vmem>>) dst(%dma_wait3A_141 : memref<80x128xf32, #tpu.memory_space<vmem_shared>>)
      tpu.yield
    }) : () -> ()
    %mul3A_15 = arith.constant 640 : i32
    %mul3A_16 = arith.muli %arg1, %mul3A_15 : i32
    %add3A_17 = arith.constant 160 : i32
    %add3A_18 = arith.addi %mul3A_16, %add3A_17 : i32
    %run_scoped3A_19 = arith.constant 0 : i32
    "tpu.region"() ({
      %run_scoped3A_121 = tpu.sem_alloc : memref<!tpu.dma_semaphore, #tpu.memory_space<semaphore_mem>>
      %dma_start3A_122 = arith.constant 0 : i32
      %dma_start3A_123 = arith.constant 0 : i32
      %dma_start3A_124 = tpu.memref_slice %arg6[%run_scoped3A_19, %dma_start3A_122, %dma_start3A_123] : memref<2x80x128xf32, #tpu.memory_space<vmem>> -> memref<1x80x128xf32, #tpu.memory_space<vmem>>
      %dma_start3A_125 = tpu.memref_squeeze %dma_start3A_124 : memref<1x80x128xf32, #tpu.memory_space<vmem>> -> memref<80x128xf32, #tpu.memory_space<vmem>>
      %dma_start3A_126 = arith.constant 0 : i32
      %dma_start3A_127 = tpu.memref_slice %arg7[%add3A_18, %dma_start3A_126] : memref<10240x128xf32, #tpu.memory_space<vmem_shared>> -> memref<80x128xf32, #tpu.memory_space<vmem_shared>>
      %dma_start3A_128 = arith.constant 0 : i32
      %dma_start3A_129 = tpu.memref_slice %arg7[%add3A_18, %dma_start3A_128] : memref<10240x128xf32, #tpu.memory_space<vmem_shared>> -> memref<80x128xf32, #tpu.memory_space<vmem_shared>>
      %dma_start3A_130 = arith.constant 0 : i32
      %dma_start3A_131 = arith.constant 0 : i32
      %dma_start3A_132 = tpu.memref_slice %arg6[%run_scoped3A_19, %dma_start3A_130, %dma_start3A_131] : memref<2x80x128xf32, #tpu.memory_space<vmem>> -> memref<1x80x128xf32, #tpu.memory_space<vmem>>
      %dma_start3A_133 = tpu.memref_squeeze %dma_start3A_132 : memref<1x80x128xf32, #tpu.memory_space<vmem>> -> memref<80x128xf32, #tpu.memory_space<vmem>>
      tpu.enqueue_dma source(%dma_start3A_133 : memref<80x128xf32, #tpu.memory_space<vmem>>) target(%dma_start3A_129 : memref<80x128xf32, #tpu.memory_space<vmem_shared>>) target_semaphore(%run_scoped3A_121 : memref<!tpu.dma_semaphore, #tpu.memory_space<semaphore_mem>>)
      %dma_wait3A_134 = arith.constant 0 : i32
      %dma_wait3A_135 = arith.constant 0 : i32
      %dma_wait3A_136 = tpu.memref_slice %arg6[%run_scoped3A_19, %dma_wait3A_134, %dma_wait3A_135] : memref<2x80x128xf32, #tpu.memory_space<vmem>> -> memref<1x80x128xf32, #tpu.memory_space<vmem>>
      %dma_wait3A_137 = tpu.memref_squeeze %dma_wait3A_136 : memref<1x80x128xf32, #tpu.memory_space<vmem>> -> memref<80x128xf32, #tpu.memory_space<vmem>>
      %dma_wait3A_138 = arith.constant 0 : i32
      %dma_wait3A_139 = tpu.memref_slice %arg7[%add3A_18, %dma_wait3A_138] : memref<10240x128xf32, #tpu.memory_space<vmem_shared>> -> memref<80x128xf32, #tpu.memory_space<vmem_shared>>
      %dma_wait3A_140 = arith.constant 0 : i32
      %dma_wait3A_141 = tpu.memref_slice %arg7[%add3A_18, %dma_wait3A_140] : memref<10240x128xf32, #tpu.memory_space<vmem_shared>> -> memref<80x128xf32, #tpu.memory_space<vmem_shared>>
      %dma_wait3A_142 = arith.constant 0 : i32
      %dma_wait3A_143 = arith.constant 0 : i32
      %dma_wait3A_144 = tpu.memref_slice %arg6[%run_scoped3A_19, %dma_wait3A_142, %dma_wait3A_143] : memref<2x80x128xf32, #tpu.memory_space<vmem>> -> memref<1x80x128xf32, #tpu.memory_space<vmem>>
      %dma_wait3A_145 = tpu.memref_squeeze %dma_wait3A_144 : memref<1x80x128xf32, #tpu.memory_space<vmem>> -> memref<80x128xf32, #tpu.memory_space<vmem>>
      tpu.wait_dma2 semaphore(%run_scoped3A_121 : memref<!tpu.dma_semaphore, #tpu.memory_space<semaphore_mem>>) src(%dma_wait3A_145 : memref<80x128xf32, #tpu.memory_space<vmem>>) dst(%dma_wait3A_141 : memref<80x128xf32, #tpu.memory_space<vmem_shared>>)
      tpu.yield
    }) : () -> ()
    %mul3A_20 = arith.constant 640 : i32
    %mul3A_21 = arith.muli %arg1, %mul3A_20 : i32
    %add3A_22 = arith.constant 240 : i32
    %add3A_23 = arith.addi %mul3A_21, %add3A_22 : i32
    %run_scoped3A_24 = arith.constant 0 : i32
    "tpu.region"() ({
      %run_scoped3A_121 = tpu.sem_alloc : memref<!tpu.dma_semaphore, #tpu.memory_space<semaphore_mem>>
      %dma_start3A_122 = arith.constant 0 : i32
      %dma_start3A_123 = arith.constant 0 : i32
      %dma_start3A_124 = tpu.memref_slice %arg6[%run_scoped3A_24, %dma_start3A_122, %dma_start3A_123] : memref<2x80x128xf32, #tpu.memory_space<vmem>> -> memref<1x80x128xf32, #tpu.memory_space<vmem>>
      %dma_start3A_125 = tpu.memref_squeeze %dma_start3A_124 : memref<1x80x128xf32, #tpu.memory_space<vmem>> -> memref<80x128xf32, #tpu.memory_space<vmem>>
      %dma_start3A_126 = arith.constant 0 : i32
      %dma_start3A_127 = tpu.memref_slice %arg7[%add3A_23, %dma_start3A_126] : memref<10240x128xf32, #tpu.memory_space<vmem_shared>> -> memref<80x128xf32, #tpu.memory_space<vmem_shared>>
      %dma_start3A_128 = arith.constant 0 : i32
      %dma_start3A_129 = tpu.memref_slice %arg7[%add3A_23, %dma_start3A_128] : memref<10240x128xf32, #tpu.memory_space<vmem_shared>> -> memref<80x128xf32, #tpu.memory_space<vmem_shared>>
      %dma_start3A_130 = arith.constant 0 : i32
      %dma_start3A_131 = arith.constant 0 : i32
      %dma_start3A_132 = tpu.memref_slice %arg6[%run_scoped3A_24, %dma_start3A_130, %dma_start3A_131] : memref<2x80x128xf32, #tpu.memory_space<vmem>> -> memref<1x80x128xf32, #tpu.memory_space<vmem>>
      %dma_start3A_133 = tpu.memref_squeeze %dma_start3A_132 : memref<1x80x128xf32, #tpu.memory_space<vmem>> -> memref<80x128xf32, #tpu.memory_space<vmem>>
      tpu.enqueue_dma source(%dma_start3A_133 : memref<80x128xf32, #tpu.memory_space<vmem>>) target(%dma_start3A_129 : memref<80x128xf32, #tpu.memory_space<vmem_shared>>) target_semaphore(%run_scoped3A_121 : memref<!tpu.dma_semaphore, #tpu.memory_space<semaphore_mem>>)
      %dma_wait3A_134 = arith.constant 0 : i32
      %dma_wait3A_135 = arith.constant 0 : i32
      %dma_wait3A_136 = tpu.memref_slice %arg6[%run_scoped3A_24, %dma_wait3A_134, %dma_wait3A_135] : memref<2x80x128xf32, #tpu.memory_space<vmem>> -> memref<1x80x128xf32, #tpu.memory_space<vmem>>
      %dma_wait3A_137 = tpu.memref_squeeze %dma_wait3A_136 : memref<1x80x128xf32, #tpu.memory_space<vmem>> -> memref<80x128xf32, #tpu.memory_space<vmem>>
      %dma_wait3A_138 = arith.constant 0 : i32
      %dma_wait3A_139 = tpu.memref_slice %arg7[%add3A_23, %dma_wait3A_138] : memref<10240x128xf32, #tpu.memory_space<vmem_shared>> -> memref<80x128xf32, #tpu.memory_space<vmem_shared>>
      %dma_wait3A_140 = arith.constant 0 : i32
      %dma_wait3A_141 = tpu.memref_slice %arg7[%add3A_23, %dma_wait3A_140] : memref<10240x128xf32, #tpu.memory_space<vmem_shared>> -> memref<80x128xf32, #tpu.memory_space<vmem_shared>>
      %dma_wait3A_142 = arith.constant 0 : i32
      %dma_wait3A_143 = arith.constant 0 : i32
      %dma_wait3A_144 = tpu.memref_slice %arg6[%run_scoped3A_24, %dma_wait3A_142, %dma_wait3A_143] : memref<2x80x128xf32, #tpu.memory_space<vmem>> -> memref<1x80x128xf32, #tpu.memory_space<vmem>>
      %dma_wait3A_145 = tpu.memref_squeeze %dma_wait3A_144 : memref<1x80x128xf32, #tpu.memory_space<vmem>> -> memref<80x128xf32, #tpu.memory_space<vmem>>
      tpu.wait_dma2 semaphore(%run_scoped3A_121 : memref<!tpu.dma_semaphore, #tpu.memory_space<semaphore_mem>>) src(%dma_wait3A_145 : memref<80x128xf32, #tpu.memory_space<vmem>>) dst(%dma_wait3A_141 : memref<80x128xf32, #tpu.memory_space<vmem_shared>>)
      tpu.yield
    }) : () -> ()
    %mul3A_25 = arith.constant 640 : i32
    %mul3A_26 = arith.muli %arg1, %mul3A_25 : i32
    %add3A_27 = arith.constant 320 : i32
    %add3A_28 = arith.addi %mul3A_26, %add3A_27 : i32
    %run_scoped3A_29 = arith.constant 0 : i32
    "tpu.region"() ({
      %run_scoped3A_121 = tpu.sem_alloc : memref<!tpu.dma_semaphore, #tpu.memory_space<semaphore_mem>>
      %dma_start3A_122 = arith.constant 0 : i32
      %dma_start3A_123 = arith.constant 0 : i32
      %dma_start3A_124 = tpu.memref_slice %arg6[%run_scoped3A_29, %dma_start3A_122, %dma_start3A_123] : memref<2x80x128xf32, #tpu.memory_space<vmem>> -> memref<1x80x128xf32, #tpu.memory_space<vmem>>
      %dma_start3A_125 = tpu.memref_squeeze %dma_start3A_124 : memref<1x80x128xf32, #tpu.memory_space<vmem>> -> memref<80x128xf32, #tpu.memory_space<vmem>>
      %dma_start3A_126 = arith.constant 0 : i32
      %dma_start3A_127 = tpu.memref_slice %arg7[%add3A_28, %dma_start3A_126] : memref<10240x128xf32, #tpu.memory_space<vmem_shared>> -> memref<80x128xf32, #tpu.memory_space<vmem_shared>>
      %dma_start3A_128 = arith.constant 0 : i32
      %dma_start3A_129 = tpu.memref_slice %arg7[%add3A_28, %dma_start3A_128] : memref<10240x128xf32, #tpu.memory_space<vmem_shared>> -> memref<80x128xf32, #tpu.memory_space<vmem_shared>>
      %dma_start3A_130 = arith.constant 0 : i32
      %dma_start3A_131 = arith.constant 0 : i32
      %dma_start3A_132 = tpu.memref_slice %arg6[%run_scoped3A_29, %dma_start3A_130, %dma_start3A_131] : memref<2x80x128xf32, #tpu.memory_space<vmem>> -> memref<1x80x128xf32, #tpu.memory_space<vmem>>
      %dma_start3A_133 = tpu.memref_squeeze %dma_start3A_132 : memref<1x80x128xf32, #tpu.memory_space<vmem>> -> memref<80x128xf32, #tpu.memory_space<vmem>>
      tpu.enqueue_dma source(%dma_start3A_133 : memref<80x128xf32, #tpu.memory_space<vmem>>) target(%dma_start3A_129 : memref<80x128xf32, #tpu.memory_space<vmem_shared>>) target_semaphore(%run_scoped3A_121 : memref<!tpu.dma_semaphore, #tpu.memory_space<semaphore_mem>>)
      %dma_wait3A_134 = arith.constant 0 : i32
      %dma_wait3A_135 = arith.constant 0 : i32
      %dma_wait3A_136 = tpu.memref_slice %arg6[%run_scoped3A_29, %dma_wait3A_134, %dma_wait3A_135] : memref<2x80x128xf32, #tpu.memory_space<vmem>> -> memref<1x80x128xf32, #tpu.memory_space<vmem>>
      %dma_wait3A_137 = tpu.memref_squeeze %dma_wait3A_136 : memref<1x80x128xf32, #tpu.memory_space<vmem>> -> memref<80x128xf32, #tpu.memory_space<vmem>>
      %dma_wait3A_138 = arith.constant 0 : i32
      %dma_wait3A_139 = tpu.memref_slice %arg7[%add3A_28, %dma_wait3A_138] : memref<10240x128xf32, #tpu.memory_space<vmem_shared>> -> memref<80x128xf32, #tpu.memory_space<vmem_shared>>
      %dma_wait3A_140 = arith.constant 0 : i32
      %dma_wait3A_141 = tpu.memref_slice %arg7[%add3A_28, %dma_wait3A_140] : memref<10240x128xf32, #tpu.memory_space<vmem_shared>> -> memref<80x128xf32, #tpu.memory_space<vmem_shared>>
      %dma_wait3A_142 = arith.constant 0 : i32
      %dma_wait3A_143 = arith.constant 0 : i32
      %dma_wait3A_144 = tpu.memref_slice %arg6[%run_scoped3A_29, %dma_wait3A_142, %dma_wait3A_143] : memref<2x80x128xf32, #tpu.memory_space<vmem>> -> memref<1x80x128xf32, #tpu.memory_space<vmem>>
      %dma_wait3A_145 = tpu.memref_squeeze %dma_wait3A_144 : memref<1x80x128xf32, #tpu.memory_space<vmem>> -> memref<80x128xf32, #tpu.memory_space<vmem>>
      tpu.wait_dma2 semaphore(%run_scoped3A_121 : memref<!tpu.dma_semaphore, #tpu.memory_space<semaphore_mem>>) src(%dma_wait3A_145 : memref<80x128xf32, #tpu.memory_space<vmem>>) dst(%dma_wait3A_141 : memref<80x128xf32, #tpu.memory_space<vmem_shared>>)
      tpu.yield
    }) : () -> ()
    %mul3A_30 = arith.constant 640 : i32
    %mul3A_31 = arith.muli %arg1, %mul3A_30 : i32
    %add3A_32 = arith.constant 400 : i32
    %add3A_33 = arith.addi %mul3A_31, %add3A_32 : i32
    %run_scoped3A_34 = arith.constant 0 : i32
    "tpu.region"() ({
      %run_scoped3A_121 = tpu.sem_alloc : memref<!tpu.dma_semaphore, #tpu.memory_space<semaphore_mem>>
      %dma_start3A_122 = arith.constant 0 : i32
      %dma_start3A_123 = arith.constant 0 : i32
      %dma_start3A_124 = tpu.memref_slice %arg6[%run_scoped3A_34, %dma_start3A_122, %dma_start3A_123] : memref<2x80x128xf32, #tpu.memory_space<vmem>> -> memref<1x80x128xf32, #tpu.memory_space<vmem>>
      %dma_start3A_125 = tpu.memref_squeeze %dma_start3A_124 : memref<1x80x128xf32, #tpu.memory_space<vmem>> -> memref<80x128xf32, #tpu.memory_space<vmem>>
      %dma_start3A_126 = arith.constant 0 : i32
      %dma_start3A_127 = tpu.memref_slice %arg7[%add3A_33, %dma_start3A_126] : memref<10240x128xf32, #tpu.memory_space<vmem_shared>> -> memref<80x128xf32, #tpu.memory_space<vmem_shared>>
      %dma_start3A_128 = arith.constant 0 : i32
      %dma_start3A_129 = tpu.memref_slice %arg7[%add3A_33, %dma_start3A_128] : memref<10240x128xf32, #tpu.memory_space<vmem_shared>> -> memref<80x128xf32, #tpu.memory_space<vmem_shared>>
      %dma_start3A_130 = arith.constant 0 : i32
      %dma_start3A_131 = arith.constant 0 : i32
      %dma_start3A_132 = tpu.memref_slice %arg6[%run_scoped3A_34, %dma_start3A_130, %dma_start3A_131] : memref<2x80x128xf32, #tpu.memory_space<vmem>> -> memref<1x80x128xf32, #tpu.memory_space<vmem>>
      %dma_start3A_133 = tpu.memref_squeeze %dma_start3A_132 : memref<1x80x128xf32, #tpu.memory_space<vmem>> -> memref<80x128xf32, #tpu.memory_space<vmem>>
      tpu.enqueue_dma source(%dma_start3A_133 : memref<80x128xf32, #tpu.memory_space<vmem>>) target(%dma_start3A_129 : memref<80x128xf32, #tpu.memory_space<vmem_shared>>) target_semaphore(%run_scoped3A_121 : memref<!tpu.dma_semaphore, #tpu.memory_space<semaphore_mem>>)
      %dma_wait3A_134 = arith.constant 0 : i32
      %dma_wait3A_135 = arith.constant 0 : i32
      %dma_wait3A_136 = tpu.memref_slice %arg6[%run_scoped3A_34, %dma_wait3A_134, %dma_wait3A_135] : memref<2x80x128xf32, #tpu.memory_space<vmem>> -> memref<1x80x128xf32, #tpu.memory_space<vmem>>
      %dma_wait3A_137 = tpu.memref_squeeze %dma_wait3A_136 : memref<1x80x128xf32, #tpu.memory_space<vmem>> -> memref<80x128xf32, #tpu.memory_space<vmem>>
      %dma_wait3A_138 = arith.constant 0 : i32
      %dma_wait3A_139 = tpu.memref_slice %arg7[%add3A_33, %dma_wait3A_138] : memref<10240x128xf32, #tpu.memory_space<vmem_shared>> -> memref<80x128xf32, #tpu.memory_space<vmem_shared>>
      %dma_wait3A_140 = arith.constant 0 : i32
      %dma_wait3A_141 = tpu.memref_slice %arg7[%add3A_33, %dma_wait3A_140] : memref<10240x128xf32, #tpu.memory_space<vmem_shared>> -> memref<80x128xf32, #tpu.memory_space<vmem_shared>>
      %dma_wait3A_142 = arith.constant 0 : i32
      %dma_wait3A_143 = arith.constant 0 : i32
      %dma_wait3A_144 = tpu.memref_slice %arg6[%run_scoped3A_34, %dma_wait3A_142, %dma_wait3A_143] : memref<2x80x128xf32, #tpu.memory_space<vmem>> -> memref<1x80x128xf32, #tpu.memory_space<vmem>>
      %dma_wait3A_145 = tpu.memref_squeeze %dma_wait3A_144 : memref<1x80x128xf32, #tpu.memory_space<vmem>> -> memref<80x128xf32, #tpu.memory_space<vmem>>
      tpu.wait_dma2 semaphore(%run_scoped3A_121 : memref<!tpu.dma_semaphore, #tpu.memory_space<semaphore_mem>>) src(%dma_wait3A_145 : memref<80x128xf32, #tpu.memory_space<vmem>>) dst(%dma_wait3A_141 : memref<80x128xf32, #tpu.memory_space<vmem_shared>>)
      tpu.yield
    }) : () -> ()
    %mul3A_35 = arith.constant 640 : i32
    %mul3A_36 = arith.muli %arg1, %mul3A_35 : i32
    %add3A_37 = arith.constant 480 : i32
    %add3A_38 = arith.addi %mul3A_36, %add3A_37 : i32
    %run_scoped3A_39 = arith.constant 0 : i32
    "tpu.region"() ({
      %run_scoped3A_121 = tpu.sem_alloc : memref<!tpu.dma_semaphore, #tpu.memory_space<semaphore_mem>>
      %dma_start3A_122 = arith.constant 0 : i32
      %dma_start3A_123 = arith.constant 0 : i32
      %dma_start3A_124 = tpu.memref_slice %arg6[%run_scoped3A_39, %dma_start3A_122, %dma_start3A_123] : memref<2x80x128xf32, #tpu.memory_space<vmem>> -> memref<1x80x128xf32, #tpu.memory_space<vmem>>
      %dma_start3A_125 = tpu.memref_squeeze %dma_start3A_124 : memref<1x80x128xf32, #tpu.memory_space<vmem>> -> memref<80x128xf32, #tpu.memory_space<vmem>>
      %dma_start3A_126 = arith.constant 0 : i32
      %dma_start3A_127 = tpu.memref_slice %arg7[%add3A_38, %dma_start3A_126] : memref<10240x128xf32, #tpu.memory_space<vmem_shared>> -> memref<80x128xf32, #tpu.memory_space<vmem_shared>>
      %dma_start3A_128 = arith.constant 0 : i32
      %dma_start3A_129 = tpu.memref_slice %arg7[%add3A_38, %dma_start3A_128] : memref<10240x128xf32, #tpu.memory_space<vmem_shared>> -> memref<80x128xf32, #tpu.memory_space<vmem_shared>>
      %dma_start3A_130 = arith.constant 0 : i32
      %dma_start3A_131 = arith.constant 0 : i32
      %dma_start3A_132 = tpu.memref_slice %arg6[%run_scoped3A_39, %dma_start3A_130, %dma_start3A_131] : memref<2x80x128xf32, #tpu.memory_space<vmem>> -> memref<1x80x128xf32, #tpu.memory_space<vmem>>
      %dma_start3A_133 = tpu.memref_squeeze %dma_start3A_132 : memref<1x80x128xf32, #tpu.memory_space<vmem>> -> memref<80x128xf32, #tpu.memory_space<vmem>>
      tpu.enqueue_dma source(%dma_start3A_133 : memref<80x128xf32, #tpu.memory_space<vmem>>) target(%dma_start3A_129 : memref<80x128xf32, #tpu.memory_space<vmem_shared>>) target_semaphore(%run_scoped3A_121 : memref<!tpu.dma_semaphore, #tpu.memory_space<semaphore_mem>>)
      %dma_wait3A_134 = arith.constant 0 : i32
      %dma_wait3A_135 = arith.constant 0 : i32
      %dma_wait3A_136 = tpu.memref_slice %arg6[%run_scoped3A_39, %dma_wait3A_134, %dma_wait3A_135] : memref<2x80x128xf32, #tpu.memory_space<vmem>> -> memref<1x80x128xf32, #tpu.memory_space<vmem>>
      %dma_wait3A_137 = tpu.memref_squeeze %dma_wait3A_136 : memref<1x80x128xf32, #tpu.memory_space<vmem>> -> memref<80x128xf32, #tpu.memory_space<vmem>>
      %dma_wait3A_138 = arith.constant 0 : i32
      %dma_wait3A_139 = tpu.memref_slice %arg7[%add3A_38, %dma_wait3A_138] : memref<10240x128xf32, #tpu.memory_space<vmem_shared>> -> memref<80x128xf32, #tpu.memory_space<vmem_shared>>
      %dma_wait3A_140 = arith.constant 0 : i32
      %dma_wait3A_141 = tpu.memref_slice %arg7[%add3A_38, %dma_wait3A_140] : memref<10240x128xf32, #tpu.memory_space<vmem_shared>> -> memref<80x128xf32, #tpu.memory_space<vmem_shared>>
      %dma_wait3A_142 = arith.constant 0 : i32
      %dma_wait3A_143 = arith.constant 0 : i32
      %dma_wait3A_144 = tpu.memref_slice %arg6[%run_scoped3A_39, %dma_wait3A_142, %dma_wait3A_143] : memref<2x80x128xf32, #tpu.memory_space<vmem>> -> memref<1x80x128xf32, #tpu.memory_space<vmem>>
      %dma_wait3A_145 = tpu.memref_squeeze %dma_wait3A_144 : memref<1x80x128xf32, #tpu.memory_space<vmem>> -> memref<80x128xf32, #tpu.memory_space<vmem>>
      tpu.wait_dma2 semaphore(%run_scoped3A_121 : memref<!tpu.dma_semaphore, #tpu.memory_space<semaphore_mem>>) src(%dma_wait3A_145 : memref<80x128xf32, #tpu.memory_space<vmem>>) dst(%dma_wait3A_141 : memref<80x128xf32, #tpu.memory_space<vmem_shared>>)
      tpu.yield
    }) : () -> ()
    %mul3A_40 = arith.constant 640 : i32
    %mul3A_41 = arith.muli %arg1, %mul3A_40 : i32
    %add3A_42 = arith.constant 560 : i32
    %add3A_43 = arith.addi %mul3A_41, %add3A_42 : i32
    %run_scoped3A_44 = arith.constant 0 : i32
    "tpu.region"() ({
      %run_scoped3A_121 = tpu.sem_alloc : memref<!tpu.dma_semaphore, #tpu.memory_space<semaphore_mem>>
      %dma_start3A_122 = arith.constant 0 : i32
      %dma_start3A_123 = arith.constant 0 : i32
      %dma_start3A_124 = tpu.memref_slice %arg6[%run_scoped3A_44, %dma_start3A_122, %dma_start3A_123] : memref<2x80x128xf32, #tpu.memory_space<vmem>> -> memref<1x80x128xf32, #tpu.memory_space<vmem>>
      %dma_start3A_125 = tpu.memref_squeeze %dma_start3A_124 : memref<1x80x128xf32, #tpu.memory_space<vmem>> -> memref<80x128xf32, #tpu.memory_space<vmem>>
      %dma_start3A_126 = arith.constant 0 : i32
      %dma_start3A_127 = tpu.memref_slice %arg7[%add3A_43, %dma_start3A_126] : memref<10240x128xf32, #tpu.memory_space<vmem_shared>> -> memref<80x128xf32, #tpu.memory_space<vmem_shared>>
      %dma_start3A_128 = arith.constant 0 : i32
      %dma_start3A_129 = tpu.memref_slice %arg7[%add3A_43, %dma_start3A_128] : memref<10240x128xf32, #tpu.memory_space<vmem_shared>> -> memref<80x128xf32, #tpu.memory_space<vmem_shared>>
      %dma_start3A_130 = arith.constant 0 : i32
      %dma_start3A_131 = arith.constant 0 : i32
      %dma_start3A_132 = tpu.memref_slice %arg6[%run_scoped3A_44, %dma_start3A_130, %dma_start3A_131] : memref<2x80x128xf32, #tpu.memory_space<vmem>> -> memref<1x80x128xf32, #tpu.memory_space<vmem>>
      %dma_start3A_133 = tpu.memref_squeeze %dma_start3A_132 : memref<1x80x128xf32, #tpu.memory_space<vmem>> -> memref<80x128xf32, #tpu.memory_space<vmem>>
      tpu.enqueue_dma source(%dma_start3A_133 : memref<80x128xf32, #tpu.memory_space<vmem>>) target(%dma_start3A_129 : memref<80x128xf32, #tpu.memory_space<vmem_shared>>) target_semaphore(%run_scoped3A_121 : memref<!tpu.dma_semaphore, #tpu.memory_space<semaphore_mem>>)
      %dma_wait3A_134 = arith.constant 0 : i32
      %dma_wait3A_135 = arith.constant 0 : i32
      %dma_wait3A_136 = tpu.memref_slice %arg6[%run_scoped3A_44, %dma_wait3A_134, %dma_wait3A_135] : memref<2x80x128xf32, #tpu.memory_space<vmem>> -> memref<1x80x128xf32, #tpu.memory_space<vmem>>
      %dma_wait3A_137 = tpu.memref_squeeze %dma_wait3A_136 : memref<1x80x128xf32, #tpu.memory_space<vmem>> -> memref<80x128xf32, #tpu.memory_space<vmem>>
      %dma_wait3A_138 = arith.constant 0 : i32
      %dma_wait3A_139 = tpu.memref_slice %arg7[%add3A_43, %dma_wait3A_138] : memref<10240x128xf32, #tpu.memory_space<vmem_shared>> -> memref<80x128xf32, #tpu.memory_space<vmem_shared>>
      %dma_wait3A_140 = arith.constant 0 : i32
      %dma_wait3A_141 = tpu.memref_slice %arg7[%add3A_43, %dma_wait3A_140] : memref<10240x128xf32, #tpu.memory_space<vmem_shared>> -> memref<80x128xf32, #tpu.memory_space<vmem_shared>>
      %dma_wait3A_142 = arith.constant 0 : i32
      %dma_wait3A_143 = arith.constant 0 : i32
      %dma_wait3A_144 = tpu.memref_slice %arg6[%run_scoped3A_44, %dma_wait3A_142, %dma_wait3A_143] : memref<2x80x128xf32, #tpu.memory_space<vmem>> -> memref<1x80x128xf32, #tpu.memory_space<vmem>>
      %dma_wait3A_145 = tpu.memref_squeeze %dma_wait3A_144 : memref<1x80x128xf32, #tpu.memory_space<vmem>> -> memref<80x128xf32, #tpu.memory_space<vmem>>
      tpu.wait_dma2 semaphore(%run_scoped3A_121 : memref<!tpu.dma_semaphore, #tpu.memory_space<semaphore_mem>>) src(%dma_wait3A_145 : memref<80x128xf32, #tpu.memory_space<vmem>>) dst(%dma_wait3A_141 : memref<80x128xf32, #tpu.memory_space<vmem_shared>>)
      tpu.yield
    }) : () -> ()
    %barrier3A = arith.constant 0 : index
    tpu.barrier barrier_id(%barrier3A)
    %dma_start3A = arith.constant 0 : i32
    %dma_start3A_45 = arith.constant 0 : i32
    %dma_start3A_46 = arith.constant 0 : i32
    %dma_start3A_47 = arith.constant 0 : i32
    %dma_start3A_48 = tpu.memref_slice %arg5[%dma_start3A_45, %dma_start3A_46, %dma_start3A_47] : memref<2x2x80xi32, #tpu.memory_space<vmem>> -> memref<1x2x80xi32, #tpu.memory_space<vmem>>
    %dma_start3A_49 = tpu.memref_squeeze %dma_start3A_48 : memref<1x2x80xi32, #tpu.memory_space<vmem>> -> memref<2x80xi32, #tpu.memory_space<vmem>>
    %dma_start3A_50 = arith.constant 0 : i32
    %dma_start3A_51 = arith.constant 0 : i32
    %dma_start3A_52 = tpu.memref_slice %arg3[%add3A, %dma_start3A, %dma_start3A_50, %dma_start3A_51] : memref<32x125x2x80xi32, #tpu.memory_space<hbm>> -> memref<1x1x2x80xi32, #tpu.memory_space<hbm>>
    %dma_start3A_53 = tpu.memref_squeeze %dma_start3A_52 : memref<1x1x2x80xi32, #tpu.memory_space<hbm>> -> memref<2x80xi32, #tpu.memory_space<hbm>>
    %dma_start3A_54 = arith.constant 0 : i32
    %dma_start3A_55 = arith.constant 0 : i32
    %dma_start3A_56 = tpu.memref_slice %arg5[%dma_start3A_45, %dma_start3A_54, %dma_start3A_55] : memref<2x2x80xi32, #tpu.memory_space<vmem>> -> memref<1x2x80xi32, #tpu.memory_space<vmem>>
    %dma_start3A_57 = tpu.memref_squeeze %dma_start3A_56 : memref<1x2x80xi32, #tpu.memory_space<vmem>> -> memref<2x80xi32, #tpu.memory_space<vmem>>
    %dma_start3A_58 = arith.constant 0 : i32
    %dma_start3A_59 = arith.constant 0 : i32
    %dma_start3A_60 = tpu.memref_slice %arg3[%add3A, %dma_start3A, %dma_start3A_58, %dma_start3A_59] : memref<32x125x2x80xi32, #tpu.memory_space<hbm>> -> memref<1x1x2x80xi32, #tpu.memory_space<hbm>>
    %dma_start3A_61 = tpu.memref_squeeze %dma_start3A_60 : memref<1x1x2x80xi32, #tpu.memory_space<hbm>> -> memref<2x80xi32, #tpu.memory_space<hbm>>
    tpu.enqueue_dma source(%dma_start3A_61 : memref<2x80xi32, #tpu.memory_space<hbm>>) target(%dma_start3A_57 : memref<2x80xi32, #tpu.memory_space<vmem>>) target_semaphore(%arg8 : memref<!tpu.dma_semaphore, #tpu.memory_space<semaphore_mem>>)
    %dma_wait3A = arith.constant 0 : i32
    %dma_wait3A_62 = arith.constant 0 : i32
    %dma_wait3A_63 = arith.constant 0 : i32
    %dma_wait3A_64 = arith.constant 0 : i32
    %dma_wait3A_65 = tpu.memref_slice %arg5[%dma_wait3A_62, %dma_wait3A_63, %dma_wait3A_64] : memref<2x2x80xi32, #tpu.memory_space<vmem>> -> memref<1x2x80xi32, #tpu.memory_space<vmem>>
    %dma_wait3A_66 = tpu.memref_squeeze %dma_wait3A_65 : memref<1x2x80xi32, #tpu.memory_space<vmem>> -> memref<2x80xi32, #tpu.memory_space<vmem>>
    %dma_wait3A_67 = arith.constant 0 : i32
    %dma_wait3A_68 = arith.constant 0 : i32
    %dma_wait3A_69 = tpu.memref_slice %arg3[%add3A, %dma_wait3A, %dma_wait3A_67, %dma_wait3A_68] : memref<32x125x2x80xi32, #tpu.memory_space<hbm>> -> memref<1x1x2x80xi32, #tpu.memory_space<hbm>>
    %dma_wait3A_70 = tpu.memref_squeeze %dma_wait3A_69 : memref<1x1x2x80xi32, #tpu.memory_space<hbm>> -> memref<2x80xi32, #tpu.memory_space<hbm>>
    %dma_wait3A_71 = arith.constant 0 : i32
    %dma_wait3A_72 = arith.constant 0 : i32
    %dma_wait3A_73 = tpu.memref_slice %arg5[%dma_wait3A_62, %dma_wait3A_71, %dma_wait3A_72] : memref<2x2x80xi32, #tpu.memory_space<vmem>> -> memref<1x2x80xi32, #tpu.memory_space<vmem>>
    %dma_wait3A_74 = tpu.memref_squeeze %dma_wait3A_73 : memref<1x2x80xi32, #tpu.memory_space<vmem>> -> memref<2x80xi32, #tpu.memory_space<vmem>>
    %dma_wait3A_75 = arith.constant 0 : i32
    %dma_wait3A_76 = arith.constant 0 : i32
    %dma_wait3A_77 = tpu.memref_slice %arg3[%add3A, %dma_wait3A, %dma_wait3A_75, %dma_wait3A_76] : memref<32x125x2x80xi32, #tpu.memory_space<hbm>> -> memref<1x1x2x80xi32, #tpu.memory_space<hbm>>
    %dma_wait3A_78 = tpu.memref_squeeze %dma_wait3A_77 : memref<1x1x2x80xi32, #tpu.memory_space<hbm>> -> memref<2x80xi32, #tpu.memory_space<hbm>>
    tpu.wait_dma2 semaphore(%arg8 : memref<!tpu.dma_semaphore, #tpu.memory_space<semaphore_mem>>) src(%dma_wait3A_78 : memref<2x80xi32, #tpu.memory_space<hbm>>) dst(%dma_wait3A_74 : memref<2x80xi32, #tpu.memory_space<vmem>>)
    %dma_start3A_79 = arith.constant 1 : i32
    %dma_start3A_80 = arith.constant 1 : i32
    %dma_start3A_81 = arith.constant 0 : i32
    %dma_start3A_82 = arith.constant 0 : i32
    %dma_start3A_83 = tpu.memref_slice %arg5[%dma_start3A_80, %dma_start3A_81, %dma_start3A_82] : memref<2x2x80xi32, #tpu.memory_space<vmem>> -> memref<1x2x80xi32, #tpu.memory_space<vmem>>
    %dma_start3A_84 = tpu.memref_squeeze %dma_start3A_83 : memref<1x2x80xi32, #tpu.memory_space<vmem>> -> memref<2x80xi32, #tpu.memory_space<vmem>>
    %dma_start3A_85 = arith.constant 0 : i32
    %dma_start3A_86 = arith.constant 0 : i32
    %dma_start3A_87 = tpu.memref_slice %arg3[%add3A, %dma_start3A_79, %dma_start3A_85, %dma_start3A_86] : memref<32x125x2x80xi32, #tpu.memory_space<hbm>> -> memref<1x1x2x80xi32, #tpu.memory_space<hbm>>
    %dma_start3A_88 = tpu.memref_squeeze %dma_start3A_87 : memref<1x1x2x80xi32, #tpu.memory_space<hbm>> -> memref<2x80xi32, #tpu.memory_space<hbm>>
    %dma_start3A_89 = arith.constant 0 : i32
    %dma_start3A_90 = arith.constant 0 : i32
    %dma_start3A_91 = tpu.memref_slice %arg5[%dma_start3A_80, %dma_start3A_89, %dma_start3A_90] : memref<2x2x80xi32, #tpu.memory_space<vmem>> -> memref<1x2x80xi32, #tpu.memory_space<vmem>>
    %dma_start3A_92 = tpu.memref_squeeze %dma_start3A_91 : memref<1x2x80xi32, #tpu.memory_space<vmem>> -> memref<2x80xi32, #tpu.memory_space<vmem>>
    %dma_start3A_93 = arith.constant 0 : i32
    %dma_start3A_94 = arith.constant 0 : i32
    %dma_start3A_95 = tpu.memref_slice %arg3[%add3A, %dma_start3A_79, %dma_start3A_93, %dma_start3A_94] : memref<32x125x2x80xi32, #tpu.memory_space<hbm>> -> memref<1x1x2x80xi32, #tpu.memory_space<hbm>>
    %dma_start3A_96 = tpu.memref_squeeze %dma_start3A_95 : memref<1x1x2x80xi32, #tpu.memory_space<hbm>> -> memref<2x80xi32, #tpu.memory_space<hbm>>
    tpu.enqueue_dma source(%dma_start3A_96 : memref<2x80xi32, #tpu.memory_space<hbm>>) target(%dma_start3A_92 : memref<2x80xi32, #tpu.memory_space<vmem>>) target_semaphore(%arg8 : memref<!tpu.dma_semaphore, #tpu.memory_space<semaphore_mem>>)
    %dma_start3A_97 = arith.constant 0 : i32
    %dma_start3A_98 = arith.constant 0 : i32
    %dma_start3A_99 = arith.constant 0 : i32
    %dma_start3A_100 = arith.constant 0 : i32
    %dma_start3A_101 = arith.constant 0 : i32
    %dma_start3A_102 = tpu.memref_slice %arg6[%dma_start3A_99, %dma_start3A_100, %dma_start3A_101] : memref<2x80x128xf32, #tpu.memory_space<vmem>> -> memref<1x80x128xf32, #tpu.memory_space<vmem>>
    %dma_start3A_103 = tpu.memref_squeeze %dma_start3A_102 : memref<1x80x128xf32, #tpu.memory_space<vmem>> -> memref<80x128xf32, #tpu.memory_space<vmem>>
    %dma_start3A_104 = arith.constant 0 : i32
    %dma_start3A_105 = tpu.memref_slice %arg5[%dma_start3A_97, %dma_start3A_98, %dma_start3A_104] : memref<2x2x80xi32, #tpu.memory_space<vmem>> -> memref<1x1x80xi32, #tpu.memory_space<vmem>>
    %dma_start3A_106 = tpu.memref_squeeze %dma_start3A_105 : memref<1x1x80xi32, #tpu.memory_space<vmem>> -> memref<80xi32, #tpu.memory_space<vmem>>
    %dma_start3A_107 = arith.constant 0 : i32
    %dma_start3A_108 = arith.constant 0 : i32
    %dma_start3A_109 = tpu.memref_slice %arg2[%dma_start3A_107, %dma_start3A_108] : memref<10240x128xf32, #tpu.memory_space<hbm>> -> memref<10240x128xf32, #tpu.memory_space<hbm>>
    tpu.enqueue_indirect_dma source(%dma_start3A_109 : memref<10240x128xf32, #tpu.memory_space<hbm>>) target(%dma_start3A_103 : memref<80x128xf32, #tpu.memory_space<vmem>>) offsets(%dma_start3A_106 : memref<80xi32, #tpu.memory_space<vmem>>) semaphore(%arg9 : memref<!tpu.dma_semaphore, #tpu.memory_space<semaphore_mem>>)
    %scan3A_110 = arith.constant 0 : i32
    %scan3A_111 = arith.constant 0 : i32
    %scan3A_112 = arith.constant 125 : i32
    %scan3A_113 = arith.addi %scan3A_111, %scan3A_112 : i32
    %scan3A_114 = arith.constant 1 : i32
    scf.for %scan3A_121 = %scan3A_111 to %scan3A_113 step %scan3A_114  : i32 {
      %and3A = arith.constant 1 : i32
      %and3A_122 = arith.andi %scan3A_121, %and3A : i32
      %dma_wait3A_123 = arith.constant 0 : i32
      %dma_wait3A_124 = arith.constant 0 : i32
      %dma_wait3A_125 = arith.constant 0 : i32
      %dma_wait3A_126 = tpu.memref_slice %arg6[%and3A_122, %dma_wait3A_124, %dma_wait3A_125] : memref<2x80x128xf32, #tpu.memory_space<vmem>> -> memref<1x80x128xf32, #tpu.memory_space<vmem>>
      %dma_wait3A_127 = tpu.memref_squeeze %dma_wait3A_126 : memref<1x80x128xf32, #tpu.memory_space<vmem>> -> memref<80x128xf32, #tpu.memory_space<vmem>>
      %dma_wait3A_128 = arith.constant 0 : i32
      %dma_wait3A_129 = tpu.memref_slice %arg5[%and3A_122, %dma_wait3A_123, %dma_wait3A_128] : memref<2x2x80xi32, #tpu.memory_space<vmem>> -> memref<1x1x80xi32, #tpu.memory_space<vmem>>
      %dma_wait3A_130 = tpu.memref_squeeze %dma_wait3A_129 : memref<1x1x80xi32, #tpu.memory_space<vmem>> -> memref<80xi32, #tpu.memory_space<vmem>>
      %dma_wait3A_131 = arith.constant 0 : i32
      %dma_wait3A_132 = arith.constant 0 : i32
      %dma_wait3A_133 = tpu.memref_slice %arg2[%dma_wait3A_131, %dma_wait3A_132] : memref<10240x128xf32, #tpu.memory_space<hbm>> -> memref<10240x128xf32, #tpu.memory_space<hbm>>
      tpu.wait_indirect_dma semaphore(%arg9 : memref<!tpu.dma_semaphore, #tpu.memory_space<semaphore_mem>>) src(%dma_wait3A_133 : memref<10240x128xf32, #tpu.memory_space<hbm>>) dst(%dma_wait3A_127 : memref<80x128xf32, #tpu.memory_space<vmem>>)
      %add3A_134 = arith.constant 1 : i32
      %add3A_135 = arith.addi %scan3A_121, %add3A_134 : i32
      %lt3A = arith.constant 125 : i32
      %lt3A_136 = arith.cmpi slt, %add3A_135, %lt3A : i32
      %convert_element_type3A = arith.extui %lt3A_136 : i1 to i32
      %cond3A = arith.constant 0 : i32
      %cond3A_137 = arith.cmpi ne, %convert_element_type3A, %cond3A : i32
      scf.if %cond3A_137 {
        %add3A_146 = arith.constant 1 : i32
        %add3A_147 = arith.addi %scan3A_121, %add3A_146 : i32
        %sub3A = arith.constant 1 : i32
        %sub3A_148 = arith.subi %sub3A, %and3A_122 : i32
        %dma_wait3A_149 = arith.constant 0 : i32
        %dma_wait3A_150 = arith.constant 0 : i32
        %dma_wait3A_151 = tpu.memref_slice %arg5[%sub3A_148, %dma_wait3A_149, %dma_wait3A_150] : memref<2x2x80xi32, #tpu.memory_space<vmem>> -> memref<1x2x80xi32, #tpu.memory_space<vmem>>
        %dma_wait3A_152 = tpu.memref_squeeze %dma_wait3A_151 : memref<1x2x80xi32, #tpu.memory_space<vmem>> -> memref<2x80xi32, #tpu.memory_space<vmem>>
        %dma_wait3A_153 = arith.constant 0 : i32
        %dma_wait3A_154 = arith.constant 0 : i32
        %dma_wait3A_155 = tpu.memref_slice %arg3[%add3A, %add3A_147, %dma_wait3A_153, %dma_wait3A_154] : memref<32x125x2x80xi32, #tpu.memory_space<hbm>> -> memref<1x1x2x80xi32, #tpu.memory_space<hbm>>
        %dma_wait3A_156 = tpu.memref_squeeze %dma_wait3A_155 : memref<1x1x2x80xi32, #tpu.memory_space<hbm>> -> memref<2x80xi32, #tpu.memory_space<hbm>>
        %dma_wait3A_157 = arith.constant 0 : i32
        %dma_wait3A_158 = arith.constant 0 : i32
        %dma_wait3A_159 = tpu.memref_slice %arg5[%sub3A_148, %dma_wait3A_157, %dma_wait3A_158] : memref<2x2x80xi32, #tpu.memory_space<vmem>> -> memref<1x2x80xi32, #tpu.memory_space<vmem>>
        %dma_wait3A_160 = tpu.memref_squeeze %dma_wait3A_159 : memref<1x2x80xi32, #tpu.memory_space<vmem>> -> memref<2x80xi32, #tpu.memory_space<vmem>>
        %dma_wait3A_161 = arith.constant 0 : i32
        %dma_wait3A_162 = arith.constant 0 : i32
        %dma_wait3A_163 = tpu.memref_slice %arg3[%add3A, %add3A_147, %dma_wait3A_161, %dma_wait3A_162] : memref<32x125x2x80xi32, #tpu.memory_space<hbm>> -> memref<1x1x2x80xi32, #tpu.memory_space<hbm>>
        %dma_wait3A_164 = tpu.memref_squeeze %dma_wait3A_163 : memref<1x1x2x80xi32, #tpu.memory_space<hbm>> -> memref<2x80xi32, #tpu.memory_space<hbm>>
        tpu.wait_dma2 semaphore(%arg8 : memref<!tpu.dma_semaphore, #tpu.memory_space<semaphore_mem>>) src(%dma_wait3A_164 : memref<2x80xi32, #tpu.memory_space<hbm>>) dst(%dma_wait3A_160 : memref<2x80xi32, #tpu.memory_space<vmem>>)
        %sub3A_165 = arith.constant 1 : i32
        %sub3A_166 = arith.subi %sub3A_165, %and3A_122 : i32
        %sub3A_167 = arith.constant 1 : i32
        %sub3A_168 = arith.subi %sub3A_167, %and3A_122 : i32
        %dma_start3A_169 = arith.constant 0 : i32
        %dma_start3A_170 = arith.constant 0 : i32
        %dma_start3A_171 = arith.constant 0 : i32
        %dma_start3A_172 = tpu.memref_slice %arg6[%sub3A_168, %dma_start3A_170, %dma_start3A_171] : memref<2x80x128xf32, #tpu.memory_space<vmem>> -> memref<1x80x128xf32, #tpu.memory_space<vmem>>
        %dma_start3A_173 = tpu.memref_squeeze %dma_start3A_172 : memref<1x80x128xf32, #tpu.memory_space<vmem>> -> memref<80x128xf32, #tpu.memory_space<vmem>>
        %dma_start3A_174 = arith.constant 0 : i32
        %dma_start3A_175 = tpu.memref_slice %arg5[%sub3A_166, %dma_start3A_169, %dma_start3A_174] : memref<2x2x80xi32, #tpu.memory_space<vmem>> -> memref<1x1x80xi32, #tpu.memory_space<vmem>>
        %dma_start3A_176 = tpu.memref_squeeze %dma_start3A_175 : memref<1x1x80xi32, #tpu.memory_space<vmem>> -> memref<80xi32, #tpu.memory_space<vmem>>
        %dma_start3A_177 = arith.constant 0 : i32
        %dma_start3A_178 = arith.constant 0 : i32
        %dma_start3A_179 = tpu.memref_slice %arg2[%dma_start3A_177, %dma_start3A_178] : memref<10240x128xf32, #tpu.memory_space<hbm>> -> memref<10240x128xf32, #tpu.memory_space<hbm>>
        tpu.enqueue_indirect_dma source(%dma_start3A_179 : memref<10240x128xf32, #tpu.memory_space<hbm>>) target(%dma_start3A_173 : memref<80x128xf32, #tpu.memory_space<vmem>>) offsets(%dma_start3A_176 : memref<80xi32, #tpu.memory_space<vmem>>) semaphore(%arg9 : memref<!tpu.dma_semaphore, #tpu.memory_space<semaphore_mem>>)
      } else {
      }
      %run_scoped3A_138 = arith.constant 1 : i32
      "tpu.region"() ({
        %run_scoped3A_146 = tpu.sem_alloc : memref<!tpu.dma_semaphore, #tpu.memory_space<semaphore_mem>>
        %dma_start3A_147 = arith.constant 0 : i32
        %dma_start3A_148 = arith.constant 0 : i32
        %dma_start3A_149 = tpu.memref_slice %arg6[%and3A_122, %dma_start3A_147, %dma_start3A_148] : memref<2x80x128xf32, #tpu.memory_space<vmem>> -> memref<1x80x128xf32, #tpu.memory_space<vmem>>
        %dma_start3A_150 = tpu.memref_squeeze %dma_start3A_149 : memref<1x80x128xf32, #tpu.memory_space<vmem>> -> memref<80x128xf32, #tpu.memory_space<vmem>>
        %dma_start3A_151 = arith.constant 0 : i32
        %dma_start3A_152 = tpu.memref_slice %arg5[%and3A_122, %run_scoped3A_138, %dma_start3A_151] : memref<2x2x80xi32, #tpu.memory_space<vmem>> -> memref<1x1x80xi32, #tpu.memory_space<vmem>>
        %dma_start3A_153 = tpu.memref_squeeze %dma_start3A_152 : memref<1x1x80xi32, #tpu.memory_space<vmem>> -> memref<80xi32, #tpu.memory_space<vmem>>
        %dma_start3A_154 = arith.constant 0 : i32
        %dma_start3A_155 = arith.constant 0 : i32
        %dma_start3A_156 = tpu.memref_slice %arg7[%dma_start3A_154, %dma_start3A_155] : memref<10240x128xf32, #tpu.memory_space<vmem_shared>> -> memref<10240x128xf32, #tpu.memory_space<vmem_shared>>
        tpu.enqueue_indirect_dma source(%dma_start3A_150 : memref<80x128xf32, #tpu.memory_space<vmem>>) target(%dma_start3A_156 : memref<10240x128xf32, #tpu.memory_space<vmem_shared>>) offsets(%dma_start3A_153 : memref<80xi32, #tpu.memory_space<vmem>>) semaphore(%run_scoped3A_146 : memref<!tpu.dma_semaphore, #tpu.memory_space<semaphore_mem>>) {add = true}
        %dma_wait3A_157 = arith.constant 0 : i32
        %dma_wait3A_158 = arith.constant 0 : i32
        %dma_wait3A_159 = tpu.memref_slice %arg6[%and3A_122, %dma_wait3A_157, %dma_wait3A_158] : memref<2x80x128xf32, #tpu.memory_space<vmem>> -> memref<1x80x128xf32, #tpu.memory_space<vmem>>
        %dma_wait3A_160 = tpu.memref_squeeze %dma_wait3A_159 : memref<1x80x128xf32, #tpu.memory_space<vmem>> -> memref<80x128xf32, #tpu.memory_space<vmem>>
        %dma_wait3A_161 = arith.constant 0 : i32
        %dma_wait3A_162 = tpu.memref_slice %arg5[%and3A_122, %run_scoped3A_138, %dma_wait3A_161] : memref<2x2x80xi32, #tpu.memory_space<vmem>> -> memref<1x1x80xi32, #tpu.memory_space<vmem>>
        %dma_wait3A_163 = tpu.memref_squeeze %dma_wait3A_162 : memref<1x1x80xi32, #tpu.memory_space<vmem>> -> memref<80xi32, #tpu.memory_space<vmem>>
        %dma_wait3A_164 = arith.constant 0 : i32
        %dma_wait3A_165 = arith.constant 0 : i32
        %dma_wait3A_166 = tpu.memref_slice %arg7[%dma_wait3A_164, %dma_wait3A_165] : memref<10240x128xf32, #tpu.memory_space<vmem_shared>> -> memref<10240x128xf32, #tpu.memory_space<vmem_shared>>
        tpu.wait_indirect_dma semaphore(%run_scoped3A_146 : memref<!tpu.dma_semaphore, #tpu.memory_space<semaphore_mem>>) src(%dma_wait3A_160 : memref<80x128xf32, #tpu.memory_space<vmem>>) dst(%dma_wait3A_166 : memref<10240x128xf32, #tpu.memory_space<vmem_shared>>)
        tpu.yield
      }) : () -> ()
      %add3A_139 = arith.constant 2 : i32
      %add3A_140 = arith.addi %scan3A_121, %add3A_139 : i32
      %lt3A_141 = arith.constant 125 : i32
      %lt3A_142 = arith.cmpi slt, %add3A_140, %lt3A_141 : i32
      %convert_element_type3A_143 = arith.extui %lt3A_142 : i1 to i32
      %cond3A_144 = arith.constant 0 : i32
      %cond3A_145 = arith.cmpi ne, %convert_element_type3A_143, %cond3A_144 : i32
      scf.if %cond3A_145 {
        %add3A_146 = arith.constant 2 : i32
        %add3A_147 = arith.addi %scan3A_121, %add3A_146 : i32
        %dma_start3A_148 = arith.constant 0 : i32
        %dma_start3A_149 = arith.constant 0 : i32
        %dma_start3A_150 = tpu.memref_slice %arg5[%and3A_122, %dma_start3A_148, %dma_start3A_149] : memref<2x2x80xi32, #tpu.memory_space<vmem>> -> memref<1x2x80xi32, #tpu.memory_space<vmem>>
        %dma_start3A_151 = tpu.memref_squeeze %dma_start3A_150 : memref<1x2x80xi32, #tpu.memory_space<vmem>> -> memref<2x80xi32, #tpu.memory_space<vmem>>
        %dma_start3A_152 = arith.constant 0 : i32
        %dma_start3A_153 = arith.constant 0 : i32
        %dma_start3A_154 = tpu.memref_slice %arg3[%add3A, %add3A_147, %dma_start3A_152, %dma_start3A_153] : memref<32x125x2x80xi32, #tpu.memory_space<hbm>> -> memref<1x1x2x80xi32, #tpu.memory_space<hbm>>
        %dma_start3A_155 = tpu.memref_squeeze %dma_start3A_154 : memref<1x1x2x80xi32, #tpu.memory_space<hbm>> -> memref<2x80xi32, #tpu.memory_space<hbm>>
        %dma_start3A_156 = arith.constant 0 : i32
        %dma_start3A_157 = arith.constant 0 : i32
        %dma_start3A_158 = tpu.memref_slice %arg5[%and3A_122, %dma_start3A_156, %dma_start3A_157] : memref<2x2x80xi32, #tpu.memory_space<vmem>> -> memref<1x2x80xi32, #tpu.memory_space<vmem>>
        %dma_start3A_159 = tpu.memref_squeeze %dma_start3A_158 : memref<1x2x80xi32, #tpu.memory_space<vmem>> -> memref<2x80xi32, #tpu.memory_space<vmem>>
        %dma_start3A_160 = arith.constant 0 : i32
        %dma_start3A_161 = arith.constant 0 : i32
        %dma_start3A_162 = tpu.memref_slice %arg3[%add3A, %add3A_147, %dma_start3A_160, %dma_start3A_161] : memref<32x125x2x80xi32, #tpu.memory_space<hbm>> -> memref<1x1x2x80xi32, #tpu.memory_space<hbm>>
        %dma_start3A_163 = tpu.memref_squeeze %dma_start3A_162 : memref<1x1x2x80xi32, #tpu.memory_space<hbm>> -> memref<2x80xi32, #tpu.memory_space<hbm>>
        tpu.enqueue_dma source(%dma_start3A_163 : memref<2x80xi32, #tpu.memory_space<hbm>>) target(%dma_start3A_159 : memref<2x80xi32, #tpu.memory_space<vmem>>) target_semaphore(%arg8 : memref<!tpu.dma_semaphore, #tpu.memory_space<semaphore_mem>>)
      } else {
      }
    }
    %scan3A_115 = arith.constant 125 : i32
    %barrier3A_116 = arith.constant 0 : index
    tpu.barrier barrier_id(%barrier3A_116)
    %mul3A_117 = arith.constant 640 : i32
    %mul3A_118 = arith.muli %arg1, %mul3A_117 : i32
    %mul3A_119 = arith.constant 640 : i32
    %mul3A_120 = arith.muli %arg1, %mul3A_119 : i32
    "tpu.region"() ({
      %run_scoped3A_121 = tpu.sem_alloc : memref<!tpu.dma_semaphore, #tpu.memory_space<semaphore_mem>>
      %dma_start3A_122 = arith.constant 0 : i32
      %dma_start3A_123 = tpu.memref_slice %arg4[%arg0, %mul3A_120, %dma_start3A_122] : memref<2x10240x128xf32, #tpu.memory_space<hbm>> -> memref<1x640x128xf32, #tpu.memory_space<hbm>>
      %dma_start3A_124 = tpu.memref_squeeze %dma_start3A_123 : memref<1x640x128xf32, #tpu.memory_space<hbm>> -> memref<640x128xf32, #tpu.memory_space<hbm>>
      %dma_start3A_125 = arith.constant 0 : i32
      %dma_start3A_126 = tpu.memref_slice %arg7[%mul3A_118, %dma_start3A_125] : memref<10240x128xf32, #tpu.memory_space<vmem_shared>> -> memref<640x128xf32, #tpu.memory_space<vmem_shared>>
      tpu.enqueue_dma source(%dma_start3A_126 : memref<640x128xf32, #tpu.memory_space<vmem_shared>>) target(%dma_start3A_124 : memref<640x128xf32, #tpu.memory_space<hbm>>) target_semaphore(%run_scoped3A_121 : memref<!tpu.dma_semaphore, #tpu.memory_space<semaphore_mem>>)
      %dma_wait3A_127 = arith.constant 0 : i32
      %dma_wait3A_128 = tpu.memref_slice %arg4[%arg0, %mul3A_120, %dma_wait3A_127] : memref<2x10240x128xf32, #tpu.memory_space<hbm>> -> memref<1x640x128xf32, #tpu.memory_space<hbm>>
      %dma_wait3A_129 = tpu.memref_squeeze %dma_wait3A_128 : memref<1x640x128xf32, #tpu.memory_space<hbm>> -> memref<640x128xf32, #tpu.memory_space<hbm>>
      %dma_wait3A_130 = arith.constant 0 : i32
      %dma_wait3A_131 = tpu.memref_slice %arg7[%mul3A_118, %dma_wait3A_130] : memref<10240x128xf32, #tpu.memory_space<vmem_shared>> -> memref<640x128xf32, #tpu.memory_space<vmem_shared>>
      tpu.wait_dma2 semaphore(%run_scoped3A_121 : memref<!tpu.dma_semaphore, #tpu.memory_space<semaphore_mem>>) src(%dma_wait3A_131 : memref<640x128xf32, #tpu.memory_space<vmem_shared>>) dst(%dma_wait3A_129 : memref<640x128xf32, #tpu.memory_space<hbm>>)
      tpu.yield
    }) : () -> ()
    return
  }
}

#map = affine_map<(d0, d1) -> (0, 0)>
#map1 = affine_map<(d0, d1) -> (0, 0, 0, 0)>
#map2 = affine_map<(d0, d1) -> (0, 0, 0)>
module attributes {stable_mosaic.version = 14 : i64} {
  func.func @_agg_kernel(%arg0: i32, %arg1: i32, %arg2: memref<10240x128xf32, #tpu.memory_space<hbm>>, %arg3: memref<32x125x2x80xi32, #tpu.memory_space<hbm>>, %arg4: memref<2x10240x128xf32, #tpu.memory_space<hbm>>, %arg5: memref<2x2x80xi32, #tpu.memory_space<vmem>>, %arg6: memref<2x80x128xf32, #tpu.memory_space<vmem>>, %arg7: memref<10240x128xf32, #tpu.memory_space<vmem_shared>>, %arg8: memref<!tpu.dma_semaphore, #tpu.memory_space<semaphore_mem>>, %arg9: memref<!tpu.dma_semaphore, #tpu.memory_space<semaphore_mem>>) attributes {dimension_semantics = [#tpu.dimension_semantics<core_parallel>, #tpu.dimension_semantics<subcore_parallel>], iteration_bounds = array<i64: 2, 16>, scalar_prefetch = 0 : i64, scratch_operands = 5 : i64, tpu.core_type = #tpu.core_type<sc_vector_subcore>, window_params = [{transform_indices = #map}, {transform_indices = #map1}, {transform_indices = #map2}]} {
    %mul3A = arith.constant 16 : i32
    %mul3A_0 = arith.muli %arg0, %mul3A : i32
    %add3A = arith.addi %mul3A_0, %arg1 : i32
    %scan3A = arith.constant 0 : i32
    %scan3A_1 = arith.constant 0 : i32
    %scan3A_2 = arith.constant 80 : i32
    %scan3A_3 = arith.addi %scan3A_1, %scan3A_2 : i32
    %scan3A_4 = arith.constant 1 : i32
    scf.for %scan3A_121 = %scan3A_1 to %scan3A_3 step %scan3A_4  : i32 {
      %broadcast_in_dim3A = arith.constant 0.000000e+00 : f32
      %broadcast_in_dim3A_122 = vector.broadcast %broadcast_in_dim3A : f32 to vector<16xf32>
      %swap3A = arith.constant 0 : i32
      %swap3A_123 = arith.index_cast %swap3A : i32 to index
      %swap3A_124 = arith.index_cast %scan3A_121 : i32 to index
      %swap3A_125 = arith.constant 0 : index
      %swap3A_126 = tpu.vector_load %arg6[%swap3A_123, %swap3A_124, %swap3A_125] {strides = array<i32>} : memref<2x80x128xf32, #tpu.memory_space<vmem>>, vector<1x1x16xf32>,
      %swap3A_127 = vector.shape_cast %swap3A_126 : vector<1x1x16xf32> to vector<16xf32>
      %swap3A_128 = vector.shape_cast %broadcast_in_dim3A_122 : vector<16xf32> to vector<1x1x16xf32>
      tpu.vector_store %arg6[%swap3A_123, %swap3A_124, %swap3A_125], %swap3A_128 {strides = array<i32>} : memref<2x80x128xf32, #tpu.memory_space<vmem>>, vector<1x1x16xf32>,
      %broadcast_in_dim3A_129 = arith.constant 0.000000e+00 : f32
      %broadcast_in_dim3A_130 = vector.broadcast %broadcast_in_dim3A_129 : f32 to vector<16xf32>
      %swap3A_131 = arith.constant 0 : i32
      %swap3A_132 = arith.index_cast %swap3A_131 : i32 to index
      %swap3A_133 = arith.index_cast %scan3A_121 : i32 to index
      %swap3A_134 = arith.constant 16 : index
      %swap3A_135 = tpu.vector_load %arg6[%swap3A_132, %swap3A_133, %swap3A_134] {strides = array<i32>} : memref<2x80x128xf32, #tpu.memory_space<vmem>>, vector<1x1x16xf32>,
      %swap3A_136 = vector.shape_cast %swap3A_135 : vector<1x1x16xf32> to vector<16xf32>
      %swap3A_137 = vector.shape_cast %broadcast_in_dim3A_130 : vector<16xf32> to vector<1x1x16xf32>
      tpu.vector_store %arg6[%swap3A_132, %swap3A_133, %swap3A_134], %swap3A_137 {strides = array<i32>} : memref<2x80x128xf32, #tpu.memory_space<vmem>>, vector<1x1x16xf32>,
      %broadcast_in_dim3A_138 = arith.constant 0.000000e+00 : f32
      %broadcast_in_dim3A_139 = vector.broadcast %broadcast_in_dim3A_138 : f32 to vector<16xf32>
      %swap3A_140 = arith.constant 0 : i32
      %swap3A_141 = arith.index_cast %swap3A_140 : i32 to index
      %swap3A_142 = arith.index_cast %scan3A_121 : i32 to index
      %swap3A_143 = arith.constant 32 : index
      %swap3A_144 = tpu.vector_load %arg6[%swap3A_141, %swap3A_142, %swap3A_143] {strides = array<i32>} : memref<2x80x128xf32, #tpu.memory_space<vmem>>, vector<1x1x16xf32>,
      %swap3A_145 = vector.shape_cast %swap3A_144 : vector<1x1x16xf32> to vector<16xf32>
      %swap3A_146 = vector.shape_cast %broadcast_in_dim3A_139 : vector<16xf32> to vector<1x1x16xf32>
      tpu.vector_store %arg6[%swap3A_141, %swap3A_142, %swap3A_143], %swap3A_146 {strides = array<i32>} : memref<2x80x128xf32, #tpu.memory_space<vmem>>, vector<1x1x16xf32>,
      %broadcast_in_dim3A_147 = arith.constant 0.000000e+00 : f32
      %broadcast_in_dim3A_148 = vector.broadcast %broadcast_in_dim3A_147 : f32 to vector<16xf32>
      %swap3A_149 = arith.constant 0 : i32
      %swap3A_150 = arith.index_cast %swap3A_149 : i32 to index
      %swap3A_151 = arith.index_cast %scan3A_121 : i32 to index
      %swap3A_152 = arith.constant 48 : index
      %swap3A_153 = tpu.vector_load %arg6[%swap3A_150, %swap3A_151, %swap3A_152] {strides = array<i32>} : memref<2x80x128xf32, #tpu.memory_space<vmem>>, vector<1x1x16xf32>,
      %swap3A_154 = vector.shape_cast %swap3A_153 : vector<1x1x16xf32> to vector<16xf32>
      %swap3A_155 = vector.shape_cast %broadcast_in_dim3A_148 : vector<16xf32> to vector<1x1x16xf32>
      tpu.vector_store %arg6[%swap3A_150, %swap3A_151, %swap3A_152], %swap3A_155 {strides = array<i32>} : memref<2x80x128xf32, #tpu.memory_space<vmem>>, vector<1x1x16xf32>,
      %broadcast_in_dim3A_156 = arith.constant 0.000000e+00 : f32
      %broadcast_in_dim3A_157 = vector.broadcast %broadcast_in_dim3A_156 : f32 to vector<16xf32>
      %swap3A_158 = arith.constant 0 : i32
      %swap3A_159 = arith.index_cast %swap3A_158 : i32 to index
      %swap3A_160 = arith.index_cast %scan3A_121 : i32 to index
      %swap3A_161 = arith.constant 64 : index
      %swap3A_162 = tpu.vector_load %arg6[%swap3A_159, %swap3A_160, %swap3A_161] {strides = array<i32>} : memref<2x80x128xf32, #tpu.memory_space<vmem>>, vector<1x1x16xf32>,
      %swap3A_163 = vector.shape_cast %swap3A_162 : vector<1x1x16xf32> to vector<16xf32>
      %swap3A_164 = vector.shape_cast %broadcast_in_dim3A_157 : vector<16xf32> to vector<1x1x16xf32>
      tpu.vector_store %arg6[%swap3A_159, %swap3A_160, %swap3A_161], %swap3A_164 {strides = array<i32>} : memref<2x80x128xf32, #tpu.memory_space<vmem>>, vector<1x1x16xf32>,
      %broadcast_in_dim3A_165 = arith.constant 0.000000e+00 : f32
      %broadcast_in_dim3A_166 = vector.broadcast %broadcast_in_dim3A_165 : f32 to vector<16xf32>
      %swap3A_167 = arith.constant 0 : i32
      %swap3A_168 = arith.index_cast %swap3A_167 : i32 to index
      %swap3A_169 = arith.index_cast %scan3A_121 : i32 to index
      %swap3A_170 = arith.constant 80 : index
      %swap3A_171 = tpu.vector_load %arg6[%swap3A_168, %swap3A_169, %swap3A_170] {strides = array<i32>} : memref<2x80x128xf32, #tpu.memory_space<vmem>>, vector<1x1x16xf32>,
      %swap3A_172 = vector.shape_cast %swap3A_171 : vector<1x1x16xf32> to vector<16xf32>
      %swap3A_173 = vector.shape_cast %broadcast_in_dim3A_166 : vector<16xf32> to vector<1x1x16xf32>
      tpu.vector_store %arg6[%swap3A_168, %swap3A_169, %swap3A_170], %swap3A_173 {strides = array<i32>} : memref<2x80x128xf32, #tpu.memory_space<vmem>>, vector<1x1x16xf32>,
      %broadcast_in_dim3A_174 = arith.constant 0.000000e+00 : f32
      %broadcast_in_dim3A_175 = vector.broadcast %broadcast_in_dim3A_174 : f32 to vector<16xf32>
      %swap3A_176 = arith.constant 0 : i32
      %swap3A_177 = arith.index_cast %swap3A_176 : i32 to index
      %swap3A_178 = arith.index_cast %scan3A_121 : i32 to index
      %swap3A_179 = arith.constant 96 : index
      %swap3A_180 = tpu.vector_load %arg6[%swap3A_177, %swap3A_178, %swap3A_179] {strides = array<i32>} : memref<2x80x128xf32, #tpu.memory_space<vmem>>, vector<1x1x16xf32>,
      %swap3A_181 = vector.shape_cast %swap3A_180 : vector<1x1x16xf32> to vector<16xf32>
      %swap3A_182 = vector.shape_cast %broadcast_in_dim3A_175 : vector<16xf32> to vector<1x1x16xf32>
      tpu.vector_store %arg6[%swap3A_177, %swap3A_178, %swap3A_179], %swap3A_182 {strides = array<i32>} : memref<2x80x128xf32, #tpu.memory_space<vmem>>, vector<1x1x16xf32>,
      %broadcast_in_dim3A_183 = arith.constant 0.000000e+00 : f32
      %broadcast_in_dim3A_184 = vector.broadcast %broadcast_in_dim3A_183 : f32 to vector<16xf32>
      %swap3A_185 = arith.constant 0 : i32
      %swap3A_186 = arith.index_cast %swap3A_185 : i32 to index
      %swap3A_187 = arith.index_cast %scan3A_121 : i32 to index
      %swap3A_188 = arith.constant 112 : index
      %swap3A_189 = tpu.vector_load %arg6[%swap3A_186, %swap3A_187, %swap3A_188] {strides = array<i32>} : memref<2x80x128xf32, #tpu.memory_space<vmem>>, vector<1x1x16xf32>,
      %swap3A_190 = vector.shape_cast %swap3A_189 : vector<1x1x16xf32> to vector<16xf32>
      %swap3A_191 = vector.shape_cast %broadcast_in_dim3A_184 : vector<16xf32> to vector<1x1x16xf32>
      tpu.vector_store %arg6[%swap3A_186, %swap3A_187, %swap3A_188], %swap3A_191 {strides = array<i32>} : memref<2x80x128xf32, #tpu.memory_space<vmem>>, vector<1x1x16xf32>,
    }
    %scan3A_5 = arith.constant 80 : i32
    %mul3A_6 = arith.constant 640 : i32
    %mul3A_7 = arith.muli %arg1, %mul3A_6 : i32
    %add3A_8 = arith.constant 0 : i32
    %add3A_9 = arith.addi %mul3A_7, %add3A_8 : i32
    %run_scoped3A = arith.constant 0 : i32
    "tpu.region"() ({
      %run_scoped3A_121 = tpu.sem_alloc : memref<!tpu.dma_semaphore, #tpu.memory_space<semaphore_mem>>
      %dma_start3A_122 = arith.constant 0 : i32
      %dma_start3A_123 = arith.constant 0 : i32
      %dma_start3A_124 = tpu.memref_slice %arg6[%run_scoped3A, %dma_start3A_122, %dma_start3A_123] : memref<2x80x128xf32, #tpu.memory_space<vmem>> -> memref<1x80x128xf32, #tpu.memory_space<vmem>>
      %dma_start3A_125 = tpu.memref_squeeze %dma_start3A_124 : memref<1x80x128xf32, #tpu.memory_space<vmem>> -> memref<80x128xf32, #tpu.memory_space<vmem>>
      %dma_start3A_126 = arith.constant 0 : i32
      %dma_start3A_127 = tpu.memref_slice %arg7[%add3A_9, %dma_start3A_126] : memref<10240x128xf32, #tpu.memory_space<vmem_shared>> -> memref<80x128xf32, #tpu.memory_space<vmem_shared>>
      %dma_start3A_128 = arith.constant 0 : i32
      %dma_start3A_129 = tpu.memref_slice %arg7[%add3A_9, %dma_start3A_128] : memref<10240x128xf32, #tpu.memory_space<vmem_shared>> -> memref<80x128xf32, #tpu.memory_space<vmem_shared>>
      %dma_start3A_130 = arith.constant 0 : i32
      %dma_start3A_131 = arith.constant 0 : i32
      %dma_start3A_132 = tpu.memref_slice %arg6[%run_scoped3A, %dma_start3A_130, %dma_start3A_131] : memref<2x80x128xf32, #tpu.memory_space<vmem>> -> memref<1x80x128xf32, #tpu.memory_space<vmem>>
      %dma_start3A_133 = tpu.memref_squeeze %dma_start3A_132 : memref<1x80x128xf32, #tpu.memory_space<vmem>> -> memref<80x128xf32, #tpu.memory_space<vmem>>
      tpu.enqueue_dma source(%dma_start3A_133 : memref<80x128xf32, #tpu.memory_space<vmem>>) target(%dma_start3A_129 : memref<80x128xf32, #tpu.memory_space<vmem_shared>>) target_semaphore(%run_scoped3A_121 : memref<!tpu.dma_semaphore, #tpu.memory_space<semaphore_mem>>)
      %dma_wait3A_134 = arith.constant 0 : i32
      %dma_wait3A_135 = arith.constant 0 : i32
      %dma_wait3A_136 = tpu.memref_slice %arg6[%run_scoped3A, %dma_wait3A_134, %dma_wait3A_135] : memref<2x80x128xf32, #tpu.memory_space<vmem>> -> memref<1x80x128xf32, #tpu.memory_space<vmem>>
      %dma_wait3A_137 = tpu.memref_squeeze %dma_wait3A_136 : memref<1x80x128xf32, #tpu.memory_space<vmem>> -> memref<80x128xf32, #tpu.memory_space<vmem>>
      %dma_wait3A_138 = arith.constant 0 : i32
      %dma_wait3A_139 = tpu.memref_slice %arg7[%add3A_9, %dma_wait3A_138] : memref<10240x128xf32, #tpu.memory_space<vmem_shared>> -> memref<80x128xf32, #tpu.memory_space<vmem_shared>>
      %dma_wait3A_140 = arith.constant 0 : i32
      %dma_wait3A_141 = tpu.memref_slice %arg7[%add3A_9, %dma_wait3A_140] : memref<10240x128xf32, #tpu.memory_space<vmem_shared>> -> memref<80x128xf32, #tpu.memory_space<vmem_shared>>
      %dma_wait3A_142 = arith.constant 0 : i32
      %dma_wait3A_143 = arith.constant 0 : i32
      %dma_wait3A_144 = tpu.memref_slice %arg6[%run_scoped3A, %dma_wait3A_142, %dma_wait3A_143] : memref<2x80x128xf32, #tpu.memory_space<vmem>> -> memref<1x80x128xf32, #tpu.memory_space<vmem>>
      %dma_wait3A_145 = tpu.memref_squeeze %dma_wait3A_144 : memref<1x80x128xf32, #tpu.memory_space<vmem>> -> memref<80x128xf32, #tpu.memory_space<vmem>>
      tpu.wait_dma2 semaphore(%run_scoped3A_121 : memref<!tpu.dma_semaphore, #tpu.memory_space<semaphore_mem>>) src(%dma_wait3A_145 : memref<80x128xf32, #tpu.memory_space<vmem>>) dst(%dma_wait3A_141 : memref<80x128xf32, #tpu.memory_space<vmem_shared>>)
      tpu.yield
    }) : () -> ()
    %mul3A_10 = arith.constant 640 : i32
    %mul3A_11 = arith.muli %arg1, %mul3A_10 : i32
    %add3A_12 = arith.constant 80 : i32
    %add3A_13 = arith.addi %mul3A_11, %add3A_12 : i32
    %run_scoped3A_14 = arith.constant 0 : i32
    "tpu.region"() ({
      %run_scoped3A_121 = tpu.sem_alloc : memref<!tpu.dma_semaphore, #tpu.memory_space<semaphore_mem>>
      %dma_start3A_122 = arith.constant 0 : i32
      %dma_start3A_123 = arith.constant 0 : i32
      %dma_start3A_124 = tpu.memref_slice %arg6[%run_scoped3A_14, %dma_start3A_122, %dma_start3A_123] : memref<2x80x128xf32, #tpu.memory_space<vmem>> -> memref<1x80x128xf32, #tpu.memory_space<vmem>>
      %dma_start3A_125 = tpu.memref_squeeze %dma_start3A_124 : memref<1x80x128xf32, #tpu.memory_space<vmem>> -> memref<80x128xf32, #tpu.memory_space<vmem>>
      %dma_start3A_126 = arith.constant 0 : i32
      %dma_start3A_127 = tpu.memref_slice %arg7[%add3A_13, %dma_start3A_126] : memref<10240x128xf32, #tpu.memory_space<vmem_shared>> -> memref<80x128xf32, #tpu.memory_space<vmem_shared>>
      %dma_start3A_128 = arith.constant 0 : i32
      %dma_start3A_129 = tpu.memref_slice %arg7[%add3A_13, %dma_start3A_128] : memref<10240x128xf32, #tpu.memory_space<vmem_shared>> -> memref<80x128xf32, #tpu.memory_space<vmem_shared>>
      %dma_start3A_130 = arith.constant 0 : i32
      %dma_start3A_131 = arith.constant 0 : i32
      %dma_start3A_132 = tpu.memref_slice %arg6[%run_scoped3A_14, %dma_start3A_130, %dma_start3A_131] : memref<2x80x128xf32, #tpu.memory_space<vmem>> -> memref<1x80x128xf32, #tpu.memory_space<vmem>>
      %dma_start3A_133 = tpu.memref_squeeze %dma_start3A_132 : memref<1x80x128xf32, #tpu.memory_space<vmem>> -> memref<80x128xf32, #tpu.memory_space<vmem>>
      tpu.enqueue_dma source(%dma_start3A_133 : memref<80x128xf32, #tpu.memory_space<vmem>>) target(%dma_start3A_129 : memref<80x128xf32, #tpu.memory_space<vmem_shared>>) target_semaphore(%run_scoped3A_121 : memref<!tpu.dma_semaphore, #tpu.memory_space<semaphore_mem>>)
      %dma_wait3A_134 = arith.constant 0 : i32
      %dma_wait3A_135 = arith.constant 0 : i32
      %dma_wait3A_136 = tpu.memref_slice %arg6[%run_scoped3A_14, %dma_wait3A_134, %dma_wait3A_135] : memref<2x80x128xf32, #tpu.memory_space<vmem>> -> memref<1x80x128xf32, #tpu.memory_space<vmem>>
      %dma_wait3A_137 = tpu.memref_squeeze %dma_wait3A_136 : memref<1x80x128xf32, #tpu.memory_space<vmem>> -> memref<80x128xf32, #tpu.memory_space<vmem>>
      %dma_wait3A_138 = arith.constant 0 : i32
      %dma_wait3A_139 = tpu.memref_slice %arg7[%add3A_13, %dma_wait3A_138] : memref<10240x128xf32, #tpu.memory_space<vmem_shared>> -> memref<80x128xf32, #tpu.memory_space<vmem_shared>>
      %dma_wait3A_140 = arith.constant 0 : i32
      %dma_wait3A_141 = tpu.memref_slice %arg7[%add3A_13, %dma_wait3A_140] : memref<10240x128xf32, #tpu.memory_space<vmem_shared>> -> memref<80x128xf32, #tpu.memory_space<vmem_shared>>
      %dma_wait3A_142 = arith.constant 0 : i32
      %dma_wait3A_143 = arith.constant 0 : i32
      %dma_wait3A_144 = tpu.memref_slice %arg6[%run_scoped3A_14, %dma_wait3A_142, %dma_wait3A_143] : memref<2x80x128xf32, #tpu.memory_space<vmem>> -> memref<1x80x128xf32, #tpu.memory_space<vmem>>
      %dma_wait3A_145 = tpu.memref_squeeze %dma_wait3A_144 : memref<1x80x128xf32, #tpu.memory_space<vmem>> -> memref<80x128xf32, #tpu.memory_space<vmem>>
      tpu.wait_dma2 semaphore(%run_scoped3A_121 : memref<!tpu.dma_semaphore, #tpu.memory_space<semaphore_mem>>) src(%dma_wait3A_145 : memref<80x128xf32, #tpu.memory_space<vmem>>) dst(%dma_wait3A_141 : memref<80x128xf32, #tpu.memory_space<vmem_shared>>)
      tpu.yield
    }) : () -> ()
    %mul3A_15 = arith.constant 640 : i32
    %mul3A_16 = arith.muli %arg1, %mul3A_15 : i32
    %add3A_17 = arith.constant 160 : i32
    %add3A_18 = arith.addi %mul3A_16, %add3A_17 : i32
    %run_scoped3A_19 = arith.constant 0 : i32
    "tpu.region"() ({
      %run_scoped3A_121 = tpu.sem_alloc : memref<!tpu.dma_semaphore, #tpu.memory_space<semaphore_mem>>
      %dma_start3A_122 = arith.constant 0 : i32
      %dma_start3A_123 = arith.constant 0 : i32
      %dma_start3A_124 = tpu.memref_slice %arg6[%run_scoped3A_19, %dma_start3A_122, %dma_start3A_123] : memref<2x80x128xf32, #tpu.memory_space<vmem>> -> memref<1x80x128xf32, #tpu.memory_space<vmem>>
      %dma_start3A_125 = tpu.memref_squeeze %dma_start3A_124 : memref<1x80x128xf32, #tpu.memory_space<vmem>> -> memref<80x128xf32, #tpu.memory_space<vmem>>
      %dma_start3A_126 = arith.constant 0 : i32
      %dma_start3A_127 = tpu.memref_slice %arg7[%add3A_18, %dma_start3A_126] : memref<10240x128xf32, #tpu.memory_space<vmem_shared>> -> memref<80x128xf32, #tpu.memory_space<vmem_shared>>
      %dma_start3A_128 = arith.constant 0 : i32
      %dma_start3A_129 = tpu.memref_slice %arg7[%add3A_18, %dma_start3A_128] : memref<10240x128xf32, #tpu.memory_space<vmem_shared>> -> memref<80x128xf32, #tpu.memory_space<vmem_shared>>
      %dma_start3A_130 = arith.constant 0 : i32
      %dma_start3A_131 = arith.constant 0 : i32
      %dma_start3A_132 = tpu.memref_slice %arg6[%run_scoped3A_19, %dma_start3A_130, %dma_start3A_131] : memref<2x80x128xf32, #tpu.memory_space<vmem>> -> memref<1x80x128xf32, #tpu.memory_space<vmem>>
      %dma_start3A_133 = tpu.memref_squeeze %dma_start3A_132 : memref<1x80x128xf32, #tpu.memory_space<vmem>> -> memref<80x128xf32, #tpu.memory_space<vmem>>
      tpu.enqueue_dma source(%dma_start3A_133 : memref<80x128xf32, #tpu.memory_space<vmem>>) target(%dma_start3A_129 : memref<80x128xf32, #tpu.memory_space<vmem_shared>>) target_semaphore(%run_scoped3A_121 : memref<!tpu.dma_semaphore, #tpu.memory_space<semaphore_mem>>)
      %dma_wait3A_134 = arith.constant 0 : i32
      %dma_wait3A_135 = arith.constant 0 : i32
      %dma_wait3A_136 = tpu.memref_slice %arg6[%run_scoped3A_19, %dma_wait3A_134, %dma_wait3A_135] : memref<2x80x128xf32, #tpu.memory_space<vmem>> -> memref<1x80x128xf32, #tpu.memory_space<vmem>>
      %dma_wait3A_137 = tpu.memref_squeeze %dma_wait3A_136 : memref<1x80x128xf32, #tpu.memory_space<vmem>> -> memref<80x128xf32, #tpu.memory_space<vmem>>
      %dma_wait3A_138 = arith.constant 0 : i32
      %dma_wait3A_139 = tpu.memref_slice %arg7[%add3A_18, %dma_wait3A_138] : memref<10240x128xf32, #tpu.memory_space<vmem_shared>> -> memref<80x128xf32, #tpu.memory_space<vmem_shared>>
      %dma_wait3A_140 = arith.constant 0 : i32
      %dma_wait3A_141 = tpu.memref_slice %arg7[%add3A_18, %dma_wait3A_140] : memref<10240x128xf32, #tpu.memory_space<vmem_shared>> -> memref<80x128xf32, #tpu.memory_space<vmem_shared>>
      %dma_wait3A_142 = arith.constant 0 : i32
      %dma_wait3A_143 = arith.constant 0 : i32
      %dma_wait3A_144 = tpu.memref_slice %arg6[%run_scoped3A_19, %dma_wait3A_142, %dma_wait3A_143] : memref<2x80x128xf32, #tpu.memory_space<vmem>> -> memref<1x80x128xf32, #tpu.memory_space<vmem>>
      %dma_wait3A_145 = tpu.memref_squeeze %dma_wait3A_144 : memref<1x80x128xf32, #tpu.memory_space<vmem>> -> memref<80x128xf32, #tpu.memory_space<vmem>>
      tpu.wait_dma2 semaphore(%run_scoped3A_121 : memref<!tpu.dma_semaphore, #tpu.memory_space<semaphore_mem>>) src(%dma_wait3A_145 : memref<80x128xf32, #tpu.memory_space<vmem>>) dst(%dma_wait3A_141 : memref<80x128xf32, #tpu.memory_space<vmem_shared>>)
      tpu.yield
    }) : () -> ()
    %mul3A_20 = arith.constant 640 : i32
    %mul3A_21 = arith.muli %arg1, %mul3A_20 : i32
    %add3A_22 = arith.constant 240 : i32
    %add3A_23 = arith.addi %mul3A_21, %add3A_22 : i32
    %run_scoped3A_24 = arith.constant 0 : i32
    "tpu.region"() ({
      %run_scoped3A_121 = tpu.sem_alloc : memref<!tpu.dma_semaphore, #tpu.memory_space<semaphore_mem>>
      %dma_start3A_122 = arith.constant 0 : i32
      %dma_start3A_123 = arith.constant 0 : i32
      %dma_start3A_124 = tpu.memref_slice %arg6[%run_scoped3A_24, %dma_start3A_122, %dma_start3A_123] : memref<2x80x128xf32, #tpu.memory_space<vmem>> -> memref<1x80x128xf32, #tpu.memory_space<vmem>>
      %dma_start3A_125 = tpu.memref_squeeze %dma_start3A_124 : memref<1x80x128xf32, #tpu.memory_space<vmem>> -> memref<80x128xf32, #tpu.memory_space<vmem>>
      %dma_start3A_126 = arith.constant 0 : i32
      %dma_start3A_127 = tpu.memref_slice %arg7[%add3A_23, %dma_start3A_126] : memref<10240x128xf32, #tpu.memory_space<vmem_shared>> -> memref<80x128xf32, #tpu.memory_space<vmem_shared>>
      %dma_start3A_128 = arith.constant 0 : i32
      %dma_start3A_129 = tpu.memref_slice %arg7[%add3A_23, %dma_start3A_128] : memref<10240x128xf32, #tpu.memory_space<vmem_shared>> -> memref<80x128xf32, #tpu.memory_space<vmem_shared>>
      %dma_start3A_130 = arith.constant 0 : i32
      %dma_start3A_131 = arith.constant 0 : i32
      %dma_start3A_132 = tpu.memref_slice %arg6[%run_scoped3A_24, %dma_start3A_130, %dma_start3A_131] : memref<2x80x128xf32, #tpu.memory_space<vmem>> -> memref<1x80x128xf32, #tpu.memory_space<vmem>>
      %dma_start3A_133 = tpu.memref_squeeze %dma_start3A_132 : memref<1x80x128xf32, #tpu.memory_space<vmem>> -> memref<80x128xf32, #tpu.memory_space<vmem>>
      tpu.enqueue_dma source(%dma_start3A_133 : memref<80x128xf32, #tpu.memory_space<vmem>>) target(%dma_start3A_129 : memref<80x128xf32, #tpu.memory_space<vmem_shared>>) target_semaphore(%run_scoped3A_121 : memref<!tpu.dma_semaphore, #tpu.memory_space<semaphore_mem>>)
      %dma_wait3A_134 = arith.constant 0 : i32
      %dma_wait3A_135 = arith.constant 0 : i32
      %dma_wait3A_136 = tpu.memref_slice %arg6[%run_scoped3A_24, %dma_wait3A_134, %dma_wait3A_135] : memref<2x80x128xf32, #tpu.memory_space<vmem>> -> memref<1x80x128xf32, #tpu.memory_space<vmem>>
      %dma_wait3A_137 = tpu.memref_squeeze %dma_wait3A_136 : memref<1x80x128xf32, #tpu.memory_space<vmem>> -> memref<80x128xf32, #tpu.memory_space<vmem>>
      %dma_wait3A_138 = arith.constant 0 : i32
      %dma_wait3A_139 = tpu.memref_slice %arg7[%add3A_23, %dma_wait3A_138] : memref<10240x128xf32, #tpu.memory_space<vmem_shared>> -> memref<80x128xf32, #tpu.memory_space<vmem_shared>>
      %dma_wait3A_140 = arith.constant 0 : i32
      %dma_wait3A_141 = tpu.memref_slice %arg7[%add3A_23, %dma_wait3A_140] : memref<10240x128xf32, #tpu.memory_space<vmem_shared>> -> memref<80x128xf32, #tpu.memory_space<vmem_shared>>
      %dma_wait3A_142 = arith.constant 0 : i32
      %dma_wait3A_143 = arith.constant 0 : i32
      %dma_wait3A_144 = tpu.memref_slice %arg6[%run_scoped3A_24, %dma_wait3A_142, %dma_wait3A_143] : memref<2x80x128xf32, #tpu.memory_space<vmem>> -> memref<1x80x128xf32, #tpu.memory_space<vmem>>
      %dma_wait3A_145 = tpu.memref_squeeze %dma_wait3A_144 : memref<1x80x128xf32, #tpu.memory_space<vmem>> -> memref<80x128xf32, #tpu.memory_space<vmem>>
      tpu.wait_dma2 semaphore(%run_scoped3A_121 : memref<!tpu.dma_semaphore, #tpu.memory_space<semaphore_mem>>) src(%dma_wait3A_145 : memref<80x128xf32, #tpu.memory_space<vmem>>) dst(%dma_wait3A_141 : memref<80x128xf32, #tpu.memory_space<vmem_shared>>)
      tpu.yield
    }) : () -> ()
    %mul3A_25 = arith.constant 640 : i32
    %mul3A_26 = arith.muli %arg1, %mul3A_25 : i32
    %add3A_27 = arith.constant 320 : i32
    %add3A_28 = arith.addi %mul3A_26, %add3A_27 : i32
    %run_scoped3A_29 = arith.constant 0 : i32
    "tpu.region"() ({
      %run_scoped3A_121 = tpu.sem_alloc : memref<!tpu.dma_semaphore, #tpu.memory_space<semaphore_mem>>
      %dma_start3A_122 = arith.constant 0 : i32
      %dma_start3A_123 = arith.constant 0 : i32
      %dma_start3A_124 = tpu.memref_slice %arg6[%run_scoped3A_29, %dma_start3A_122, %dma_start3A_123] : memref<2x80x128xf32, #tpu.memory_space<vmem>> -> memref<1x80x128xf32, #tpu.memory_space<vmem>>
      %dma_start3A_125 = tpu.memref_squeeze %dma_start3A_124 : memref<1x80x128xf32, #tpu.memory_space<vmem>> -> memref<80x128xf32, #tpu.memory_space<vmem>>
      %dma_start3A_126 = arith.constant 0 : i32
      %dma_start3A_127 = tpu.memref_slice %arg7[%add3A_28, %dma_start3A_126] : memref<10240x128xf32, #tpu.memory_space<vmem_shared>> -> memref<80x128xf32, #tpu.memory_space<vmem_shared>>
      %dma_start3A_128 = arith.constant 0 : i32
      %dma_start3A_129 = tpu.memref_slice %arg7[%add3A_28, %dma_start3A_128] : memref<10240x128xf32, #tpu.memory_space<vmem_shared>> -> memref<80x128xf32, #tpu.memory_space<vmem_shared>>
      %dma_start3A_130 = arith.constant 0 : i32
      %dma_start3A_131 = arith.constant 0 : i32
      %dma_start3A_132 = tpu.memref_slice %arg6[%run_scoped3A_29, %dma_start3A_130, %dma_start3A_131] : memref<2x80x128xf32, #tpu.memory_space<vmem>> -> memref<1x80x128xf32, #tpu.memory_space<vmem>>
      %dma_start3A_133 = tpu.memref_squeeze %dma_start3A_132 : memref<1x80x128xf32, #tpu.memory_space<vmem>> -> memref<80x128xf32, #tpu.memory_space<vmem>>
      tpu.enqueue_dma source(%dma_start3A_133 : memref<80x128xf32, #tpu.memory_space<vmem>>) target(%dma_start3A_129 : memref<80x128xf32, #tpu.memory_space<vmem_shared>>) target_semaphore(%run_scoped3A_121 : memref<!tpu.dma_semaphore, #tpu.memory_space<semaphore_mem>>)
      %dma_wait3A_134 = arith.constant 0 : i32
      %dma_wait3A_135 = arith.constant 0 : i32
      %dma_wait3A_136 = tpu.memref_slice %arg6[%run_scoped3A_29, %dma_wait3A_134, %dma_wait3A_135] : memref<2x80x128xf32, #tpu.memory_space<vmem>> -> memref<1x80x128xf32, #tpu.memory_space<vmem>>
      %dma_wait3A_137 = tpu.memref_squeeze %dma_wait3A_136 : memref<1x80x128xf32, #tpu.memory_space<vmem>> -> memref<80x128xf32, #tpu.memory_space<vmem>>
      %dma_wait3A_138 = arith.constant 0 : i32
      %dma_wait3A_139 = tpu.memref_slice %arg7[%add3A_28, %dma_wait3A_138] : memref<10240x128xf32, #tpu.memory_space<vmem_shared>> -> memref<80x128xf32, #tpu.memory_space<vmem_shared>>
      %dma_wait3A_140 = arith.constant 0 : i32
      %dma_wait3A_141 = tpu.memref_slice %arg7[%add3A_28, %dma_wait3A_140] : memref<10240x128xf32, #tpu.memory_space<vmem_shared>> -> memref<80x128xf32, #tpu.memory_space<vmem_shared>>
      %dma_wait3A_142 = arith.constant 0 : i32
      %dma_wait3A_143 = arith.constant 0 : i32
      %dma_wait3A_144 = tpu.memref_slice %arg6[%run_scoped3A_29, %dma_wait3A_142, %dma_wait3A_143] : memref<2x80x128xf32, #tpu.memory_space<vmem>> -> memref<1x80x128xf32, #tpu.memory_space<vmem>>
      %dma_wait3A_145 = tpu.memref_squeeze %dma_wait3A_144 : memref<1x80x128xf32, #tpu.memory_space<vmem>> -> memref<80x128xf32, #tpu.memory_space<vmem>>
      tpu.wait_dma2 semaphore(%run_scoped3A_121 : memref<!tpu.dma_semaphore, #tpu.memory_space<semaphore_mem>>) src(%dma_wait3A_145 : memref<80x128xf32, #tpu.memory_space<vmem>>) dst(%dma_wait3A_141 : memref<80x128xf32, #tpu.memory_space<vmem_shared>>)
      tpu.yield
    }) : () -> ()
    %mul3A_30 = arith.constant 640 : i32
    %mul3A_31 = arith.muli %arg1, %mul3A_30 : i32
    %add3A_32 = arith.constant 400 : i32
    %add3A_33 = arith.addi %mul3A_31, %add3A_32 : i32
    %run_scoped3A_34 = arith.constant 0 : i32
    "tpu.region"() ({
      %run_scoped3A_121 = tpu.sem_alloc : memref<!tpu.dma_semaphore, #tpu.memory_space<semaphore_mem>>
      %dma_start3A_122 = arith.constant 0 : i32
      %dma_start3A_123 = arith.constant 0 : i32
      %dma_start3A_124 = tpu.memref_slice %arg6[%run_scoped3A_34, %dma_start3A_122, %dma_start3A_123] : memref<2x80x128xf32, #tpu.memory_space<vmem>> -> memref<1x80x128xf32, #tpu.memory_space<vmem>>
      %dma_start3A_125 = tpu.memref_squeeze %dma_start3A_124 : memref<1x80x128xf32, #tpu.memory_space<vmem>> -> memref<80x128xf32, #tpu.memory_space<vmem>>
      %dma_start3A_126 = arith.constant 0 : i32
      %dma_start3A_127 = tpu.memref_slice %arg7[%add3A_33, %dma_start3A_126] : memref<10240x128xf32, #tpu.memory_space<vmem_shared>> -> memref<80x128xf32, #tpu.memory_space<vmem_shared>>
      %dma_start3A_128 = arith.constant 0 : i32
      %dma_start3A_129 = tpu.memref_slice %arg7[%add3A_33, %dma_start3A_128] : memref<10240x128xf32, #tpu.memory_space<vmem_shared>> -> memref<80x128xf32, #tpu.memory_space<vmem_shared>>
      %dma_start3A_130 = arith.constant 0 : i32
      %dma_start3A_131 = arith.constant 0 : i32
      %dma_start3A_132 = tpu.memref_slice %arg6[%run_scoped3A_34, %dma_start3A_130, %dma_start3A_131] : memref<2x80x128xf32, #tpu.memory_space<vmem>> -> memref<1x80x128xf32, #tpu.memory_space<vmem>>
      %dma_start3A_133 = tpu.memref_squeeze %dma_start3A_132 : memref<1x80x128xf32, #tpu.memory_space<vmem>> -> memref<80x128xf32, #tpu.memory_space<vmem>>
      tpu.enqueue_dma source(%dma_start3A_133 : memref<80x128xf32, #tpu.memory_space<vmem>>) target(%dma_start3A_129 : memref<80x128xf32, #tpu.memory_space<vmem_shared>>) target_semaphore(%run_scoped3A_121 : memref<!tpu.dma_semaphore, #tpu.memory_space<semaphore_mem>>)
      %dma_wait3A_134 = arith.constant 0 : i32
      %dma_wait3A_135 = arith.constant 0 : i32
      %dma_wait3A_136 = tpu.memref_slice %arg6[%run_scoped3A_34, %dma_wait3A_134, %dma_wait3A_135] : memref<2x80x128xf32, #tpu.memory_space<vmem>> -> memref<1x80x128xf32, #tpu.memory_space<vmem>>
      %dma_wait3A_137 = tpu.memref_squeeze %dma_wait3A_136 : memref<1x80x128xf32, #tpu.memory_space<vmem>> -> memref<80x128xf32, #tpu.memory_space<vmem>>
      %dma_wait3A_138 = arith.constant 0 : i32
      %dma_wait3A_139 = tpu.memref_slice %arg7[%add3A_33, %dma_wait3A_138] : memref<10240x128xf32, #tpu.memory_space<vmem_shared>> -> memref<80x128xf32, #tpu.memory_space<vmem_shared>>
      %dma_wait3A_140 = arith.constant 0 : i32
      %dma_wait3A_141 = tpu.memref_slice %arg7[%add3A_33, %dma_wait3A_140] : memref<10240x128xf32, #tpu.memory_space<vmem_shared>> -> memref<80x128xf32, #tpu.memory_space<vmem_shared>>
      %dma_wait3A_142 = arith.constant 0 : i32
      %dma_wait3A_143 = arith.constant 0 : i32
      %dma_wait3A_144 = tpu.memref_slice %arg6[%run_scoped3A_34, %dma_wait3A_142, %dma_wait3A_143] : memref<2x80x128xf32, #tpu.memory_space<vmem>> -> memref<1x80x128xf32, #tpu.memory_space<vmem>>
      %dma_wait3A_145 = tpu.memref_squeeze %dma_wait3A_144 : memref<1x80x128xf32, #tpu.memory_space<vmem>> -> memref<80x128xf32, #tpu.memory_space<vmem>>
      tpu.wait_dma2 semaphore(%run_scoped3A_121 : memref<!tpu.dma_semaphore, #tpu.memory_space<semaphore_mem>>) src(%dma_wait3A_145 : memref<80x128xf32, #tpu.memory_space<vmem>>) dst(%dma_wait3A_141 : memref<80x128xf32, #tpu.memory_space<vmem_shared>>)
      tpu.yield
    }) : () -> ()
    %mul3A_35 = arith.constant 640 : i32
    %mul3A_36 = arith.muli %arg1, %mul3A_35 : i32
    %add3A_37 = arith.constant 480 : i32
    %add3A_38 = arith.addi %mul3A_36, %add3A_37 : i32
    %run_scoped3A_39 = arith.constant 0 : i32
    "tpu.region"() ({
      %run_scoped3A_121 = tpu.sem_alloc : memref<!tpu.dma_semaphore, #tpu.memory_space<semaphore_mem>>
      %dma_start3A_122 = arith.constant 0 : i32
      %dma_start3A_123 = arith.constant 0 : i32
      %dma_start3A_124 = tpu.memref_slice %arg6[%run_scoped3A_39, %dma_start3A_122, %dma_start3A_123] : memref<2x80x128xf32, #tpu.memory_space<vmem>> -> memref<1x80x128xf32, #tpu.memory_space<vmem>>
      %dma_start3A_125 = tpu.memref_squeeze %dma_start3A_124 : memref<1x80x128xf32, #tpu.memory_space<vmem>> -> memref<80x128xf32, #tpu.memory_space<vmem>>
      %dma_start3A_126 = arith.constant 0 : i32
      %dma_start3A_127 = tpu.memref_slice %arg7[%add3A_38, %dma_start3A_126] : memref<10240x128xf32, #tpu.memory_space<vmem_shared>> -> memref<80x128xf32, #tpu.memory_space<vmem_shared>>
      %dma_start3A_128 = arith.constant 0 : i32
      %dma_start3A_129 = tpu.memref_slice %arg7[%add3A_38, %dma_start3A_128] : memref<10240x128xf32, #tpu.memory_space<vmem_shared>> -> memref<80x128xf32, #tpu.memory_space<vmem_shared>>
      %dma_start3A_130 = arith.constant 0 : i32
      %dma_start3A_131 = arith.constant 0 : i32
      %dma_start3A_132 = tpu.memref_slice %arg6[%run_scoped3A_39, %dma_start3A_130, %dma_start3A_131] : memref<2x80x128xf32, #tpu.memory_space<vmem>> -> memref<1x80x128xf32, #tpu.memory_space<vmem>>
      %dma_start3A_133 = tpu.memref_squeeze %dma_start3A_132 : memref<1x80x128xf32, #tpu.memory_space<vmem>> -> memref<80x128xf32, #tpu.memory_space<vmem>>
      tpu.enqueue_dma source(%dma_start3A_133 : memref<80x128xf32, #tpu.memory_space<vmem>>) target(%dma_start3A_129 : memref<80x128xf32, #tpu.memory_space<vmem_shared>>) target_semaphore(%run_scoped3A_121 : memref<!tpu.dma_semaphore, #tpu.memory_space<semaphore_mem>>)
      %dma_wait3A_134 = arith.constant 0 : i32
      %dma_wait3A_135 = arith.constant 0 : i32
      %dma_wait3A_136 = tpu.memref_slice %arg6[%run_scoped3A_39, %dma_wait3A_134, %dma_wait3A_135] : memref<2x80x128xf32, #tpu.memory_space<vmem>> -> memref<1x80x128xf32, #tpu.memory_space<vmem>>
      %dma_wait3A_137 = tpu.memref_squeeze %dma_wait3A_136 : memref<1x80x128xf32, #tpu.memory_space<vmem>> -> memref<80x128xf32, #tpu.memory_space<vmem>>
      %dma_wait3A_138 = arith.constant 0 : i32
      %dma_wait3A_139 = tpu.memref_slice %arg7[%add3A_38, %dma_wait3A_138] : memref<10240x128xf32, #tpu.memory_space<vmem_shared>> -> memref<80x128xf32, #tpu.memory_space<vmem_shared>>
      %dma_wait3A_140 = arith.constant 0 : i32
      %dma_wait3A_141 = tpu.memref_slice %arg7[%add3A_38, %dma_wait3A_140] : memref<10240x128xf32, #tpu.memory_space<vmem_shared>> -> memref<80x128xf32, #tpu.memory_space<vmem_shared>>
      %dma_wait3A_142 = arith.constant 0 : i32
      %dma_wait3A_143 = arith.constant 0 : i32
      %dma_wait3A_144 = tpu.memref_slice %arg6[%run_scoped3A_39, %dma_wait3A_142, %dma_wait3A_143] : memref<2x80x128xf32, #tpu.memory_space<vmem>> -> memref<1x80x128xf32, #tpu.memory_space<vmem>>
      %dma_wait3A_145 = tpu.memref_squeeze %dma_wait3A_144 : memref<1x80x128xf32, #tpu.memory_space<vmem>> -> memref<80x128xf32, #tpu.memory_space<vmem>>
      tpu.wait_dma2 semaphore(%run_scoped3A_121 : memref<!tpu.dma_semaphore, #tpu.memory_space<semaphore_mem>>) src(%dma_wait3A_145 : memref<80x128xf32, #tpu.memory_space<vmem>>) dst(%dma_wait3A_141 : memref<80x128xf32, #tpu.memory_space<vmem_shared>>)
      tpu.yield
    }) : () -> ()
    %mul3A_40 = arith.constant 640 : i32
    %mul3A_41 = arith.muli %arg1, %mul3A_40 : i32
    %add3A_42 = arith.constant 560 : i32
    %add3A_43 = arith.addi %mul3A_41, %add3A_42 : i32
    %run_scoped3A_44 = arith.constant 0 : i32
    "tpu.region"() ({
      %run_scoped3A_121 = tpu.sem_alloc : memref<!tpu.dma_semaphore, #tpu.memory_space<semaphore_mem>>
      %dma_start3A_122 = arith.constant 0 : i32
      %dma_start3A_123 = arith.constant 0 : i32
      %dma_start3A_124 = tpu.memref_slice %arg6[%run_scoped3A_44, %dma_start3A_122, %dma_start3A_123] : memref<2x80x128xf32, #tpu.memory_space<vmem>> -> memref<1x80x128xf32, #tpu.memory_space<vmem>>
      %dma_start3A_125 = tpu.memref_squeeze %dma_start3A_124 : memref<1x80x128xf32, #tpu.memory_space<vmem>> -> memref<80x128xf32, #tpu.memory_space<vmem>>
      %dma_start3A_126 = arith.constant 0 : i32
      %dma_start3A_127 = tpu.memref_slice %arg7[%add3A_43, %dma_start3A_126] : memref<10240x128xf32, #tpu.memory_space<vmem_shared>> -> memref<80x128xf32, #tpu.memory_space<vmem_shared>>
      %dma_start3A_128 = arith.constant 0 : i32
      %dma_start3A_129 = tpu.memref_slice %arg7[%add3A_43, %dma_start3A_128] : memref<10240x128xf32, #tpu.memory_space<vmem_shared>> -> memref<80x128xf32, #tpu.memory_space<vmem_shared>>
      %dma_start3A_130 = arith.constant 0 : i32
      %dma_start3A_131 = arith.constant 0 : i32
      %dma_start3A_132 = tpu.memref_slice %arg6[%run_scoped3A_44, %dma_start3A_130, %dma_start3A_131] : memref<2x80x128xf32, #tpu.memory_space<vmem>> -> memref<1x80x128xf32, #tpu.memory_space<vmem>>
      %dma_start3A_133 = tpu.memref_squeeze %dma_start3A_132 : memref<1x80x128xf32, #tpu.memory_space<vmem>> -> memref<80x128xf32, #tpu.memory_space<vmem>>
      tpu.enqueue_dma source(%dma_start3A_133 : memref<80x128xf32, #tpu.memory_space<vmem>>) target(%dma_start3A_129 : memref<80x128xf32, #tpu.memory_space<vmem_shared>>) target_semaphore(%run_scoped3A_121 : memref<!tpu.dma_semaphore, #tpu.memory_space<semaphore_mem>>)
      %dma_wait3A_134 = arith.constant 0 : i32
      %dma_wait3A_135 = arith.constant 0 : i32
      %dma_wait3A_136 = tpu.memref_slice %arg6[%run_scoped3A_44, %dma_wait3A_134, %dma_wait3A_135] : memref<2x80x128xf32, #tpu.memory_space<vmem>> -> memref<1x80x128xf32, #tpu.memory_space<vmem>>
      %dma_wait3A_137 = tpu.memref_squeeze %dma_wait3A_136 : memref<1x80x128xf32, #tpu.memory_space<vmem>> -> memref<80x128xf32, #tpu.memory_space<vmem>>
      %dma_wait3A_138 = arith.constant 0 : i32
      %dma_wait3A_139 = tpu.memref_slice %arg7[%add3A_43, %dma_wait3A_138] : memref<10240x128xf32, #tpu.memory_space<vmem_shared>> -> memref<80x128xf32, #tpu.memory_space<vmem_shared>>
      %dma_wait3A_140 = arith.constant 0 : i32
      %dma_wait3A_141 = tpu.memref_slice %arg7[%add3A_43, %dma_wait3A_140] : memref<10240x128xf32, #tpu.memory_space<vmem_shared>> -> memref<80x128xf32, #tpu.memory_space<vmem_shared>>
      %dma_wait3A_142 = arith.constant 0 : i32
      %dma_wait3A_143 = arith.constant 0 : i32
      %dma_wait3A_144 = tpu.memref_slice %arg6[%run_scoped3A_44, %dma_wait3A_142, %dma_wait3A_143] : memref<2x80x128xf32, #tpu.memory_space<vmem>> -> memref<1x80x128xf32, #tpu.memory_space<vmem>>
      %dma_wait3A_145 = tpu.memref_squeeze %dma_wait3A_144 : memref<1x80x128xf32, #tpu.memory_space<vmem>> -> memref<80x128xf32, #tpu.memory_space<vmem>>
      tpu.wait_dma2 semaphore(%run_scoped3A_121 : memref<!tpu.dma_semaphore, #tpu.memory_space<semaphore_mem>>) src(%dma_wait3A_145 : memref<80x128xf32, #tpu.memory_space<vmem>>) dst(%dma_wait3A_141 : memref<80x128xf32, #tpu.memory_space<vmem_shared>>)
      tpu.yield
    }) : () -> ()
    %barrier3A = arith.constant 0 : index
    tpu.barrier barrier_id(%barrier3A)
    %dma_start3A = arith.constant 0 : i32
    %dma_start3A_45 = arith.constant 0 : i32
    %dma_start3A_46 = arith.constant 0 : i32
    %dma_start3A_47 = arith.constant 0 : i32
    %dma_start3A_48 = tpu.memref_slice %arg5[%dma_start3A_45, %dma_start3A_46, %dma_start3A_47] : memref<2x2x80xi32, #tpu.memory_space<vmem>> -> memref<1x2x80xi32, #tpu.memory_space<vmem>>
    %dma_start3A_49 = tpu.memref_squeeze %dma_start3A_48 : memref<1x2x80xi32, #tpu.memory_space<vmem>> -> memref<2x80xi32, #tpu.memory_space<vmem>>
    %dma_start3A_50 = arith.constant 0 : i32
    %dma_start3A_51 = arith.constant 0 : i32
    %dma_start3A_52 = tpu.memref_slice %arg3[%add3A, %dma_start3A, %dma_start3A_50, %dma_start3A_51] : memref<32x125x2x80xi32, #tpu.memory_space<hbm>> -> memref<1x1x2x80xi32, #tpu.memory_space<hbm>>
    %dma_start3A_53 = tpu.memref_squeeze %dma_start3A_52 : memref<1x1x2x80xi32, #tpu.memory_space<hbm>> -> memref<2x80xi32, #tpu.memory_space<hbm>>
    %dma_start3A_54 = arith.constant 0 : i32
    %dma_start3A_55 = arith.constant 0 : i32
    %dma_start3A_56 = tpu.memref_slice %arg5[%dma_start3A_45, %dma_start3A_54, %dma_start3A_55] : memref<2x2x80xi32, #tpu.memory_space<vmem>> -> memref<1x2x80xi32, #tpu.memory_space<vmem>>
    %dma_start3A_57 = tpu.memref_squeeze %dma_start3A_56 : memref<1x2x80xi32, #tpu.memory_space<vmem>> -> memref<2x80xi32, #tpu.memory_space<vmem>>
    %dma_start3A_58 = arith.constant 0 : i32
    %dma_start3A_59 = arith.constant 0 : i32
    %dma_start3A_60 = tpu.memref_slice %arg3[%add3A, %dma_start3A, %dma_start3A_58, %dma_start3A_59] : memref<32x125x2x80xi32, #tpu.memory_space<hbm>> -> memref<1x1x2x80xi32, #tpu.memory_space<hbm>>
    %dma_start3A_61 = tpu.memref_squeeze %dma_start3A_60 : memref<1x1x2x80xi32, #tpu.memory_space<hbm>> -> memref<2x80xi32, #tpu.memory_space<hbm>>
    tpu.enqueue_dma source(%dma_start3A_61 : memref<2x80xi32, #tpu.memory_space<hbm>>) target(%dma_start3A_57 : memref<2x80xi32, #tpu.memory_space<vmem>>) target_semaphore(%arg8 : memref<!tpu.dma_semaphore, #tpu.memory_space<semaphore_mem>>)
    %dma_wait3A = arith.constant 0 : i32
    %dma_wait3A_62 = arith.constant 0 : i32
    %dma_wait3A_63 = arith.constant 0 : i32
    %dma_wait3A_64 = arith.constant 0 : i32
    %dma_wait3A_65 = tpu.memref_slice %arg5[%dma_wait3A_62, %dma_wait3A_63, %dma_wait3A_64] : memref<2x2x80xi32, #tpu.memory_space<vmem>> -> memref<1x2x80xi32, #tpu.memory_space<vmem>>
    %dma_wait3A_66 = tpu.memref_squeeze %dma_wait3A_65 : memref<1x2x80xi32, #tpu.memory_space<vmem>> -> memref<2x80xi32, #tpu.memory_space<vmem>>
    %dma_wait3A_67 = arith.constant 0 : i32
    %dma_wait3A_68 = arith.constant 0 : i32
    %dma_wait3A_69 = tpu.memref_slice %arg3[%add3A, %dma_wait3A, %dma_wait3A_67, %dma_wait3A_68] : memref<32x125x2x80xi32, #tpu.memory_space<hbm>> -> memref<1x1x2x80xi32, #tpu.memory_space<hbm>>
    %dma_wait3A_70 = tpu.memref_squeeze %dma_wait3A_69 : memref<1x1x2x80xi32, #tpu.memory_space<hbm>> -> memref<2x80xi32, #tpu.memory_space<hbm>>
    %dma_wait3A_71 = arith.constant 0 : i32
    %dma_wait3A_72 = arith.constant 0 : i32
    %dma_wait3A_73 = tpu.memref_slice %arg5[%dma_wait3A_62, %dma_wait3A_71, %dma_wait3A_72] : memref<2x2x80xi32, #tpu.memory_space<vmem>> -> memref<1x2x80xi32, #tpu.memory_space<vmem>>
    %dma_wait3A_74 = tpu.memref_squeeze %dma_wait3A_73 : memref<1x2x80xi32, #tpu.memory_space<vmem>> -> memref<2x80xi32, #tpu.memory_space<vmem>>
    %dma_wait3A_75 = arith.constant 0 : i32
    %dma_wait3A_76 = arith.constant 0 : i32
    %dma_wait3A_77 = tpu.memref_slice %arg3[%add3A, %dma_wait3A, %dma_wait3A_75, %dma_wait3A_76] : memref<32x125x2x80xi32, #tpu.memory_space<hbm>> -> memref<1x1x2x80xi32, #tpu.memory_space<hbm>>
    %dma_wait3A_78 = tpu.memref_squeeze %dma_wait3A_77 : memref<1x1x2x80xi32, #tpu.memory_space<hbm>> -> memref<2x80xi32, #tpu.memory_space<hbm>>
    tpu.wait_dma2 semaphore(%arg8 : memref<!tpu.dma_semaphore, #tpu.memory_space<semaphore_mem>>) src(%dma_wait3A_78 : memref<2x80xi32, #tpu.memory_space<hbm>>) dst(%dma_wait3A_74 : memref<2x80xi32, #tpu.memory_space<vmem>>)
    %dma_start3A_79 = arith.constant 1 : i32
    %dma_start3A_80 = arith.constant 1 : i32
    %dma_start3A_81 = arith.constant 0 : i32
    %dma_start3A_82 = arith.constant 0 : i32
    %dma_start3A_83 = tpu.memref_slice %arg5[%dma_start3A_80, %dma_start3A_81, %dma_start3A_82] : memref<2x2x80xi32, #tpu.memory_space<vmem>> -> memref<1x2x80xi32, #tpu.memory_space<vmem>>
    %dma_start3A_84 = tpu.memref_squeeze %dma_start3A_83 : memref<1x2x80xi32, #tpu.memory_space<vmem>> -> memref<2x80xi32, #tpu.memory_space<vmem>>
    %dma_start3A_85 = arith.constant 0 : i32
    %dma_start3A_86 = arith.constant 0 : i32
    %dma_start3A_87 = tpu.memref_slice %arg3[%add3A, %dma_start3A_79, %dma_start3A_85, %dma_start3A_86] : memref<32x125x2x80xi32, #tpu.memory_space<hbm>> -> memref<1x1x2x80xi32, #tpu.memory_space<hbm>>
    %dma_start3A_88 = tpu.memref_squeeze %dma_start3A_87 : memref<1x1x2x80xi32, #tpu.memory_space<hbm>> -> memref<2x80xi32, #tpu.memory_space<hbm>>
    %dma_start3A_89 = arith.constant 0 : i32
    %dma_start3A_90 = arith.constant 0 : i32
    %dma_start3A_91 = tpu.memref_slice %arg5[%dma_start3A_80, %dma_start3A_89, %dma_start3A_90] : memref<2x2x80xi32, #tpu.memory_space<vmem>> -> memref<1x2x80xi32, #tpu.memory_space<vmem>>
    %dma_start3A_92 = tpu.memref_squeeze %dma_start3A_91 : memref<1x2x80xi32, #tpu.memory_space<vmem>> -> memref<2x80xi32, #tpu.memory_space<vmem>>
    %dma_start3A_93 = arith.constant 0 : i32
    %dma_start3A_94 = arith.constant 0 : i32
    %dma_start3A_95 = tpu.memref_slice %arg3[%add3A, %dma_start3A_79, %dma_start3A_93, %dma_start3A_94] : memref<32x125x2x80xi32, #tpu.memory_space<hbm>> -> memref<1x1x2x80xi32, #tpu.memory_space<hbm>>
    %dma_start3A_96 = tpu.memref_squeeze %dma_start3A_95 : memref<1x1x2x80xi32, #tpu.memory_space<hbm>> -> memref<2x80xi32, #tpu.memory_space<hbm>>
    tpu.enqueue_dma source(%dma_start3A_96 : memref<2x80xi32, #tpu.memory_space<hbm>>) target(%dma_start3A_92 : memref<2x80xi32, #tpu.memory_space<vmem>>) target_semaphore(%arg8 : memref<!tpu.dma_semaphore, #tpu.memory_space<semaphore_mem>>)
    %dma_start3A_97 = arith.constant 0 : i32
    %dma_start3A_98 = arith.constant 0 : i32
    %dma_start3A_99 = arith.constant 0 : i32
    %dma_start3A_100 = arith.constant 0 : i32
    %dma_start3A_101 = arith.constant 0 : i32
    %dma_start3A_102 = tpu.memref_slice %arg6[%dma_start3A_99, %dma_start3A_100, %dma_start3A_101] : memref<2x80x128xf32, #tpu.memory_space<vmem>> -> memref<1x80x128xf32, #tpu.memory_space<vmem>>
    %dma_start3A_103 = tpu.memref_squeeze %dma_start3A_102 : memref<1x80x128xf32, #tpu.memory_space<vmem>> -> memref<80x128xf32, #tpu.memory_space<vmem>>
    %dma_start3A_104 = arith.constant 0 : i32
    %dma_start3A_105 = tpu.memref_slice %arg5[%dma_start3A_97, %dma_start3A_98, %dma_start3A_104] : memref<2x2x80xi32, #tpu.memory_space<vmem>> -> memref<1x1x80xi32, #tpu.memory_space<vmem>>
    %dma_start3A_106 = tpu.memref_squeeze %dma_start3A_105 : memref<1x1x80xi32, #tpu.memory_space<vmem>> -> memref<80xi32, #tpu.memory_space<vmem>>
    %dma_start3A_107 = arith.constant 0 : i32
    %dma_start3A_108 = arith.constant 0 : i32
    %dma_start3A_109 = tpu.memref_slice %arg2[%dma_start3A_107, %dma_start3A_108] : memref<10240x128xf32, #tpu.memory_space<hbm>> -> memref<10240x128xf32, #tpu.memory_space<hbm>>
    tpu.enqueue_indirect_dma source(%dma_start3A_109 : memref<10240x128xf32, #tpu.memory_space<hbm>>) target(%dma_start3A_103 : memref<80x128xf32, #tpu.memory_space<vmem>>) offsets(%dma_start3A_106 : memref<80xi32, #tpu.memory_space<vmem>>) semaphore(%arg9 : memref<!tpu.dma_semaphore, #tpu.memory_space<semaphore_mem>>)
    %scan3A_110 = arith.constant 0 : i32
    %scan3A_111 = arith.constant 0 : i32
    %scan3A_112 = arith.constant 125 : i32
    %scan3A_113 = arith.addi %scan3A_111, %scan3A_112 : i32
    %scan3A_114 = arith.constant 1 : i32
    scf.for %scan3A_121 = %scan3A_111 to %scan3A_113 step %scan3A_114  : i32 {
      %and3A = arith.constant 1 : i32
      %and3A_122 = arith.andi %scan3A_121, %and3A : i32
      %dma_wait3A_123 = arith.constant 0 : i32
      %dma_wait3A_124 = arith.constant 0 : i32
      %dma_wait3A_125 = arith.constant 0 : i32
      %dma_wait3A_126 = tpu.memref_slice %arg6[%and3A_122, %dma_wait3A_124, %dma_wait3A_125] : memref<2x80x128xf32, #tpu.memory_space<vmem>> -> memref<1x80x128xf32, #tpu.memory_space<vmem>>
      %dma_wait3A_127 = tpu.memref_squeeze %dma_wait3A_126 : memref<1x80x128xf32, #tpu.memory_space<vmem>> -> memref<80x128xf32, #tpu.memory_space<vmem>>
      %dma_wait3A_128 = arith.constant 0 : i32
      %dma_wait3A_129 = tpu.memref_slice %arg5[%and3A_122, %dma_wait3A_123, %dma_wait3A_128] : memref<2x2x80xi32, #tpu.memory_space<vmem>> -> memref<1x1x80xi32, #tpu.memory_space<vmem>>
      %dma_wait3A_130 = tpu.memref_squeeze %dma_wait3A_129 : memref<1x1x80xi32, #tpu.memory_space<vmem>> -> memref<80xi32, #tpu.memory_space<vmem>>
      %dma_wait3A_131 = arith.constant 0 : i32
      %dma_wait3A_132 = arith.constant 0 : i32
      %dma_wait3A_133 = tpu.memref_slice %arg2[%dma_wait3A_131, %dma_wait3A_132] : memref<10240x128xf32, #tpu.memory_space<hbm>> -> memref<10240x128xf32, #tpu.memory_space<hbm>>
      tpu.wait_indirect_dma semaphore(%arg9 : memref<!tpu.dma_semaphore, #tpu.memory_space<semaphore_mem>>) src(%dma_wait3A_133 : memref<10240x128xf32, #tpu.memory_space<hbm>>) dst(%dma_wait3A_127 : memref<80x128xf32, #tpu.memory_space<vmem>>)
      %add3A_134 = arith.constant 1 : i32
      %add3A_135 = arith.addi %scan3A_121, %add3A_134 : i32
      %lt3A = arith.constant 125 : i32
      %lt3A_136 = arith.cmpi slt, %add3A_135, %lt3A : i32
      %convert_element_type3A = arith.extui %lt3A_136 : i1 to i32
      %cond3A = arith.constant 0 : i32
      %cond3A_137 = arith.cmpi ne, %convert_element_type3A, %cond3A : i32
      scf.if %cond3A_137 {
        %add3A_146 = arith.constant 1 : i32
        %add3A_147 = arith.addi %scan3A_121, %add3A_146 : i32
        %sub3A = arith.constant 1 : i32
        %sub3A_148 = arith.subi %sub3A, %and3A_122 : i32
        %dma_wait3A_149 = arith.constant 0 : i32
        %dma_wait3A_150 = arith.constant 0 : i32
        %dma_wait3A_151 = tpu.memref_slice %arg5[%sub3A_148, %dma_wait3A_149, %dma_wait3A_150] : memref<2x2x80xi32, #tpu.memory_space<vmem>> -> memref<1x2x80xi32, #tpu.memory_space<vmem>>
        %dma_wait3A_152 = tpu.memref_squeeze %dma_wait3A_151 : memref<1x2x80xi32, #tpu.memory_space<vmem>> -> memref<2x80xi32, #tpu.memory_space<vmem>>
        %dma_wait3A_153 = arith.constant 0 : i32
        %dma_wait3A_154 = arith.constant 0 : i32
        %dma_wait3A_155 = tpu.memref_slice %arg3[%add3A, %add3A_147, %dma_wait3A_153, %dma_wait3A_154] : memref<32x125x2x80xi32, #tpu.memory_space<hbm>> -> memref<1x1x2x80xi32, #tpu.memory_space<hbm>>
        %dma_wait3A_156 = tpu.memref_squeeze %dma_wait3A_155 : memref<1x1x2x80xi32, #tpu.memory_space<hbm>> -> memref<2x80xi32, #tpu.memory_space<hbm>>
        %dma_wait3A_157 = arith.constant 0 : i32
        %dma_wait3A_158 = arith.constant 0 : i32
        %dma_wait3A_159 = tpu.memref_slice %arg5[%sub3A_148, %dma_wait3A_157, %dma_wait3A_158] : memref<2x2x80xi32, #tpu.memory_space<vmem>> -> memref<1x2x80xi32, #tpu.memory_space<vmem>>
        %dma_wait3A_160 = tpu.memref_squeeze %dma_wait3A_159 : memref<1x2x80xi32, #tpu.memory_space<vmem>> -> memref<2x80xi32, #tpu.memory_space<vmem>>
        %dma_wait3A_161 = arith.constant 0 : i32
        %dma_wait3A_162 = arith.constant 0 : i32
        %dma_wait3A_163 = tpu.memref_slice %arg3[%add3A, %add3A_147, %dma_wait3A_161, %dma_wait3A_162] : memref<32x125x2x80xi32, #tpu.memory_space<hbm>> -> memref<1x1x2x80xi32, #tpu.memory_space<hbm>>
        %dma_wait3A_164 = tpu.memref_squeeze %dma_wait3A_163 : memref<1x1x2x80xi32, #tpu.memory_space<hbm>> -> memref<2x80xi32, #tpu.memory_space<hbm>>
        tpu.wait_dma2 semaphore(%arg8 : memref<!tpu.dma_semaphore, #tpu.memory_space<semaphore_mem>>) src(%dma_wait3A_164 : memref<2x80xi32, #tpu.memory_space<hbm>>) dst(%dma_wait3A_160 : memref<2x80xi32, #tpu.memory_space<vmem>>)
        %sub3A_165 = arith.constant 1 : i32
        %sub3A_166 = arith.subi %sub3A_165, %and3A_122 : i32
        %sub3A_167 = arith.constant 1 : i32
        %sub3A_168 = arith.subi %sub3A_167, %and3A_122 : i32
        %dma_start3A_169 = arith.constant 0 : i32
        %dma_start3A_170 = arith.constant 0 : i32
        %dma_start3A_171 = arith.constant 0 : i32
        %dma_start3A_172 = tpu.memref_slice %arg6[%sub3A_168, %dma_start3A_170, %dma_start3A_171] : memref<2x80x128xf32, #tpu.memory_space<vmem>> -> memref<1x80x128xf32, #tpu.memory_space<vmem>>
        %dma_start3A_173 = tpu.memref_squeeze %dma_start3A_172 : memref<1x80x128xf32, #tpu.memory_space<vmem>> -> memref<80x128xf32, #tpu.memory_space<vmem>>
        %dma_start3A_174 = arith.constant 0 : i32
        %dma_start3A_175 = tpu.memref_slice %arg5[%sub3A_166, %dma_start3A_169, %dma_start3A_174] : memref<2x2x80xi32, #tpu.memory_space<vmem>> -> memref<1x1x80xi32, #tpu.memory_space<vmem>>
        %dma_start3A_176 = tpu.memref_squeeze %dma_start3A_175 : memref<1x1x80xi32, #tpu.memory_space<vmem>> -> memref<80xi32, #tpu.memory_space<vmem>>
        %dma_start3A_177 = arith.constant 0 : i32
        %dma_start3A_178 = arith.constant 0 : i32
        %dma_start3A_179 = tpu.memref_slice %arg2[%dma_start3A_177, %dma_start3A_178] : memref<10240x128xf32, #tpu.memory_space<hbm>> -> memref<10240x128xf32, #tpu.memory_space<hbm>>
        tpu.enqueue_indirect_dma source(%dma_start3A_179 : memref<10240x128xf32, #tpu.memory_space<hbm>>) target(%dma_start3A_173 : memref<80x128xf32, #tpu.memory_space<vmem>>) offsets(%dma_start3A_176 : memref<80xi32, #tpu.memory_space<vmem>>) semaphore(%arg9 : memref<!tpu.dma_semaphore, #tpu.memory_space<semaphore_mem>>)
      } else {
      }
      %run_scoped3A_138 = arith.constant 1 : i32
      "tpu.region"() ({
        %run_scoped3A_146 = tpu.sem_alloc : memref<!tpu.dma_semaphore, #tpu.memory_space<semaphore_mem>>
        %dma_start3A_147 = arith.constant 0 : i32
        %dma_start3A_148 = arith.constant 0 : i32
        %dma_start3A_149 = tpu.memref_slice %arg6[%and3A_122, %dma_start3A_147, %dma_start3A_148] : memref<2x80x128xf32, #tpu.memory_space<vmem>> -> memref<1x80x128xf32, #tpu.memory_space<vmem>>
        %dma_start3A_150 = tpu.memref_squeeze %dma_start3A_149 : memref<1x80x128xf32, #tpu.memory_space<vmem>> -> memref<80x128xf32, #tpu.memory_space<vmem>>
        %dma_start3A_151 = arith.constant 0 : i32
        %dma_start3A_152 = tpu.memref_slice %arg5[%and3A_122, %run_scoped3A_138, %dma_start3A_151] : memref<2x2x80xi32, #tpu.memory_space<vmem>> -> memref<1x1x80xi32, #tpu.memory_space<vmem>>
        %dma_start3A_153 = tpu.memref_squeeze %dma_start3A_152 : memref<1x1x80xi32, #tpu.memory_space<vmem>> -> memref<80xi32, #tpu.memory_space<vmem>>
        %dma_start3A_154 = arith.constant 0 : i32
        %dma_start3A_155 = arith.constant 0 : i32
        %dma_start3A_156 = tpu.memref_slice %arg7[%dma_start3A_154, %dma_start3A_155] : memref<10240x128xf32, #tpu.memory_space<vmem_shared>> -> memref<10240x128xf32, #tpu.memory_space<vmem_shared>>
        tpu.enqueue_indirect_dma source(%dma_start3A_150 : memref<80x128xf32, #tpu.memory_space<vmem>>) target(%dma_start3A_156 : memref<10240x128xf32, #tpu.memory_space<vmem_shared>>) offsets(%dma_start3A_153 : memref<80xi32, #tpu.memory_space<vmem>>) semaphore(%run_scoped3A_146 : memref<!tpu.dma_semaphore, #tpu.memory_space<semaphore_mem>>) {add = true}
        %dma_wait3A_157 = arith.constant 0 : i32
        %dma_wait3A_158 = arith.constant 0 : i32
        %dma_wait3A_159 = tpu.memref_slice %arg6[%and3A_122, %dma_wait3A_157, %dma_wait3A_158] : memref<2x80x128xf32, #tpu.memory_space<vmem>> -> memref<1x80x128xf32, #tpu.memory_space<vmem>>
        %dma_wait3A_160 = tpu.memref_squeeze %dma_wait3A_159 : memref<1x80x128xf32, #tpu.memory_space<vmem>> -> memref<80x128xf32, #tpu.memory_space<vmem>>
        %dma_wait3A_161 = arith.constant 0 : i32
        %dma_wait3A_162 = tpu.memref_slice %arg5[%and3A_122, %run_scoped3A_138, %dma_wait3A_161] : memref<2x2x80xi32, #tpu.memory_space<vmem>> -> memref<1x1x80xi32, #tpu.memory_space<vmem>>
        %dma_wait3A_163 = tpu.memref_squeeze %dma_wait3A_162 : memref<1x1x80xi32, #tpu.memory_space<vmem>> -> memref<80xi32, #tpu.memory_space<vmem>>
        %dma_wait3A_164 = arith.constant 0 : i32
        %dma_wait3A_165 = arith.constant 0 : i32
        %dma_wait3A_166 = tpu.memref_slice %arg7[%dma_wait3A_164, %dma_wait3A_165] : memref<10240x128xf32, #tpu.memory_space<vmem_shared>> -> memref<10240x128xf32, #tpu.memory_space<vmem_shared>>
        tpu.wait_indirect_dma semaphore(%run_scoped3A_146 : memref<!tpu.dma_semaphore, #tpu.memory_space<semaphore_mem>>) src(%dma_wait3A_160 : memref<80x128xf32, #tpu.memory_space<vmem>>) dst(%dma_wait3A_166 : memref<10240x128xf32, #tpu.memory_space<vmem_shared>>)
        tpu.yield
      }) : () -> ()
      %add3A_139 = arith.constant 2 : i32
      %add3A_140 = arith.addi %scan3A_121, %add3A_139 : i32
      %lt3A_141 = arith.constant 125 : i32
      %lt3A_142 = arith.cmpi slt, %add3A_140, %lt3A_141 : i32
      %convert_element_type3A_143 = arith.extui %lt3A_142 : i1 to i32
      %cond3A_144 = arith.constant 0 : i32
      %cond3A_145 = arith.cmpi ne, %convert_element_type3A_143, %cond3A_144 : i32
      scf.if %cond3A_145 {
        %add3A_146 = arith.constant 2 : i32
        %add3A_147 = arith.addi %scan3A_121, %add3A_146 : i32
        %dma_start3A_148 = arith.constant 0 : i32
        %dma_start3A_149 = arith.constant 0 : i32
        %dma_start3A_150 = tpu.memref_slice %arg5[%and3A_122, %dma_start3A_148, %dma_start3A_149] : memref<2x2x80xi32, #tpu.memory_space<vmem>> -> memref<1x2x80xi32, #tpu.memory_space<vmem>>
        %dma_start3A_151 = tpu.memref_squeeze %dma_start3A_150 : memref<1x2x80xi32, #tpu.memory_space<vmem>> -> memref<2x80xi32, #tpu.memory_space<vmem>>
        %dma_start3A_152 = arith.constant 0 : i32
        %dma_start3A_153 = arith.constant 0 : i32
        %dma_start3A_154 = tpu.memref_slice %arg3[%add3A, %add3A_147, %dma_start3A_152, %dma_start3A_153] : memref<32x125x2x80xi32, #tpu.memory_space<hbm>> -> memref<1x1x2x80xi32, #tpu.memory_space<hbm>>
        %dma_start3A_155 = tpu.memref_squeeze %dma_start3A_154 : memref<1x1x2x80xi32, #tpu.memory_space<hbm>> -> memref<2x80xi32, #tpu.memory_space<hbm>>
        %dma_start3A_156 = arith.constant 0 : i32
        %dma_start3A_157 = arith.constant 0 : i32
        %dma_start3A_158 = tpu.memref_slice %arg5[%and3A_122, %dma_start3A_156, %dma_start3A_157] : memref<2x2x80xi32, #tpu.memory_space<vmem>> -> memref<1x2x80xi32, #tpu.memory_space<vmem>>
        %dma_start3A_159 = tpu.memref_squeeze %dma_start3A_158 : memref<1x2x80xi32, #tpu.memory_space<vmem>> -> memref<2x80xi32, #tpu.memory_space<vmem>>
        %dma_start3A_160 = arith.constant 0 : i32
        %dma_start3A_161 = arith.constant 0 : i32
        %dma_start3A_162 = tpu.memref_slice %arg3[%add3A, %add3A_147, %dma_start3A_160, %dma_start3A_161] : memref<32x125x2x80xi32, #tpu.memory_space<hbm>> -> memref<1x1x2x80xi32, #tpu.memory_space<hbm>>
        %dma_start3A_163 = tpu.memref_squeeze %dma_start3A_162 : memref<1x1x2x80xi32, #tpu.memory_space<hbm>> -> memref<2x80xi32, #tpu.memory_space<hbm>>
        tpu.enqueue_dma source(%dma_start3A_163 : memref<2x80xi32, #tpu.memory_space<hbm>>) target(%dma_start3A_159 : memref<2x80xi32, #tpu.memory_space<vmem>>) target_semaphore(%arg8 : memref<!tpu.dma_semaphore, #tpu.memory_space<semaphore_mem>>)
      } else {
      }
    }
    %scan3A_115 = arith.constant 125 : i32
    %barrier3A_116 = arith.constant 0 : index
    tpu.barrier barrier_id(%barrier3A_116)
    %mul3A_117 = arith.constant 640 : i32
    %mul3A_118 = arith.muli %arg1, %mul3A_117 : i32
    %mul3A_119 = arith.constant 640 : i32
    %mul3A_120 = arith.muli %arg1, %mul3A_119 : i32
    "tpu.region"() ({
      %run_scoped3A_121 = tpu.sem_alloc : memref<!tpu.dma_semaphore, #tpu.memory_space<semaphore_mem>>
      %dma_start3A_122 = arith.constant 0 : i32
      %dma_start3A_123 = tpu.memref_slice %arg4[%arg0, %mul3A_120, %dma_start3A_122] : memref<2x10240x128xf32, #tpu.memory_space<hbm>> -> memref<1x640x128xf32, #tpu.memory_space<hbm>>
      %dma_start3A_124 = tpu.memref_squeeze %dma_start3A_123 : memref<1x640x128xf32, #tpu.memory_space<hbm>> -> memref<640x128xf32, #tpu.memory_space<hbm>>
      %dma_start3A_125 = arith.constant 0 : i32
      %dma_start3A_126 = tpu.memref_slice %arg7[%mul3A_118, %dma_start3A_125] : memref<10240x128xf32, #tpu.memory_space<vmem_shared>> -> memref<640x128xf32, #tpu.memory_space<vmem_shared>>
      tpu.enqueue_dma source(%dma_start3A_126 : memref<640x128xf32, #tpu.memory_space<vmem_shared>>) target(%dma_start3A_124 : memref<640x128xf32, #tpu.memory_space<hbm>>) target_semaphore(%run_scoped3A_121 : memref<!tpu.dma_semaphore, #tpu.memory_space<semaphore_mem>>)
      %dma_wait3A_127 = arith.constant 0 : i32
      %dma_wait3A_128 = tpu.memref_slice %arg4[%arg0, %mul3A_120, %dma_wait3A_127] : memref<2x10240x128xf32, #tpu.memory_space<hbm>> -> memref<1x640x128xf32, #tpu.memory_space<hbm>>
      %dma_wait3A_129 = tpu.memref_squeeze %dma_wait3A_128 : memref<1x640x128xf32, #tpu.memory_space<hbm>> -> memref<640x128xf32, #tpu.memory_space<hbm>>
      %dma_wait3A_130 = arith.constant 0 : i32
      %dma_wait3A_131 = tpu.memref_slice %arg7[%mul3A_118, %dma_wait3A_130] : memref<10240x128xf32, #tpu.memory_space<vmem_shared>> -> memref<640x128xf32, #tpu.memory_space<vmem_shared>>
      tpu.wait_dma2 semaphore(%run_scoped3A_121 : memref<!tpu.dma_semaphore, #tpu.memory_space<semaphore_mem>>) src(%dma_wait3A_131 : memref<640x128xf32, #tpu.memory_space<vmem_shared>>) dst(%dma_wait3A_129 : memref<640x128xf32, #tpu.memory_space<hbm>>)
      tpu.yield
    }) : () -> ()
    return
  }
}

module attributes {stable_mosaic.version = 14 : i64} {
  func.func @_mm1_body(%arg0: i32, %arg1: memref<2560x128xf32, #tpu.memory_space<vmem>>, %arg2: memref<128x128xf32, #tpu.memory_space<vmem>>, %arg3: memref<2560x1xf32, #tpu.memory_space<vmem>>, %arg4: memref<2560x128xf32, #tpu.memory_space<vmem>>) attributes {dimension_semantics = [#tpu.dimension_semantics<arbitrary>], iteration_bounds = array<i64: 4>, scalar_prefetch = 0 : i64, scratch_operands = 0 : i64, tpu.core_type = #tpu.core_type<tc>, window_params = [{transform_indices = @transform_0, window_bounds = array<i64: 2560, 128>}, {pipeline_mode = #tpu.pipeline_mode<synchronous>, transform_indices = @transform_1, window_bounds = array<i64: 128, 128>}, {transform_indices = @transform_2, window_bounds = array<i64: 2560, 1>}, {transform_indices = @transform_3, window_bounds = array<i64: 2560, 128>}]} {
    %get3A = arith.constant 0 : index
    %get3A_0 = arith.constant 0 : index
    %get3A_1 = vector.load %arg1[%get3A, %get3A_0] : memref<2560x128xf32, #tpu.memory_space<vmem>>, vector<2560x128xf32>
    %get3A_2 = arith.constant 0 : index
    %get3A_3 = arith.constant 0 : index
    %get3A_4 = vector.load %arg2[%get3A_2, %get3A_3] : memref<128x128xf32, #tpu.memory_space<vmem>>, vector<128x128xf32>
    %dot_general3A = arith.constant dense<0.000000e+00> : vector<2560x128xf32>
    %dot_general3A_5 = tpu.matmul %get3A_1, %get3A_4, %dot_general3A {dimension_numbers = #tpu.dot_dimension_numbers<[1], [0], [0], [1], [0, 0, 1, 1], [], []>, transpose_lhs_hint = false} : vector<2560x128xf32>, vector<128x128xf32>, vector<2560x128xf32> -> vector<2560x128xf32>
    %get3A_6 = arith.constant 0 : index
    %get3A_7 = arith.constant 0 : index
    %get3A_8 = vector.load %arg3[%get3A_6, %get3A_7] : memref<2560x1xf32, #tpu.memory_space<vmem>>, vector<2560x1xf32>
    %mul3A = vector.broadcast %get3A_8 : vector<2560x1xf32> to vector<2560x128xf32>
    %mul3A_9 = arith.mulf %dot_general3A_5, %mul3A : vector<2560x128xf32>
    %swap3A = arith.constant 0 : index
    %swap3A_10 = arith.constant 0 : index
    %swap3A_11 = vector.load %arg4[%swap3A, %swap3A_10] : memref<2560x128xf32, #tpu.memory_space<vmem>>, vector<2560x128xf32>
    tpu.vector_store %arg4[%swap3A, %swap3A_10], %mul3A_9 {strides = array<i32>} : memref<2560x128xf32, #tpu.memory_space<vmem>>, vector<2560x128xf32>,
    return
  }
  func.func @transform_0(%arg0: i32) -> (i32, i32) {
    %c0_i32 = arith.constant 0 : i32
    %c0_i32_0 = arith.constant 0 : i32
    return %arg0, %c0_i32 : i32, i32
  }
  func.func @transform_1(%arg0: i32) -> (i32, i32) {
    %c0_i32 = arith.constant 0 : i32
    %c0_i32_0 = arith.constant 0 : i32
    %c0_i32_1 = arith.constant 0 : i32
    return %c0_i32, %c0_i32_0 : i32, i32
  }
  func.func @transform_2(%arg0: i32) -> (i32, i32) {
    %c0_i32 = arith.constant 0 : i32
    %c0_i32_0 = arith.constant 0 : i32
    return %arg0, %c0_i32 : i32, i32
  }
  func.func @transform_3(%arg0: i32) -> (i32, i32) {
    %c0_i32 = arith.constant 0 : i32
    %c0_i32_0 = arith.constant 0 : i32
    return %arg0, %c0_i32 : i32, i32
  }
}

module attributes {stable_mosaic.version = 14 : i64} {
  func.func @_mm2_body(%arg0: i32, %arg1: memref<2x2560x128xf32, #tpu.memory_space<vmem>>, %arg2: memref<2560x1xf32, #tpu.memory_space<vmem>>, %arg3: memref<1x128xf32, #tpu.memory_space<vmem>>, %arg4: memref<128x128xf32, #tpu.memory_space<vmem>>, %arg5: memref<2560x1xf32, #tpu.memory_space<vmem>>, %arg6: memref<2560x128xf32, #tpu.memory_space<vmem>>) attributes {dimension_semantics = [#tpu.dimension_semantics<arbitrary>], iteration_bounds = array<i64: 4>, scalar_prefetch = 0 : i64, scratch_operands = 0 : i64, tpu.core_type = #tpu.core_type<tc>, window_params = [{transform_indices = @transform_0, window_bounds = array<i64: 2, 2560, 128>}, {transform_indices = @transform_1, window_bounds = array<i64: 2560, 1>}, {pipeline_mode = #tpu.pipeline_mode<synchronous>, transform_indices = @transform_2, window_bounds = array<i64: 1, 128>}, {pipeline_mode = #tpu.pipeline_mode<synchronous>, transform_indices = @transform_3, window_bounds = array<i64: 128, 128>}, {transform_indices = @transform_4, window_bounds = array<i64: 2560, 1>}, {transform_indices = @transform_5, window_bounds = array<i64: 2560, 128>}]} {
    %get3A = arith.constant 0 : index
    %get3A_0 = arith.constant 0 : index
    %get3A_1 = arith.constant 0 : index
    %get3A_2 = vector.load %arg1[%get3A, %get3A_0, %get3A_1] : memref<2x2560x128xf32, #tpu.memory_space<vmem>>, vector<1x2560x128xf32>
    %get3A_3 = vector.shape_cast %get3A_2 : vector<1x2560x128xf32> to vector<2560x128xf32>
    %get3A_4 = arith.constant 1 : index
    %get3A_5 = arith.constant 0 : index
    %get3A_6 = arith.constant 0 : index
    %get3A_7 = vector.load %arg1[%get3A_4, %get3A_5, %get3A_6] : memref<2x2560x128xf32, #tpu.memory_space<vmem>>, vector<1x2560x128xf32>
    %get3A_8 = vector.shape_cast %get3A_7 : vector<1x2560x128xf32> to vector<2560x128xf32>
    %add3A = arith.addf %get3A_3, %get3A_8 : vector<2560x128xf32>
    %get3A_9 = arith.constant 0 : index
    %get3A_10 = arith.constant 0 : index
    %get3A_11 = vector.load %arg2[%get3A_9, %get3A_10] : memref<2560x1xf32, #tpu.memory_space<vmem>>, vector<2560x1xf32>
    %mul3A = vector.broadcast %get3A_11 : vector<2560x1xf32> to vector<2560x128xf32>
    %mul3A_12 = arith.mulf %add3A, %mul3A : vector<2560x128xf32>
    %get3A_13 = arith.constant 0 : index
    %get3A_14 = arith.constant 0 : index
    %get3A_15 = vector.load %arg3[%get3A_13, %get3A_14] : memref<1x128xf32, #tpu.memory_space<vmem>>, vector<1x128xf32>
    %add3A_16 = vector.broadcast %get3A_15 : vector<1x128xf32> to vector<2560x128xf32>
    %add3A_17 = arith.addf %mul3A_12, %add3A_16 : vector<2560x128xf32>
    %max3A = arith.constant 0.000000e+00 : f32
    %max3A_18 = vector.broadcast %max3A : f32 to vector<2560x128xf32>
    %max3A_19 = arith.maximumf %add3A_17, %max3A_18 : vector<2560x128xf32>
    %get3A_20 = arith.constant 0 : index
    %get3A_21 = arith.constant 0 : index
    %get3A_22 = vector.load %arg4[%get3A_20, %get3A_21] : memref<128x128xf32, #tpu.memory_space<vmem>>, vector<128x128xf32>
    %dot_general3A = arith.constant dense<0.000000e+00> : vector<2560x128xf32>
    %dot_general3A_23 = tpu.matmul %max3A_19, %get3A_22, %dot_general3A {dimension_numbers = #tpu.dot_dimension_numbers<[1], [0], [0], [1], [0, 0, 1, 1], [], []>, transpose_lhs_hint = false} : vector<2560x128xf32>, vector<128x128xf32>, vector<2560x128xf32> -> vector<2560x128xf32>
    %get3A_24 = arith.constant 0 : index
    %get3A_25 = arith.constant 0 : index
    %get3A_26 = vector.load %arg5[%get3A_24, %get3A_25] : memref<2560x1xf32, #tpu.memory_space<vmem>>, vector<2560x1xf32>
    %mul3A_27 = vector.broadcast %get3A_26 : vector<2560x1xf32> to vector<2560x128xf32>
    %mul3A_28 = arith.mulf %dot_general3A_23, %mul3A_27 : vector<2560x128xf32>
    %swap3A = arith.constant 0 : index
    %swap3A_29 = arith.constant 0 : index
    %swap3A_30 = vector.load %arg6[%swap3A, %swap3A_29] : memref<2560x128xf32, #tpu.memory_space<vmem>>, vector<2560x128xf32>
    tpu.vector_store %arg6[%swap3A, %swap3A_29], %mul3A_28 {strides = array<i32>} : memref<2560x128xf32, #tpu.memory_space<vmem>>, vector<2560x128xf32>,
    return
  }
  func.func @transform_0(%arg0: i32) -> (i32, i32, i32) {
    %c0_i32 = arith.constant 0 : i32
    %c0_i32_0 = arith.constant 0 : i32
    %c0_i32_1 = arith.constant 0 : i32
    return %c0_i32, %arg0, %c0_i32_0 : i32, i32, i32
  }
  func.func @transform_1(%arg0: i32) -> (i32, i32) {
    %c0_i32 = arith.constant 0 : i32
    %c0_i32_0 = arith.constant 0 : i32
    return %arg0, %c0_i32 : i32, i32
  }
  func.func @transform_2(%arg0: i32) -> (i32, i32) {
    %c0_i32 = arith.constant 0 : i32
    %c0_i32_0 = arith.constant 0 : i32
    %c0_i32_1 = arith.constant 0 : i32
    return %c0_i32, %c0_i32_0 : i32, i32
  }
  func.func @transform_3(%arg0: i32) -> (i32, i32) {
    %c0_i32 = arith.constant 0 : i32
    %c0_i32_0 = arith.constant 0 : i32
    %c0_i32_1 = arith.constant 0 : i32
    return %c0_i32, %c0_i32_0 : i32, i32
  }
  func.func @transform_4(%arg0: i32) -> (i32, i32) {
    %c0_i32 = arith.constant 0 : i32
    %c0_i32_0 = arith.constant 0 : i32
    return %arg0, %c0_i32 : i32, i32
  }
  func.func @transform_5(%arg0: i32) -> (i32, i32) {
    %c0_i32 = arith.constant 0 : i32
    %c0_i32_0 = arith.constant 0 : i32
    return %arg0, %c0_i32 : i32, i32
  }
}

module attributes {stable_mosaic.version = 14 : i64} {
  func.func @_final_body(%arg0: i32, %arg1: memref<2x2560x128xf32, #tpu.memory_space<vmem>>, %arg2: memref<2560x1xf32, #tpu.memory_space<vmem>>, %arg3: memref<1x128xf32, #tpu.memory_space<vmem>>, %arg4: memref<128x128xf32, #tpu.memory_space<vmem>>, %arg5: memref<1x128xf32, #tpu.memory_space<vmem>>, %arg6: memref<2560x128xf32, #tpu.memory_space<vmem>>) attributes {dimension_semantics = [#tpu.dimension_semantics<arbitrary>], iteration_bounds = array<i64: 4>, scalar_prefetch = 0 : i64, scratch_operands = 0 : i64, tpu.core_type = #tpu.core_type<tc>, window_params = [{transform_indices = @transform_0, window_bounds = array<i64: 2, 2560, 128>}, {transform_indices = @transform_1, window_bounds = array<i64: 2560, 1>}, {pipeline_mode = #tpu.pipeline_mode<synchronous>, transform_indices = @transform_2, window_bounds = array<i64: 1, 128>}, {pipeline_mode = #tpu.pipeline_mode<synchronous>, transform_indices = @transform_3, window_bounds = array<i64: 128, 128>}, {pipeline_mode = #tpu.pipeline_mode<synchronous>, transform_indices = @transform_4, window_bounds = array<i64: 1, 128>}, {transform_indices = @transform_5, window_bounds = array<i64: 2560, 128>}]} {
    %get3A = arith.constant 0 : index
    %get3A_0 = arith.constant 0 : index
    %get3A_1 = arith.constant 0 : index
    %get3A_2 = vector.load %arg1[%get3A, %get3A_0, %get3A_1] : memref<2x2560x128xf32, #tpu.memory_space<vmem>>, vector<1x2560x128xf32>
    %get3A_3 = vector.shape_cast %get3A_2 : vector<1x2560x128xf32> to vector<2560x128xf32>
    %get3A_4 = arith.constant 1 : index
    %get3A_5 = arith.constant 0 : index
    %get3A_6 = arith.constant 0 : index
    %get3A_7 = vector.load %arg1[%get3A_4, %get3A_5, %get3A_6] : memref<2x2560x128xf32, #tpu.memory_space<vmem>>, vector<1x2560x128xf32>
    %get3A_8 = vector.shape_cast %get3A_7 : vector<1x2560x128xf32> to vector<2560x128xf32>
    %add3A = arith.addf %get3A_3, %get3A_8 : vector<2560x128xf32>
    %get3A_9 = arith.constant 0 : index
    %get3A_10 = arith.constant 0 : index
    %get3A_11 = vector.load %arg2[%get3A_9, %get3A_10] : memref<2560x1xf32, #tpu.memory_space<vmem>>, vector<2560x1xf32>
    %mul3A = vector.broadcast %get3A_11 : vector<2560x1xf32> to vector<2560x128xf32>
    %mul3A_12 = arith.mulf %add3A, %mul3A : vector<2560x128xf32>
    %get3A_13 = arith.constant 0 : index
    %get3A_14 = arith.constant 0 : index
    %get3A_15 = vector.load %arg3[%get3A_13, %get3A_14] : memref<1x128xf32, #tpu.memory_space<vmem>>, vector<1x128xf32>
    %add3A_16 = vector.broadcast %get3A_15 : vector<1x128xf32> to vector<2560x128xf32>
    %add3A_17 = arith.addf %mul3A_12, %add3A_16 : vector<2560x128xf32>
    %max3A = arith.constant 0.000000e+00 : f32
    %max3A_18 = vector.broadcast %max3A : f32 to vector<2560x128xf32>
    %max3A_19 = arith.maximumf %add3A_17, %max3A_18 : vector<2560x128xf32>
    %get3A_20 = arith.constant 0 : index
    %get3A_21 = arith.constant 0 : index
    %get3A_22 = vector.load %arg4[%get3A_20, %get3A_21] : memref<128x128xf32, #tpu.memory_space<vmem>>, vector<128x128xf32>
    %dot_general3A = arith.constant dense<0.000000e+00> : vector<2560x128xf32>
    %dot_general3A_23 = tpu.matmul %max3A_19, %get3A_22, %dot_general3A {dimension_numbers = #tpu.dot_dimension_numbers<[1], [0], [0], [1], [0, 0, 1, 1], [], []>, transpose_lhs_hint = false} : vector<2560x128xf32>, vector<128x128xf32>, vector<2560x128xf32> -> vector<2560x128xf32>
    %get3A_24 = arith.constant 0 : index
    %get3A_25 = arith.constant 0 : index
    %get3A_26 = vector.load %arg5[%get3A_24, %get3A_25] : memref<1x128xf32, #tpu.memory_space<vmem>>, vector<1x128xf32>
    %add3A_27 = vector.broadcast %get3A_26 : vector<1x128xf32> to vector<2560x128xf32>
    %add3A_28 = arith.addf %dot_general3A_23, %add3A_27 : vector<2560x128xf32>
    %reduce_max3A = arith.constant dense<0xFF800000> : vector<2560xf32>
    %reduce_max3A_29 = vector.multi_reduction <maximumf>, %add3A_28, %reduce_max3A [1] : vector<2560x128xf32> to vector<2560xf32>
    %broadcast_in_dim3A = vector.shape_cast %reduce_max3A_29 : vector<2560xf32> to vector<2560x1xf32>
    %sub3A = vector.broadcast %broadcast_in_dim3A : vector<2560x1xf32> to vector<2560x128xf32>
    %sub3A_30 = arith.subf %add3A_28, %sub3A : vector<2560x128xf32>
    %exp3A = math.exp %sub3A_30 : vector<2560x128xf32>
    %reduce_sum3A = arith.constant dense<0.000000e+00> : vector<2560xf32>
    %reduce_sum3A_31 = vector.multi_reduction <add>, %exp3A, %reduce_sum3A [1] : vector<2560x128xf32> to vector<2560xf32>
    %broadcast_in_dim3A_32 = vector.shape_cast %reduce_sum3A_31 : vector<2560xf32> to vector<2560x1xf32>
    %div3A = vector.broadcast %broadcast_in_dim3A_32 : vector<2560x1xf32> to vector<2560x128xf32>
    %div3A_33 = arith.divf %exp3A, %div3A : vector<2560x128xf32>
    %swap3A = arith.constant 0 : index
    %swap3A_34 = arith.constant 0 : index
    %swap3A_35 = vector.load %arg6[%swap3A, %swap3A_34] : memref<2560x128xf32, #tpu.memory_space<vmem>>, vector<2560x128xf32>
    tpu.vector_store %arg6[%swap3A, %swap3A_34], %div3A_33 {strides = array<i32>} : memref<2560x128xf32, #tpu.memory_space<vmem>>, vector<2560x128xf32>,
    return
  }
  func.func @transform_0(%arg0: i32) -> (i32, i32, i32) {
    %c0_i32 = arith.constant 0 : i32
    %c0_i32_0 = arith.constant 0 : i32
    %c0_i32_1 = arith.constant 0 : i32
    return %c0_i32, %arg0, %c0_i32_0 : i32, i32, i32
  }
  func.func @transform_1(%arg0: i32) -> (i32, i32) {
    %c0_i32 = arith.constant 0 : i32
    %c0_i32_0 = arith.constant 0 : i32
    return %arg0, %c0_i32 : i32, i32
  }
  func.func @transform_2(%arg0: i32) -> (i32, i32) {
    %c0_i32 = arith.constant 0 : i32
    %c0_i32_0 = arith.constant 0 : i32
    %c0_i32_1 = arith.constant 0 : i32
    return %c0_i32, %c0_i32_0 : i32, i32
  }
  func.func @transform_3(%arg0: i32) -> (i32, i32) {
    %c0_i32 = arith.constant 0 : i32
    %c0_i32_0 = arith.constant 0 : i32
    %c0_i32_1 = arith.constant 0 : i32
    return %c0_i32, %c0_i32_0 : i32, i32
  }
  func.func @transform_4(%arg0: i32) -> (i32, i32) {
    %c0_i32 = arith.constant 0 : i32
    %c0_i32_0 = arith.constant 0 : i32
    %c0_i32_1 = arith.constant 0 : i32
    return %c0_i32, %c0_i32_0 : i32, i32
  }
  func.func @transform_5(%arg0: i32) -> (i32, i32) {
    %c0_i32 = arith.constant 0 : i32
    %c0_i32_0 = arith.constant 0 : i32
    return %arg0, %c0_i32 : i32, i32
  }
}

</mosaic_0001>

<sc_bundles>
// kernel: kernel.11.cloned.1.call-start
scs
__scs_entry_jumppad:
0x0: {  	(pc) =	sbr.rel $0x88, $3  }
0x1: {  	(tag) =	ssettag $0x0;
	lr =	simm.s32 $0x1  }
0x2: {  	[smem:$0x3F99] =	sst lr;
	_ =	strace $0xD0000000  }
0x3: {  	_ = 	snop  }
0x4: {  	_ = 	snop  }
0x5: {  	_ = 	snop  }
0x6: {  	_ = 	snop  }
0x7: {  	_ = 	snop  }
__scs_overlays_trampoline_lowered:
0x8: {  	[smem:$0x3FA8] =	sst s0  }
0x9: {  	[smem:$0x3FA9] =	sst s1  }
0xa: {  	[smem:$0x3FAA] =	sst s2  }
0xb: {  	[smem:$0x3FAB] =	sst s3  }
0xc: {  	[smem:$0x3FAC] =	sst s4  }
0xd: {  	[smem:$0x3FAD] =	sst s5  }
0xe: {  	[smem:$0x3FAE] =	sst s6  }
0xf: {  	[smem:$0x3FAF] =	sst s7  }
0x10: {  	[smem:$0x3FB0] =	sst s8  }
0x11: {  	[smem:$0x3FB1] =	sst s9;
	s0 =	simm.s32 @!p0 $0x0  }
0x12: {  	s1 =	sld [smem:$0x3F97];
	s0 =	simm.s32 @p0 $0x1  }
0x13: {  	[smem:$0x3FB2] =	sst s0;
	s0 =	simm.s32 @!p1 $0x0  }
0x14: {  	s2 =	sld [smem:$0x3F96];
	s0 =	simm.s32 @p1 $0x1  }
0x15: {  	[smem:$0x3FB3] =	sst s0;
	s0 =	simm.s32 @!p2 $0x0  }
0x16: {  	s3 =	sld [smem:$0x3FDB];
	s0 =	simm.s32 @p2 $0x1  }
0x17: {  	s4 =	simm.s32 $0x1BF5;
	[smem:$0x3FB5] =	sst s0  }
0x18: {  	s0 =	sld [smem:$0x3F98];
	_ =	swait.ge [sflag:s4], $0x0  }
0x19: {  	s7 =	sld [smem:$0x3F99]  }
0x1a: {  	s8 =	sadd.s32 $0xFFFFE003, lr  }
0x1b: {  	s9 =	sadd.s32 $0xFFFFFEF7, lr;
	s5 =	simm.s32 $0xFFFFFFFF;
	p2 =	slt.u32 s8, $0xFFFFF086  }
0x1c: {  	p1 =	slt.u32 s9, $0xF7A;
	s5 =	simm.s32 @!p2 $0x0  }
0x1d: {  	s5 =	simm.s32 @p1 $0x1;
	p0 =	seq.s32 s7, s2  }
0x1e: {  	s7 =	smul.u32 @!p0 $0xF7A, s2;
	p2 =	seq.s32 @!p0 s5, $0x0  }
0x1f: {  	s9 =	smul.u32 $0xF7A, s1;
	s8 =	simm.s32 @!p0 $0x1BF5;
	p2 =	por !p2, p0  }
0x20: {  	[sflag:s8] =	ssyncset.s32 @!p0 $0xFFFFF086;
	s6 =	sadd.s32 @!p0 s3, s7;
	s7 =	simm.s32 @!p0 $0x108  }
0x21: {  	s3 =	sadd.s32 s3, s9;
	s6 =	sadd.s32 @!p0 $0x88, s6;
	s7 =	simm.s32 @p2 $0x1082  }
0x22: {  	[simem:s7], [sflag:s8] =	dma.local @!p0 [hbm:s6], $0xF7A  }
0x23: {  	s9 =	sor.u32 $0xD0000000, s2;
	s6 =	simm.s32 $0x108;
	_ =	swait.ge @!p0 [sflag:s8], $0x0  }
0x24: {  	s3 =	sadd.s32 $0x88, s3;
	s6 =	simm.s32 @!p1 $0x1082;
	[sflag:s4] =	ssyncset.s32 $0xFFFFF086  }
0x25: {  	[simem:s6], [sflag:s4] =	dma.local [hbm:s3], $0xF7A  }
0x26: {  	[smem:$0x3F99] =	sst s1;
	(tag) =	ssettag s2;
	_ =	strace s9  }
0x27: {  	s1 =	sld [smem:$0x3FA9]  }
0x28: {  	s2 =	sld [smem:$0x3FAA]  }
0x29: {  	s4 =	sld [smem:$0x3FAC]  }
0x2a: {  	p0 =	seq.s32 s5, $0x0;
	s5 =	sld [smem:$0x3FAD]  }
0x2b: {  	s6 =	sld [smem:$0x3FAE]  }
0x2c: {  	s7 =	sld [smem:$0x3FAF]  }
0x2d: {  	s3 =	simm.s32 $0x108;
	s8 =	sld [smem:$0x3FB0]  }
0x2e: {  	s3 =	simm.s32 @!p0 $0x1082;
	s9 =	sld [smem:$0x3FB1]  }
0x2f: {  	lr =	sadd.s32 s0, s3;
	s0 =	sld [smem:$0x3FA8]  }
0x30: {  	s3 =	sld [smem:$0x3FAB]  }
0x31: {  	[smem:$0x3FB4] =	sst s10  }
0x32: {  	s10 =	sld [smem:$0x3FB2];
	_ =	sdelay $0x3  }
0x33: {  	p0 =	seq.s32 s10, $0x1;
	s10 =	sld [smem:$0x3FB4];
	_ =	sdelay $0x3  }
0x34: {  	[smem:$0x3FB4] =	sst s10  }
0x35: {  	s10 =	sld [smem:$0x3FB3];
	_ =	sdelay $0x3  }
0x36: {  	p1 =	seq.s32 s10, $0x1;
	s10 =	sld [smem:$0x3FB4];
	_ =	sdelay $0x3  }
0x37: {  	[smem:$0x3FB4] =	sst s10  }
0x38: {  	s10 =	sld [smem:$0x3FB5]  }
0x39: {  	_ = 	snop;
	(pc) =	sbr.ind lr, $3  }
0x3a: {  	_ = 	snop  }
0x3b: {  	_ = 	snop  }
0x3c: {  	p2 =	seq.s32 s10, $0x1;
	s10 =	sld [smem:$0x3FB4]  }
0x3d: {  	_ =	shalt  }
0x3e: {  	_ =	shalt  }
0x3f: {  	_ =	shalt  }
0x40: {  	_ =	shalt  }
0x41: {  	_ =	shalt  }
0x42: {  	_ =	shalt  }
0x43: {  	_ =	shalt  }
0x44: {  	_ =	shalt  }
0x45: {  	_ =	shalt  }
0x46: {  	_ =	shalt  }
0x47: {  	_ =	shalt  }
0x48: {  	_ =	shalt  }
0x49: {  	_ =	shalt  }
0x4a: {  	_ =	shalt  }
0x4b: {  	_ =	shalt  }
0x4c: {  	_ =	shalt  }
0x4d: {  	_ =	shalt  }
0x4e: {  	_ =	shalt  }
0x4f: {  	_ =	shalt  }
0x50: {  	_ =	shalt  }
0x51: {  	_ =	shalt  }
0x52: {  	_ =	shalt  }
0x53: {  	_ =	shalt  }
0x54: {  	_ =	shalt  }
0x55: {  	_ =	shalt  }
0x56: {  	_ =	shalt  }
0x57: {  	_ =	shalt  }
0x58: {  	_ =	shalt  }
0x59: {  	_ =	shalt  }
0x5a: {  	_ =	shalt  }
0x5b: {  	_ =	shalt  }
0x5c: {  	_ =	shalt  }
0x5d: {  	_ =	shalt  }
0x5e: {  	_ =	shalt  }
0x5f: {  	_ =	shalt  }
0x60: {  	_ =	shalt  }
0x61: {  	_ =	shalt  }
0x62: {  	_ =	shalt  }
0x63: {  	_ =	shalt  }
0x64: {  	_ =	shalt  }
0x65: {  	_ =	shalt  }
0x66: {  	_ =	shalt  }
0x67: {  	_ =	shalt  }
0x68: {  	_ =	shalt  }
0x69: {  	_ =	shalt  }
0x6a: {  	_ =	shalt  }
0x6b: {  	_ =	shalt  }
0x6c: {  	_ =	shalt  }
0x6d: {  	_ =	shalt  }
0x6e: {  	_ =	shalt  }
0x6f: {  	_ =	shalt  }
0x70: {  	_ =	shalt  }
0x71: {  	_ =	shalt  }
0x72: {  	_ =	shalt  }
0x73: {  	_ =	shalt  }
0x74: {  	_ =	shalt  }
0x75: {  	_ =	shalt  }
0x76: {  	_ =	shalt  }
0x77: {  	_ =	shalt  }
0x78: {  	_ =	shalt  }
0x79: {  	_ =	shalt  }
0x7a: {  	_ =	shalt  }
0x7b: {  	_ =	shalt  }
0x7c: {  	_ =	shalt  }
0x7d: {  	_ =	shalt  }
0x7e: {  	_ =	shalt  }
0x7f: {  	_ =	shalt  }
0x80: {  	_ =	shalt  }
0x81: {  	_ =	shalt  }
0x82: {  	_ =	shalt  }
0x83: {  	_ =	shalt  }
0x84: {  	_ =	shalt  }
0x85: {  	_ =	shalt  }
0x86: {  	_ =	shalt  }
0x87: {  	_ =	shalt  }
.Lfunc_end0:
.L_simem_size_0:
called_computation.1_lowered:
.L_overlay_start_0:
0x88: {  	s2 =	sld [smem:$0x3FD9]  }
0x89: {  	s3 =	sld [smem:$0x3FFE];
	_ =	sdelay $0x1  }
0x8a: {  	s1 =	srdreg.scid  }
0x8b: {  	s0 =	sand.u32 $0x1, s1  }
0x8c: {  	s16 =	sshll.u32 s0, $0xA;
	s2 =	sadd.s32 s3, s2  }
0x8d: {  	s2 =	sadd.s32 s2, s16  }
0x8e: {  	[smem:$0x3FC0] =	sst s2  }
0x8f: {  	_ = 	snop  }
0x90: {  	(tm) =	ssettm $0x1  }
0x91: {  	s17 =	sld [smem:$0x3FFB];
	_ =	sdelay $0x3  }
0x92: {  	_ =	strace s17  }
0x93: {  	s2 =	sld [smem:$0x3FFC];
	_ =	sdelay $0x3  }
0x94: {  	_ =	strace s2  }
0x95: {  	s2 =	sld [smem:$0x3FFD];
	_ =	sdelay $0x3  }
0x96: {  	_ =	strace s2  }
0x97: {  	_ =	strace $0x8FFFFFFF  }
0x98: {  	s18 =	sld [smem:$0x3FDB];
	_ =	sdelay $0x1  }
0x99: {  	s19 =	simm.s32 $_scs_section_size  }
0x9a: {  	s4 =	simm.s32 $_size__tile_overlayer_lowered;
	s5 =	simm.s32 $_tile_overlayer_lowered  }
0x9b: {  	s22 =	simm.s32 $0x1BFF;
	s21 =	sshll.u32 s5, $0x1;
	s2 =	sadd.s32 s19, s18  }
0x9c: {  	s6 =	simm.s32 $0x0;
	s20 =	sshll.u32 s4, $0x1;
	s4 =	sadd.s32 s21, s2  }
0x9d: {  	[timem:s6], [sflag:s22] =	dma.local [hbm:s4], s20  }
0x9e: {  	_ =	swait.ge [sflag:s22], s20  }
0x9f: {  	s3 =	ssub.s32 $0x0, s20;
	[sflag:s22] =	ssyncset.done $0x0  }
0xa0: {  	[sflag:s22] =	ssyncadd.s32 s3;
	_ =	sdelay $0x1  }
0xa1: {  	s23 =	simm.s32 $0x1B8B  }
0xa2: {  	_ =	swait.ge [sflag:s23], $0x1  }
0xa3: {  	[sflag:s23] =	ssyncset.done $0x0  }
0xa4: {  	s25 =	simm.s32 $0x1B8E;
	s24 =	sld [smem:$0x3FFE];
	[sflag:s23] =	ssyncadd.s32 $0xFFFFFFFF  }
0xa5: {  	s26 =	simm.s32 $execute0_lowered;
	[smem:$0x3FD2] =	sst s25  }
0xa6: {  	s4 =	sshll.u32 s26, $0x1;
	_ =	strace $0x80000049;
	[dreg:$0x1] =	wrdreg $0xFFFFFFFF  }
0xa7: {  	s28 =	simm.s32 $_size_execute0_lowered;
	s2 =	sadd.s32 s2, s4;
	[dreg:$0x0] =	wrdreg $0x0  }
0xa8: {  	s4 =	sshll.u32 s28, $0x1;
	[dreg:$0x2] =	wrdreg s2  }
0xa9: {  	[dreg:$0x3] =	wrdreg s4  }
0xaa: {  	[dreg:$0x4] =	wrdreg $0xC0  }
0xab: {  	_ =	task [dreg:s6], $0x5FFFF  }
0xac: {  	[dreg:$0x1] =	wrdreg $0xFFFFFFFF  }
0xad: {  	[dreg:$0x0] =	wrdreg $0x60  }
0xae: {  	[dreg:$0x2] =	wrdreg s24  }
0xaf: {  	[dreg:$0x3] =	wrdreg $0x52000  }
0xb0: {  	[dreg:$0x4] =	wrdreg $0x9  }
0xb1: {  	_ =	task.clear_ibuf [dreg:s6], $0x5FFFF;
	_ =	strace $0x90000049  }
0xb2: {  	s29 =	simm.s32 $0x9;
	_ =	strace $0x8000004B  }
0xb3: {  	_ =	swait.ge [sflag:s29], $0x1  }
0xb4: {  	[sflag:s29] =	ssyncadd.s32 $0xFFFFFFFF  }
0xb5: {  	_ =	strace $0x9000004B  }
0xb6: {  	_ =	sfence  }
0xb7: {  	s30 =	sld [smem:$0x0];
	_ =	sdelay $0x2  }
0xb8: {  	s31 =	sshll.u32 s1, $0xD;
	s1 =	sshrl.u32 s1, $0x2  }
0xb9: {  	s3 =	sand.u32 $0x4000, s31;
	s1 =	sadd.s32 s1, s30  }
0xba: {  	s0 =	sor.u32 s3, s0;
	s1 =	sshll.u32 s1, $0x11  }
0xbb: {  	s0 =	sor.u32 s1, s0  }
0xbc: {  	s0 =	sadd.s32 $0x8F2B, s0  }
0xbd: {  	[sflag:s0] =	ssyncadd.remote.s32 $0x1  }
0xbe: {  	_ =	sfence.sel $0xFFFF  }
0xbf: {  	[dreg:$0x0] =	wrdreg $0xFFFFFFFF;
	(pc) =	sbr.abs _section_cstart, $3  }
0xc0: {  	[dreg:$0x1] =	wrdreg $0xFFFFFFFF  }
0xc1: {  	_ =	task.clear_ibuf [dreg:s6], $0x2FFFF;
	_ =	strace $0x9FFFFFFF  }
0xc2: {  	(tm) =	ssettm $0x7FFFFFFF  }
0xc3: {  	_ =	shalt  }
tec
execute0_lowered:
.L_overlay_start_1:
0x0: {  	(tag) =	ssettag $0x1  }
0x1: {  	s0 =	rddreg [dreg:$0x0]  }
0x2: {  	s1 =	rddreg [dreg:$0x1];
	s2 =	srdreg.scid;
	s3 =	simm.s32 $0x0  }
0x3: {  	s26 =	stileid.u32;
	s19 =	simm.s32 $0x3;
	s20 =	simm.s32 $0x1  }
0x4: {  	s22 =	simm.s32 $0x50;
	s23 =	simm.s32 $0x2;
	s7 =	smul.u32 $0x14000, s26  }
0x5: {  	s28 =	simm.s32 $0x0;
	s6 =	sand.u32 $0x1, s2;
	s8 =	smul.u32 $0x50000, s26  }
0x6: {  	[smem:$0x7FF] =	sst s3;
	s4 =	sadd.s32 $0x90C00, s0;
	s14 =	smul.u32 $0x7D00, s26  }
0x7: {  	s17 =	sadd.s32 $0x71800, s0;
	s5 =	smul.u32 $0x140000, s6;
	_ =	strace $0x8000004A  }
0x8: {  	s29 =	sshll.u32 s6, $0x4;
	s30 =	ssub.s32 $0x2, s6;
	s13 =	smul.u32 $0x7D000, s6  }
0x9: {  	s9 =	sshrl.u32 s30, $0x1;
	s8 =	sshrl.u32 s8, $0x2;
	s5 =	sadd.s32 s7, s5  }
0xa: {  	s7 =	sor.u32 s26, s29;
	s16 =	ssub.s32 s30, s9;
	s14 =	sadd.s32 s14, s13  }
0xb: {  	s26 =	simm.s32 $0x80;
	s5 =	sshrl.u32 s5, $0x3;
	s12 =	smul.u32 $0x7D00, s7  }
0xc: {  	s18 =	sadd.s32 $0x200, s14;
	s16 =	smax.u32 s16, $0x1;
	s0 =	sadd.s32 s5, s0  }
0xd: {  	s5 =	sadd.s32 s8, s1;
	s31 =	sshrl.u32 s18, $0x3;
	s18 =	simm.s32 $0x200  }
0xe: {  	s6 =	sadd.s32 $0x2800, s5;
	s7 =	sadd.s32 $0x5000, s5;
	s8 =	sadd.s32 $0x7800, s5  }
0xf: {  	s9 =	sadd.s32 $0xA000, s5;
	s10 =	sadd.s32 $0xC800, s5;
	s15 =	sshrl.u32 s12, $0x3  }
0x10: {  	s11 =	sadd.s32 $0xF000, s5;
	s12 =	sadd.s32 $0x11800, s5;
	s13 =	sadd.s32 s17, s15  }
0x11: {  	v0 =	vimm.f32 $0.0e+00;
	s15 =	sadd.s32 $0xB8C00, s0;
	s0 =	sadd.s32 s31, s17;
	s14 =	sadd.s32 $0x20, s13  }
.LBB2_1:
0x12: {  	s29 =	simm.s32 $0x0;
	s17 =	simm.s32 $0x200  }
.LBB2_2:
0x13: {  	p0 =	sne.s32 s17, $0x9E00;
	[tilespmem:s29+$0x270] =	vst v0  }
0x14: {  	[tilespmem:s29+$0x200] =	vst v0  }
0x15: {  	[tilespmem:s29+$0x210] =	vst v0  }
.Ltmp0:
0x16: {  	[tilespmem:s29+$0x220] =	vst v0;
	(pc) =	sbr.rel @p0 .LBB2_2-.Ltmp0, $4  }
0x17: {  	[tilespmem:s29+$0x230] =	vst v0  }
0x18: {  	[tilespmem:s29+$0x240] =	vst v0  }
0x19: {  	[tilespmem:s29+$0x250] =	vst v0  }
0x1a: {  	[tilespmem:s29+$0x260] =	vst v0;
	s29 =	sshra.s32 s17, $0x2;
	s17 =	sadd.s32 $0x200, s17  }
0x1b: {  	[tilespmem:s29+$0x270] =	vst v0  }
0x1c: {  	[tilespmem:s29+$0x200] =	vst v0  }
0x1d: {  	[tilespmem:s29+$0x210] =	vst v0  }
0x1e: {  	[tilespmem:s29+$0x220] =	vst v0  }
0x1f: {  	[tilespmem:s29+$0x230] =	vst v0  }
0x20: {  	[tilespmem:s29+$0x240] =	vst v0  }
0x21: {  	[tilespmem:s29+$0x250] =	vst v0  }
0x22: {  	[tilespmem:s29+$0x260] =	vst v0  }
0x23: {  	[spmem:s5] =	stream.linear.scatter [tilespmem:s18], [sflag:$0x3], $0x2800, $0x38;
	[tilespmem:$0x19200] =	vst v63  }
0x24: {  	_ =	swait.ge [sflag:s19], $0x2800  }
0x25: {  	[sflag:s19] =	ssyncset.done $0x0  }
0x26: {  	[sflag:s19] =	ssyncadd.s32 $0xFFFFD800  }
0x27: {  	[spmem:s6] =	stream.linear.scatter [tilespmem:s18], [sflag:$0x3], $0x2800, $0x38;
	[tilespmem:$0x19200] =	vst v63  }
0x28: {  	_ =	swait.ge [sflag:s19], $0x2800  }
0x29: {  	[sflag:s19] =	ssyncset.done $0x0  }
0x2a: {  	[sflag:s19] =	ssyncadd.s32 $0xFFFFD800  }
0x2b: {  	[spmem:s7] =	stream.linear.scatter [tilespmem:s18], [sflag:$0x3], $0x2800, $0x38;
	[tilespmem:$0x19200] =	vst v63  }
0x2c: {  	_ =	swait.ge [sflag:s19], $0x2800  }
0x2d: {  	[sflag:s19] =	ssyncset.done $0x0  }
0x2e: {  	[sflag:s19] =	ssyncadd.s32 $0xFFFFD800  }
0x2f: {  	[spmem:s8] =	stream.linear.scatter [tilespmem:s18], [sflag:$0x3], $0x2800, $0x38;
	[tilespmem:$0x19200] =	vst v63  }
0x30: {  	_ =	swait.ge [sflag:s19], $0x2800  }
0x31: {  	[sflag:s19] =	ssyncset.done $0x0  }
0x32: {  	[sflag:s19] =	ssyncadd.s32 $0xFFFFD800  }
0x33: {  	[spmem:s9] =	stream.linear.scatter [tilespmem:s18], [sflag:$0x3], $0x2800, $0x38;
	[tilespmem:$0x19200] =	vst v63  }
0x34: {  	_ =	swait.ge [sflag:s19], $0x2800  }
0x35: {  	[sflag:s19] =	ssyncset.done $0x0  }
0x36: {  	[sflag:s19] =	ssyncadd.s32 $0xFFFFD800  }
0x37: {  	[spmem:s10] =	stream.linear.scatter [tilespmem:s18], [sflag:$0x3], $0x2800, $0x38;
	[tilespmem:$0x19200] =	vst v63  }
0x38: {  	_ =	swait.ge [sflag:s19], $0x2800  }
0x39: {  	[sflag:s19] =	ssyncset.done $0x0  }
0x3a: {  	[sflag:s19] =	ssyncadd.s32 $0xFFFFD800  }
0x3b: {  	[spmem:s11] =	stream.linear.scatter [tilespmem:s18], [sflag:$0x3], $0x2800, $0x38;
	[tilespmem:$0x19200] =	vst v63  }
0x3c: {  	_ =	swait.ge [sflag:s19], $0x2800  }
0x3d: {  	[sflag:s19] =	ssyncset.done $0x0  }
0x3e: {  	[sflag:s19] =	ssyncadd.s32 $0xFFFFD800  }
0x3f: {  	[spmem:s12] =	stream.linear.scatter [tilespmem:s18], [sflag:$0x3], $0x2800, $0x38;
	[tilespmem:$0x19200] =	vst v63  }
0x40: {  	_ =	swait.ge [sflag:s19], $0x2800  }
0x41: {  	[sflag:s19] =	ssyncset.done $0x0  }
0x42: {  	[sflag:s19] =	ssyncadd.s32 $0xFFFFD800  }
0x43: {  	s17 =	simm.s32 $0x0;
	[bflag:$0x0] =	sbarrier.arrive $0xFFFF  }
0x44: {  	[tilespmem:s17], [sflag:$0x1] =	stream.linear.gather [hbm4b:s13+s17], $0x100, $0x38;
	[tilespmem:$0x19200] =	vst v63  }
0x45: {  	_ =	swait.ge [sflag:s20], $0x100  }
0x46: {  	[sflag:s20] =	ssyncset.done $0x0  }
0x47: {  	s2 =	simm.s32 $0x100;
	[sflag:s20] =	ssyncadd.s32 $0xFFFFFF00  }
0x48: {  	[tilespmem:s2], [sflag:$0x1] =	stream.linear.gather [hbm4b:s14+s17], $0x100, $0x38;
	[tilespmem:$0x19200] =	vst v63  }
0x49: {  	_ = 	snop  }
0x4a: {  	[tilespmem:s18], [sflag:$0x2] =	stream.indirect.gather [hbm4b:s4+s22], $0x80, s17, s22, $0xb8;
	[tilespmem:$0x19200] =	vst v63  }
0x4b: {  	s17 =	sand.u32 $0x1, s17;
	_ =	swait.ge [sflag:s23], $0x2800  }
0x4c: {  	s29 =	smul.u32 $0xA000, s17;
	s30 =	sxor.u32 $0x1, s17;
	[sflag:s23] =	ssyncset.done $0x0  }
0x4d: {  	s31 =	smul.u32 $0xA000, s30;
	[sflag:s23] =	ssyncadd.s32 $0xFFFFD800  }
0x4e: {  	s21 =	sshll.u32 s30, $0x8;
	_ =	swait.ge [sflag:s20], $0x100  }
0x4f: {  	s29 =	sshrl.u32 s29, $0x2;
	s25 =	sshrl.u32 s31, $0x2;
	[sflag:s20] =	ssyncset.done $0x0  }
0x50: {  	s31 =	sshll.u32 s17, $0x8;
	s2 =	sor.u32 $0x200, s25;
	[sflag:s20] =	ssyncadd.s32 $0xFFFFFF00  }
0x51: {  	[tilespmem:s2], [sflag:$0x2] =	stream.indirect.gather [hbm4b:s4+s22], $0x80, s21, s22, $0xb8;
	[tilespmem:$0x19200] =	vst v63  }
0x52: {  	s24 =	sor.u32 $0x200, s29;
	s25 =	sor.u32 $0x80, s31  }
0x53: {  	[spmem:s1] =	stream.indirect.scatter.add.f32 [tilespmem:s24], [sflag:$0x3], $0x80, s25, s22, $0xb8;
	[tilespmem:$0x19200] =	vst v63  }
0x54: {  	_ =	swait.ge [sflag:s19], $0x2800  }
0x55: {  	s30 =	sadd.s32 $0x20, s0;
	[sflag:s19] =	ssyncset.done $0x0  }
0x56: {  	s29 =	simm.s32 $0x1;
	s17 =	smov.u32 s0;
	[sflag:s19] =	ssyncadd.s32 $0xFFFFD800  }
.LBB2_4:
0x57: {  	[tilespmem:s31], [sflag:$0x1] =	stream.linear.gather [hbm4b:s17+s3], $0x100, $0x38;
	[tilespmem:$0x19200] =	vst v63  }
0x58: {  	s2 =	sand.u32 $0x1, s29;
	p0 =	sne.s32 s29, $0x7A;
	_ =	swait.ge [sflag:s23], $0x2800  }
0x59: {  	s17 =	smul.u32 $0xA000, s2;
	s21 =	sxor.u32 $0x1, s2;
	[sflag:s23] =	ssyncset.done $0x0  }
0x5a: {  	s29 =	sadd.s32 $0x1, s29;
	s31 =	smul.u32 $0xA000, s21;
	[sflag:s23] =	ssyncadd.s32 $0xFFFFD800  }
0x5b: {  	s24 =	sshrl.u32 s17, $0x2;
	s17 =	smov.u32 s30;
	_ =	swait.ge [sflag:s20], $0x100  }
0x5c: {  	s25 =	sshrl.u32 s31, $0x2;
	s31 =	sshll.u32 s2, $0x8;
	[sflag:s20] =	ssyncset.done $0x0  }
0x5d: {  	s21 =	sshll.u32 s21, $0x8;
	s2 =	sor.u32 $0x200, s25;
	[sflag:s20] =	ssyncadd.s32 $0xFFFFFF00  }
0x5e: {  	[tilespmem:s2], [sflag:$0x2] =	stream.indirect.gather [hbm4b:s4+s22], $0x80, s21, s22, $0xb8;
	[tilespmem:$0x19200] =	vst v63  }
.Ltmp1:
0x5f: {  	s2 =	sor.u32 $0x200, s24;
	s21 =	sor.u32 $0x80, s31;
	(pc) =	sbr.rel @p0 .LBB2_4-.Ltmp1, $4  }
0x60: {  	[spmem:s1] =	stream.indirect.scatter.add.f32 [tilespmem:s2], [sflag:$0x3], $0x80, s21, s22, $0xb8;
	[tilespmem:$0x19200] =	vst v63  }
0x61: {  	_ =	swait.ge [sflag:s19], $0x2800  }
0x62: {  	[sflag:s19] =	ssyncset.done $0x0  }
0x63: {  	s30 =	sadd.s32 $0x20, s30;
	[sflag:s19] =	ssyncadd.s32 $0xFFFFD800  }
0x64: {  	[tilespmem:s31], [sflag:$0x1] =	stream.linear.gather [hbm4b:s17+s3], $0x100, $0x38;
	[tilespmem:$0x19200] =	vst v63  }
0x65: {  	_ =	swait.ge [sflag:s23], $0x2800  }
0x66: {  	[sflag:s23] =	ssyncset.done $0x0  }
0x67: {  	[sflag:s23] =	ssyncadd.s32 $0xFFFFD800  }
0x68: {  	_ =	swait.ge [sflag:s20], $0x100  }
0x69: {  	[sflag:s20] =	ssyncset.done $0x0  }
0x6a: {  	[sflag:s20] =	ssyncadd.s32 $0xFFFFFF00  }
0x6b: {  	[tilespmem:s18], [sflag:$0x2] =	stream.indirect.gather [hbm4b:s4+s22], $0x80, s3, s22, $0xb8;
	[tilespmem:$0x19200] =	vst v63  }
0x6c: {  	s2 =	simm.s32 $0x180;
	s29 =	simm.s32 $0x2A00  }
0x6d: {  	[spmem:s1] =	stream.indirect.scatter.add.f32 [tilespmem:s29], [sflag:$0x3], $0x80, s2, s22, $0xb8;
	[tilespmem:$0x19200] =	vst v63  }
0x6e: {  	_ =	swait.ge [sflag:s19], $0x2800  }
0x6f: {  	[sflag:s19] =	ssyncset.done $0x0  }
0x70: {  	[sflag:s19] =	ssyncadd.s32 $0xFFFFD800  }
0x71: {  	_ =	swait.ge [sflag:s23], $0x2800  }
0x72: {  	[sflag:s23] =	ssyncset.done $0x0  }
0x73: {  	[sflag:s23] =	ssyncadd.s32 $0xFFFFD800  }
0x74: {  	[spmem:s1] =	stream.indirect.scatter.add.f32 [tilespmem:s18], [sflag:$0x3], $0x80, s26, s22, $0xb8;
	[tilespmem:$0x19200] =	vst v63  }
0x75: {  	s30 =	stileid.u32;
	_ =	swait.ge [sflag:s19], $0x2800  }
0x76: {  	s31 =	sshrl.u32 s5, $0x3;
	s28 =	sadd.s32 $0x1, s28;
	[sflag:s19] =	ssyncset.done $0x0  }
0x77: {  	p0 =	sne.s32 s28, s16;
	s2 =	sshll.u32 s30, $0x6;
	[sflag:s19] =	ssyncadd.s32 $0xFFFFD800  }
.Ltmp2:
0x78: {  	s2 =	sor.u32 $0x1C03, s2;
	[bflag:$0x0] =	sbarrier.arrive $0xFFFF;
	(pc) =	sbr.rel @p0 .LBB2_1-.Ltmp2, $4  }
0x79: {  	[hbm:s15], [sflag:s2] =	dma.local [spmem:s31], $0x2800  }
0x7a: {  	_ =	swait.ge [sflag:s19], $0x2800  }
0x7b: {  	[sflag:s19] =	ssyncset.done $0x0  }
0x7c: {  	[sflag:s19] =	ssyncadd.s32 $0xFFFFD800  }
0x7d: {  	_ =	sfence.sel $0x180000  }
0x7e: {  	[bflag:$0x0] =	sbarrier.arrive $0xFFFF  }
0x7f: {  	_ =	strace $0x9000004A  }
0x80: {  	s0 =	stileid.u32;
	[bflag:$0x2] =	sbarrier.arrive $0xFFFF  }
0x81: {  	p0 =	sne.s32 s0, $0x0;
	s0 =	rddreg [dreg:$0x2]  }
0x82: {  	s0 =	sadd.s32 @!p0 $0x100000, s0  }
0x83: {  	[sflag:s0] =	ssyncadd.tile.s32 @!p0 $0x1;
	_ =	shalt  }
.Lfunc_end2:
_tile_overlayer_lowered:
.L_overlay_start_2:
0x84: {  	(tag) =	ssettag $0x2  }
0x85: {  	s0 =	rddreg [dreg:$0x0];
	s2 =	stileid.u32  }
0x86: {  	s1 =	rddreg [dreg:$0x1];
	p0 =	sne.s32 s2, $0x0  }
0x87: {  	s3 =	rddreg [dreg:$0x2];
	[bflag:$0x3] =	sbarrier.arrive $0xFFFF;
	s2 =	simm.s32 @!p0 $0x1C03  }
0x88: {  	[timem:s3], [sflag:s2] =	dma.local @!p0 [hbm:s0], s1  }
0x89: {  	s0 =	simm.s32 @!p0 $0x3  }
0x8a: {  	_ =	swait.ge @!p0 [sflag:s0], s1  }
0x8b: {  	s1 =	ssub.s32 @!p0 $0x0, s1;
	[sflag:s0] =	ssyncset.done @!p0 $0x0  }
0x8c: {  	[sflag:s0] =	ssyncadd.s32 @!p0 s1  }
0x8d: {  	[bflag:$0x3] =	sbarrier.arrive $0xFFFF  }
0x8e: {  	_ =	shalt  }

// kernel: kernel.14.cloned.1.call-start
scs
__scs_entry_jumppad:
0x0: {  	(pc) =	sbr.rel $0x88, $3  }
0x1: {  	(tag) =	ssettag $0x0;
	lr =	simm.s32 $0x1  }
0x2: {  	[smem:$0x3F99] =	sst lr;
	_ =	strace $0xD0000000  }
0x3: {  	_ = 	snop  }
0x4: {  	_ = 	snop  }
0x5: {  	_ = 	snop  }
0x6: {  	_ = 	snop  }
0x7: {  	_ = 	snop  }
__scs_overlays_trampoline_lowered:
0x8: {  	[smem:$0x3FA8] =	sst s0  }
0x9: {  	[smem:$0x3FA9] =	sst s1  }
0xa: {  	[smem:$0x3FAA] =	sst s2  }
0xb: {  	[smem:$0x3FAB] =	sst s3  }
0xc: {  	[smem:$0x3FAC] =	sst s4  }
0xd: {  	[smem:$0x3FAD] =	sst s5  }
0xe: {  	[smem:$0x3FAE] =	sst s6  }
0xf: {  	[smem:$0x3FAF] =	sst s7  }
0x10: {  	[smem:$0x3FB0] =	sst s8  }
0x11: {  	[smem:$0x3FB1] =	sst s9;
	s0 =	simm.s32 @!p0 $0x0  }
0x12: {  	s1 =	sld [smem:$0x3F97];
	s0 =	simm.s32 @p0 $0x1  }
0x13: {  	[smem:$0x3FB2] =	sst s0;
	s0 =	simm.s32 @!p1 $0x0  }
0x14: {  	s2 =	sld [smem:$0x3F96];
	s0 =	simm.s32 @p1 $0x1  }
0x15: {  	[smem:$0x3FB3] =	sst s0;
	s0 =	simm.s32 @!p2 $0x0  }
0x16: {  	s3 =	sld [smem:$0x3FDB];
	s0 =	simm.s32 @p2 $0x1  }
0x17: {  	s4 =	simm.s32 $0x1BF5;
	[smem:$0x3FB5] =	sst s0  }
0x18: {  	s0 =	sld [smem:$0x3F98];
	_ =	swait.ge [sflag:s4], $0x0  }
0x19: {  	s7 =	sld [smem:$0x3F99]  }
0x1a: {  	s8 =	sadd.s32 $0xFFFFE003, lr  }
0x1b: {  	s9 =	sadd.s32 $0xFFFFFEF7, lr;
	s5 =	simm.s32 $0xFFFFFFFF;
	p2 =	slt.u32 s8, $0xFFFFF086  }
0x1c: {  	p1 =	slt.u32 s9, $0xF7A;
	s5 =	simm.s32 @!p2 $0x0  }
0x1d: {  	s5 =	simm.s32 @p1 $0x1;
	p0 =	seq.s32 s7, s2  }
0x1e: {  	s7 =	smul.u32 @!p0 $0xF7A, s2;
	p2 =	seq.s32 @!p0 s5, $0x0  }
0x1f: {  	s9 =	smul.u32 $0xF7A, s1;
	s8 =	simm.s32 @!p0 $0x1BF5;
	p2 =	por !p2, p0  }
0x20: {  	[sflag:s8] =	ssyncset.s32 @!p0 $0xFFFFF086;
	s6 =	sadd.s32 @!p0 s3, s7;
	s7 =	simm.s32 @!p0 $0x108  }
0x21: {  	s3 =	sadd.s32 s3, s9;
	s6 =	sadd.s32 @!p0 $0x88, s6;
	s7 =	simm.s32 @p2 $0x1082  }
0x22: {  	[simem:s7], [sflag:s8] =	dma.local @!p0 [hbm:s6], $0xF7A  }
0x23: {  	s9 =	sor.u32 $0xD0000000, s2;
	s6 =	simm.s32 $0x108;
	_ =	swait.ge @!p0 [sflag:s8], $0x0  }
0x24: {  	s3 =	sadd.s32 $0x88, s3;
	s6 =	simm.s32 @!p1 $0x1082;
	[sflag:s4] =	ssyncset.s32 $0xFFFFF086  }
0x25: {  	[simem:s6], [sflag:s4] =	dma.local [hbm:s3], $0xF7A  }
0x26: {  	[smem:$0x3F99] =	sst s1;
	(tag) =	ssettag s2;
	_ =	strace s9  }
0x27: {  	s1 =	sld [smem:$0x3FA9]  }
0x28: {  	s2 =	sld [smem:$0x3FAA]  }
0x29: {  	s4 =	sld [smem:$0x3FAC]  }
0x2a: {  	p0 =	seq.s32 s5, $0x0;
	s5 =	sld [smem:$0x3FAD]  }
0x2b: {  	s6 =	sld [smem:$0x3FAE]  }
0x2c: {  	s7 =	sld [smem:$0x3FAF]  }
0x2d: {  	s3 =	simm.s32 $0x108;
	s8 =	sld [smem:$0x3FB0]  }
0x2e: {  	s3 =	simm.s32 @!p0 $0x1082;
	s9 =	sld [smem:$0x3FB1]  }
0x2f: {  	lr =	sadd.s32 s0, s3;
	s0 =	sld [smem:$0x3FA8]  }
0x30: {  	s3 =	sld [smem:$0x3FAB]  }
0x31: {  	[smem:$0x3FB4] =	sst s10  }
0x32: {  	s10 =	sld [smem:$0x3FB2];
	_ =	sdelay $0x3  }
0x33: {  	p0 =	seq.s32 s10, $0x1;
	s10 =	sld [smem:$0x3FB4];
	_ =	sdelay $0x3  }
0x34: {  	[smem:$0x3FB4] =	sst s10  }
0x35: {  	s10 =	sld [smem:$0x3FB3];
	_ =	sdelay $0x3  }
0x36: {  	p1 =	seq.s32 s10, $0x1;
	s10 =	sld [smem:$0x3FB4];
	_ =	sdelay $0x3  }
0x37: {  	[smem:$0x3FB4] =	sst s10  }
0x38: {  	s10 =	sld [smem:$0x3FB5]  }
0x39: {  	_ = 	snop;
	(pc) =	sbr.ind lr, $3  }
0x3a: {  	_ = 	snop  }
0x3b: {  	_ = 	snop  }
0x3c: {  	p2 =	seq.s32 s10, $0x1;
	s10 =	sld [smem:$0x3FB4]  }
0x3d: {  	_ =	shalt  }
0x3e: {  	_ =	shalt  }
0x3f: {  	_ =	shalt  }
0x40: {  	_ =	shalt  }
0x41: {  	_ =	shalt  }
0x42: {  	_ =	shalt  }
0x43: {  	_ =	shalt  }
0x44: {  	_ =	shalt  }
0x45: {  	_ =	shalt  }
0x46: {  	_ =	shalt  }
0x47: {  	_ =	shalt  }
0x48: {  	_ =	shalt  }
0x49: {  	_ =	shalt  }
0x4a: {  	_ =	shalt  }
0x4b: {  	_ =	shalt  }
0x4c: {  	_ =	shalt  }
0x4d: {  	_ =	shalt  }
0x4e: {  	_ =	shalt  }
0x4f: {  	_ =	shalt  }
0x50: {  	_ =	shalt  }
0x51: {  	_ =	shalt  }
0x52: {  	_ =	shalt  }
0x53: {  	_ =	shalt  }
0x54: {  	_ =	shalt  }
0x55: {  	_ =	shalt  }
0x56: {  	_ =	shalt  }
0x57: {  	_ =	shalt  }
0x58: {  	_ =	shalt  }
0x59: {  	_ =	shalt  }
0x5a: {  	_ =	shalt  }
0x5b: {  	_ =	shalt  }
0x5c: {  	_ =	shalt  }
0x5d: {  	_ =	shalt  }
0x5e: {  	_ =	shalt  }
0x5f: {  	_ =	shalt  }
0x60: {  	_ =	shalt  }
0x61: {  	_ =	shalt  }
0x62: {  	_ =	shalt  }
0x63: {  	_ =	shalt  }
0x64: {  	_ =	shalt  }
0x65: {  	_ =	shalt  }
0x66: {  	_ =	shalt  }
0x67: {  	_ =	shalt  }
0x68: {  	_ =	shalt  }
0x69: {  	_ =	shalt  }
0x6a: {  	_ =	shalt  }
0x6b: {  	_ =	shalt  }
0x6c: {  	_ =	shalt  }
0x6d: {  	_ =	shalt  }
0x6e: {  	_ =	shalt  }
0x6f: {  	_ =	shalt  }
0x70: {  	_ =	shalt  }
0x71: {  	_ =	shalt  }
0x72: {  	_ =	shalt  }
0x73: {  	_ =	shalt  }
0x74: {  	_ =	shalt  }
0x75: {  	_ =	shalt  }
0x76: {  	_ =	shalt  }
0x77: {  	_ =	shalt  }
0x78: {  	_ =	shalt  }
0x79: {  	_ =	shalt  }
0x7a: {  	_ =	shalt  }
0x7b: {  	_ =	shalt  }
0x7c: {  	_ =	shalt  }
0x7d: {  	_ =	shalt  }
0x7e: {  	_ =	shalt  }
0x7f: {  	_ =	shalt  }
0x80: {  	_ =	shalt  }
0x81: {  	_ =	shalt  }
0x82: {  	_ =	shalt  }
0x83: {  	_ =	shalt  }
0x84: {  	_ =	shalt  }
0x85: {  	_ =	shalt  }
0x86: {  	_ =	shalt  }
0x87: {  	_ =	shalt  }
.Lfunc_end0:
.L_simem_size_0:
called_computation.2_lowered:
.L_overlay_start_0:
0x88: {  	s2 =	sld [smem:$0x3FD9]  }
0x89: {  	s3 =	sld [smem:$0x3FFE];
	_ =	sdelay $0x1  }
0x8a: {  	s1 =	srdreg.scid  }
0x8b: {  	s0 =	sand.u32 $0x1, s1  }
0x8c: {  	s16 =	sshll.u32 s0, $0xA;
	s2 =	sadd.s32 s3, s2  }
0x8d: {  	s2 =	sadd.s32 s2, s16  }
0x8e: {  	[smem:$0x3FC0] =	sst s2  }
0x8f: {  	_ = 	snop  }
0x90: {  	(tm) =	ssettm $0x1  }
0x91: {  	s17 =	sld [smem:$0x3FFB];
	_ =	sdelay $0x3  }
0x92: {  	_ =	strace s17  }
0x93: {  	s2 =	sld [smem:$0x3FFC];
	_ =	sdelay $0x3  }
0x94: {  	_ =	strace s2  }
0x95: {  	s2 =	sld [smem:$0x3FFD];
	_ =	sdelay $0x3  }
0x96: {  	_ =	strace s2  }
0x97: {  	_ =	strace $0x8FFFFFFF  }
0x98: {  	s18 =	sld [smem:$0x3FDB];
	_ =	sdelay $0x1  }
0x99: {  	s19 =	simm.s32 $_scs_section_size  }
0x9a: {  	s4 =	simm.s32 $_size__tile_overlayer_lowered;
	s5 =	simm.s32 $_tile_overlayer_lowered  }
0x9b: {  	s22 =	simm.s32 $0x1BFF;
	s21 =	sshll.u32 s5, $0x1;
	s2 =	sadd.s32 s19, s18  }
0x9c: {  	s6 =	simm.s32 $0x0;
	s20 =	sshll.u32 s4, $0x1;
	s4 =	sadd.s32 s21, s2  }
0x9d: {  	[timem:s6], [sflag:s22] =	dma.local [hbm:s4], s20  }
0x9e: {  	_ =	swait.ge [sflag:s22], s20  }
0x9f: {  	s3 =	ssub.s32 $0x0, s20;
	[sflag:s22] =	ssyncset.done $0x0  }
0xa0: {  	[sflag:s22] =	ssyncadd.s32 s3;
	_ =	sdelay $0x1  }
0xa1: {  	s23 =	simm.s32 $0x1B8B  }
0xa2: {  	_ =	swait.ge [sflag:s23], $0x1  }
0xa3: {  	[sflag:s23] =	ssyncset.done $0x0  }
0xa4: {  	s25 =	simm.s32 $0x1B8E;
	s24 =	sld [smem:$0x3FFE];
	[sflag:s23] =	ssyncadd.s32 $0xFFFFFFFF  }
0xa5: {  	s26 =	simm.s32 $execute0_lowered;
	[smem:$0x3FD2] =	sst s25  }
0xa6: {  	s4 =	sshll.u32 s26, $0x1;
	_ =	strace $0x8000004C;
	[dreg:$0x1] =	wrdreg $0xFFFFFFFF  }
0xa7: {  	s28 =	simm.s32 $_size_execute0_lowered;
	s2 =	sadd.s32 s2, s4;
	[dreg:$0x0] =	wrdreg $0x0  }
0xa8: {  	s4 =	sshll.u32 s28, $0x1;
	[dreg:$0x2] =	wrdreg s2  }
0xa9: {  	[dreg:$0x3] =	wrdreg s4  }
0xaa: {  	[dreg:$0x4] =	wrdreg $0xC0  }
0xab: {  	_ =	task [dreg:s6], $0x5FFFF  }
0xac: {  	[dreg:$0x1] =	wrdreg $0xFFFFFFFF  }
0xad: {  	[dreg:$0x0] =	wrdreg $0x60  }
0xae: {  	[dreg:$0x2] =	wrdreg s24  }
0xaf: {  	[dreg:$0x3] =	wrdreg $0x52000  }
0xb0: {  	[dreg:$0x4] =	wrdreg $0x9  }
0xb1: {  	_ =	task.clear_ibuf [dreg:s6], $0x5FFFF;
	_ =	strace $0x9000004C  }
0xb2: {  	s29 =	simm.s32 $0x9;
	_ =	strace $0x8000004E  }
0xb3: {  	_ =	swait.ge [sflag:s29], $0x1  }
0xb4: {  	[sflag:s29] =	ssyncadd.s32 $0xFFFFFFFF  }
0xb5: {  	_ =	strace $0x9000004E  }
0xb6: {  	_ =	sfence  }
0xb7: {  	s30 =	sld [smem:$0x0];
	_ =	sdelay $0x2  }
0xb8: {  	s31 =	sshll.u32 s1, $0xD;
	s1 =	sshrl.u32 s1, $0x2  }
0xb9: {  	s3 =	sand.u32 $0x4000, s31;
	s1 =	sadd.s32 s1, s30  }
0xba: {  	s0 =	sor.u32 s3, s0;
	s1 =	sshll.u32 s1, $0x11  }
0xbb: {  	s0 =	sor.u32 s1, s0  }
0xbc: {  	s0 =	sadd.s32 $0x8F2B, s0  }
0xbd: {  	[sflag:s0] =	ssyncadd.remote.s32 $0x1  }
0xbe: {  	_ =	sfence.sel $0xFFFF  }
0xbf: {  	[dreg:$0x0] =	wrdreg $0xFFFFFFFF;
	(pc) =	sbr.abs _section_cstart, $3  }
0xc0: {  	[dreg:$0x1] =	wrdreg $0xFFFFFFFF  }
0xc1: {  	_ =	task.clear_ibuf [dreg:s6], $0x2FFFF;
	_ =	strace $0x9FFFFFFF  }
0xc2: {  	(tm) =	ssettm $0x7FFFFFFF  }
0xc3: {  	_ =	shalt  }
tec
execute0_lowered:
.L_overlay_start_1:
0x0: {  	(tag) =	ssettag $0x1  }
0x1: {  	s0 =	rddreg [dreg:$0x0]  }
0x2: {  	s1 =	rddreg [dreg:$0x1];
	s2 =	srdreg.scid;
	s3 =	simm.s32 $0x0  }
0x3: {  	s26 =	stileid.u32;
	s19 =	simm.s32 $0x3;
	s20 =	simm.s32 $0x1  }
0x4: {  	s22 =	simm.s32 $0x50;
	s23 =	simm.s32 $0x2;
	s7 =	smul.u32 $0x14000, s26  }
0x5: {  	s28 =	simm.s32 $0x0;
	s6 =	sand.u32 $0x1, s2;
	s8 =	smul.u32 $0x50000, s26  }
0x6: {  	[smem:$0x7FF] =	sst s3;
	s4 =	sadd.s32 $0x2400, s0;
	s14 =	smul.u32 $0x7D00, s26  }
0x7: {  	s17 =	sadd.s32 $0x71800, s0;
	s5 =	smul.u32 $0x140000, s6;
	_ =	strace $0x8000004D  }
0x8: {  	s29 =	sshll.u32 s6, $0x4;
	s30 =	ssub.s32 $0x2, s6;
	s13 =	smul.u32 $0x7D000, s6  }
0x9: {  	s9 =	sshrl.u32 s30, $0x1;
	s8 =	sshrl.u32 s8, $0x2;
	s5 =	sadd.s32 s7, s5  }
0xa: {  	s7 =	sor.u32 s26, s29;
	s16 =	ssub.s32 s30, s9;
	s14 =	sadd.s32 s14, s13  }
0xb: {  	s26 =	simm.s32 $0x80;
	s5 =	sshrl.u32 s5, $0x3;
	s12 =	smul.u32 $0x7D00, s7  }
0xc: {  	s18 =	sadd.s32 $0x200, s14;
	s16 =	smax.u32 s16, $0x1;
	s0 =	sadd.s32 s5, s0  }
0xd: {  	s5 =	sadd.s32 s8, s1;
	s31 =	sshrl.u32 s18, $0x3;
	s18 =	simm.s32 $0x200  }
0xe: {  	s6 =	sadd.s32 $0x2800, s5;
	s7 =	sadd.s32 $0x5000, s5;
	s8 =	sadd.s32 $0x7800, s5  }
0xf: {  	s9 =	sadd.s32 $0xA000, s5;
	s10 =	sadd.s32 $0xC800, s5;
	s15 =	sshrl.u32 s12, $0x3  }
0x10: {  	s11 =	sadd.s32 $0xF000, s5;
	s12 =	sadd.s32 $0x11800, s5;
	s13 =	sadd.s32 s17, s15  }
0x11: {  	v0 =	vimm.f32 $0.0e+00;
	s15 =	sadd.s32 $0x90C00, s0;
	s0 =	sadd.s32 s31, s17;
	s14 =	sadd.s32 $0x20, s13  }
.LBB2_1:
0x12: {  	s29 =	simm.s32 $0x0;
	s17 =	simm.s32 $0x200  }
.LBB2_2:
0x13: {  	p0 =	sne.s32 s17, $0x9E00;
	[tilespmem:s29+$0x270] =	vst v0  }
0x14: {  	[tilespmem:s29+$0x200] =	vst v0  }
0x15: {  	[tilespmem:s29+$0x210] =	vst v0  }
.Ltmp0:
0x16: {  	[tilespmem:s29+$0x220] =	vst v0;
	(pc) =	sbr.rel @p0 .LBB2_2-.Ltmp0, $4  }
0x17: {  	[tilespmem:s29+$0x230] =	vst v0  }
0x18: {  	[tilespmem:s29+$0x240] =	vst v0  }
0x19: {  	[tilespmem:s29+$0x250] =	vst v0  }
0x1a: {  	[tilespmem:s29+$0x260] =	vst v0;
	s29 =	sshra.s32 s17, $0x2;
	s17 =	sadd.s32 $0x200, s17  }
0x1b: {  	[tilespmem:s29+$0x270] =	vst v0  }
0x1c: {  	[tilespmem:s29+$0x200] =	vst v0  }
0x1d: {  	[tilespmem:s29+$0x210] =	vst v0  }
0x1e: {  	[tilespmem:s29+$0x220] =	vst v0  }
0x1f: {  	[tilespmem:s29+$0x230] =	vst v0  }
0x20: {  	[tilespmem:s29+$0x240] =	vst v0  }
0x21: {  	[tilespmem:s29+$0x250] =	vst v0  }
0x22: {  	[tilespmem:s29+$0x260] =	vst v0  }
0x23: {  	[spmem:s5] =	stream.linear.scatter [tilespmem:s18], [sflag:$0x3], $0x2800, $0x38;
	[tilespmem:$0x19200] =	vst v63  }
0x24: {  	_ =	swait.ge [sflag:s19], $0x2800  }
0x25: {  	[sflag:s19] =	ssyncset.done $0x0  }
0x26: {  	[sflag:s19] =	ssyncadd.s32 $0xFFFFD800  }
0x27: {  	[spmem:s6] =	stream.linear.scatter [tilespmem:s18], [sflag:$0x3], $0x2800, $0x38;
	[tilespmem:$0x19200] =	vst v63  }
0x28: {  	_ =	swait.ge [sflag:s19], $0x2800  }
0x29: {  	[sflag:s19] =	ssyncset.done $0x0  }
0x2a: {  	[sflag:s19] =	ssyncadd.s32 $0xFFFFD800  }
0x2b: {  	[spmem:s7] =	stream.linear.scatter [tilespmem:s18], [sflag:$0x3], $0x2800, $0x38;
	[tilespmem:$0x19200] =	vst v63  }
0x2c: {  	_ =	swait.ge [sflag:s19], $0x2800  }
0x2d: {  	[sflag:s19] =	ssyncset.done $0x0  }
0x2e: {  	[sflag:s19] =	ssyncadd.s32 $0xFFFFD800  }
0x2f: {  	[spmem:s8] =	stream.linear.scatter [tilespmem:s18], [sflag:$0x3], $0x2800, $0x38;
	[tilespmem:$0x19200] =	vst v63  }
0x30: {  	_ =	swait.ge [sflag:s19], $0x2800  }
0x31: {  	[sflag:s19] =	ssyncset.done $0x0  }
0x32: {  	[sflag:s19] =	ssyncadd.s32 $0xFFFFD800  }
0x33: {  	[spmem:s9] =	stream.linear.scatter [tilespmem:s18], [sflag:$0x3], $0x2800, $0x38;
	[tilespmem:$0x19200] =	vst v63  }
0x34: {  	_ =	swait.ge [sflag:s19], $0x2800  }
0x35: {  	[sflag:s19] =	ssyncset.done $0x0  }
0x36: {  	[sflag:s19] =	ssyncadd.s32 $0xFFFFD800  }
0x37: {  	[spmem:s10] =	stream.linear.scatter [tilespmem:s18], [sflag:$0x3], $0x2800, $0x38;
	[tilespmem:$0x19200] =	vst v63  }
0x38: {  	_ =	swait.ge [sflag:s19], $0x2800  }
0x39: {  	[sflag:s19] =	ssyncset.done $0x0  }
0x3a: {  	[sflag:s19] =	ssyncadd.s32 $0xFFFFD800  }
0x3b: {  	[spmem:s11] =	stream.linear.scatter [tilespmem:s18], [sflag:$0x3], $0x2800, $0x38;
	[tilespmem:$0x19200] =	vst v63  }
0x3c: {  	_ =	swait.ge [sflag:s19], $0x2800  }
0x3d: {  	[sflag:s19] =	ssyncset.done $0x0  }
0x3e: {  	[sflag:s19] =	ssyncadd.s32 $0xFFFFD800  }
0x3f: {  	[spmem:s12] =	stream.linear.scatter [tilespmem:s18], [sflag:$0x3], $0x2800, $0x38;
	[tilespmem:$0x19200] =	vst v63  }
0x40: {  	_ =	swait.ge [sflag:s19], $0x2800  }
0x41: {  	[sflag:s19] =	ssyncset.done $0x0  }
0x42: {  	[sflag:s19] =	ssyncadd.s32 $0xFFFFD800  }
0x43: {  	s17 =	simm.s32 $0x0;
	[bflag:$0x0] =	sbarrier.arrive $0xFFFF  }
0x44: {  	[tilespmem:s17], [sflag:$0x1] =	stream.linear.gather [hbm4b:s13+s17], $0x100, $0x38;
	[tilespmem:$0x19200] =	vst v63  }
0x45: {  	_ =	swait.ge [sflag:s20], $0x100  }
0x46: {  	[sflag:s20] =	ssyncset.done $0x0  }
0x47: {  	s2 =	simm.s32 $0x100;
	[sflag:s20] =	ssyncadd.s32 $0xFFFFFF00  }
0x48: {  	[tilespmem:s2], [sflag:$0x1] =	stream.linear.gather [hbm4b:s14+s17], $0x100, $0x38;
	[tilespmem:$0x19200] =	vst v63  }
0x49: {  	_ = 	snop  }
0x4a: {  	[tilespmem:s18], [sflag:$0x2] =	stream.indirect.gather [hbm4b:s4+s22], $0x80, s17, s22, $0xb8;
	[tilespmem:$0x19200] =	vst v63  }
0x4b: {  	s17 =	sand.u32 $0x1, s17;
	_ =	swait.ge [sflag:s23], $0x2800  }
0x4c: {  	s29 =	smul.u32 $0xA000, s17;
	s30 =	sxor.u32 $0x1, s17;
	[sflag:s23] =	ssyncset.done $0x0  }
0x4d: {  	s31 =	smul.u32 $0xA000, s30;
	[sflag:s23] =	ssyncadd.s32 $0xFFFFD800  }
0x4e: {  	s21 =	sshll.u32 s30, $0x8;
	_ =	swait.ge [sflag:s20], $0x100  }
0x4f: {  	s29 =	sshrl.u32 s29, $0x2;
	s25 =	sshrl.u32 s31, $0x2;
	[sflag:s20] =	ssyncset.done $0x0  }
0x50: {  	s31 =	sshll.u32 s17, $0x8;
	s2 =	sor.u32 $0x200, s25;
	[sflag:s20] =	ssyncadd.s32 $0xFFFFFF00  }
0x51: {  	[tilespmem:s2], [sflag:$0x2] =	stream.indirect.gather [hbm4b:s4+s22], $0x80, s21, s22, $0xb8;
	[tilespmem:$0x19200] =	vst v63  }
0x52: {  	s24 =	sor.u32 $0x200, s29;
	s25 =	sor.u32 $0x80, s31  }
0x53: {  	[spmem:s1] =	stream.indirect.scatter.add.f32 [tilespmem:s24], [sflag:$0x3], $0x80, s25, s22, $0xb8;
	[tilespmem:$0x19200] =	vst v63  }
0x54: {  	_ =	swait.ge [sflag:s19], $0x2800  }
0x55: {  	s30 =	sadd.s32 $0x20, s0;
	[sflag:s19] =	ssyncset.done $0x0  }
0x56: {  	s29 =	simm.s32 $0x1;
	s17 =	smov.u32 s0;
	[sflag:s19] =	ssyncadd.s32 $0xFFFFD800  }
.LBB2_4:
0x57: {  	[tilespmem:s31], [sflag:$0x1] =	stream.linear.gather [hbm4b:s17+s3], $0x100, $0x38;
	[tilespmem:$0x19200] =	vst v63  }
0x58: {  	s2 =	sand.u32 $0x1, s29;
	p0 =	sne.s32 s29, $0x7A;
	_ =	swait.ge [sflag:s23], $0x2800  }
0x59: {  	s17 =	smul.u32 $0xA000, s2;
	s21 =	sxor.u32 $0x1, s2;
	[sflag:s23] =	ssyncset.done $0x0  }
0x5a: {  	s29 =	sadd.s32 $0x1, s29;
	s31 =	smul.u32 $0xA000, s21;
	[sflag:s23] =	ssyncadd.s32 $0xFFFFD800  }
0x5b: {  	s24 =	sshrl.u32 s17, $0x2;
	s17 =	smov.u32 s30;
	_ =	swait.ge [sflag:s20], $0x100  }
0x5c: {  	s25 =	sshrl.u32 s31, $0x2;
	s31 =	sshll.u32 s2, $0x8;
	[sflag:s20] =	ssyncset.done $0x0  }
0x5d: {  	s21 =	sshll.u32 s21, $0x8;
	s2 =	sor.u32 $0x200, s25;
	[sflag:s20] =	ssyncadd.s32 $0xFFFFFF00  }
0x5e: {  	[tilespmem:s2], [sflag:$0x2] =	stream.indirect.gather [hbm4b:s4+s22], $0x80, s21, s22, $0xb8;
	[tilespmem:$0x19200] =	vst v63  }
.Ltmp1:
0x5f: {  	s2 =	sor.u32 $0x200, s24;
	s21 =	sor.u32 $0x80, s31;
	(pc) =	sbr.rel @p0 .LBB2_4-.Ltmp1, $4  }
0x60: {  	[spmem:s1] =	stream.indirect.scatter.add.f32 [tilespmem:s2], [sflag:$0x3], $0x80, s21, s22, $0xb8;
	[tilespmem:$0x19200] =	vst v63  }
0x61: {  	_ =	swait.ge [sflag:s19], $0x2800  }
0x62: {  	[sflag:s19] =	ssyncset.done $0x0  }
0x63: {  	s30 =	sadd.s32 $0x20, s30;
	[sflag:s19] =	ssyncadd.s32 $0xFFFFD800  }
0x64: {  	[tilespmem:s31], [sflag:$0x1] =	stream.linear.gather [hbm4b:s17+s3], $0x100, $0x38;
	[tilespmem:$0x19200] =	vst v63  }
0x65: {  	_ =	swait.ge [sflag:s23], $0x2800  }
0x66: {  	[sflag:s23] =	ssyncset.done $0x0  }
0x67: {  	[sflag:s23] =	ssyncadd.s32 $0xFFFFD800  }
0x68: {  	_ =	swait.ge [sflag:s20], $0x100  }
0x69: {  	[sflag:s20] =	ssyncset.done $0x0  }
0x6a: {  	[sflag:s20] =	ssyncadd.s32 $0xFFFFFF00  }
0x6b: {  	[tilespmem:s18], [sflag:$0x2] =	stream.indirect.gather [hbm4b:s4+s22], $0x80, s3, s22, $0xb8;
	[tilespmem:$0x19200] =	vst v63  }
0x6c: {  	s2 =	simm.s32 $0x180;
	s29 =	simm.s32 $0x2A00  }
0x6d: {  	[spmem:s1] =	stream.indirect.scatter.add.f32 [tilespmem:s29], [sflag:$0x3], $0x80, s2, s22, $0xb8;
	[tilespmem:$0x19200] =	vst v63  }
0x6e: {  	_ =	swait.ge [sflag:s19], $0x2800  }
0x6f: {  	[sflag:s19] =	ssyncset.done $0x0  }
0x70: {  	[sflag:s19] =	ssyncadd.s32 $0xFFFFD800  }
0x71: {  	_ =	swait.ge [sflag:s23], $0x2800  }
0x72: {  	[sflag:s23] =	ssyncset.done $0x0  }
0x73: {  	[sflag:s23] =	ssyncadd.s32 $0xFFFFD800  }
0x74: {  	[spmem:s1] =	stream.indirect.scatter.add.f32 [tilespmem:s18], [sflag:$0x3], $0x80, s26, s22, $0xb8;
	[tilespmem:$0x19200] =	vst v63  }
0x75: {  	s30 =	stileid.u32;
	_ =	swait.ge [sflag:s19], $0x2800  }
0x76: {  	s31 =	sshrl.u32 s5, $0x3;
	s28 =	sadd.s32 $0x1, s28;
	[sflag:s19] =	ssyncset.done $0x0  }
0x77: {  	p0 =	sne.s32 s28, s16;
	s2 =	sshll.u32 s30, $0x6;
	[sflag:s19] =	ssyncadd.s32 $0xFFFFD800  }
.Ltmp2:
0x78: {  	s2 =	sor.u32 $0x1C03, s2;
	[bflag:$0x0] =	sbarrier.arrive $0xFFFF;
	(pc) =	sbr.rel @p0 .LBB2_1-.Ltmp2, $4  }
0x79: {  	[hbm:s15], [sflag:s2] =	dma.local [spmem:s31], $0x2800  }
0x7a: {  	_ =	swait.ge [sflag:s19], $0x2800  }
0x7b: {  	[sflag:s19] =	ssyncset.done $0x0  }
0x7c: {  	[sflag:s19] =	ssyncadd.s32 $0xFFFFD800  }
0x7d: {  	_ =	sfence.sel $0x180000  }
0x7e: {  	[bflag:$0x0] =	sbarrier.arrive $0xFFFF  }
0x7f: {  	_ =	strace $0x9000004D  }
0x80: {  	s0 =	stileid.u32;
	[bflag:$0x2] =	sbarrier.arrive $0xFFFF  }
0x81: {  	p0 =	sne.s32 s0, $0x0;
	s0 =	rddreg [dreg:$0x2]  }
0x82: {  	s0 =	sadd.s32 @!p0 $0x100000, s0  }
0x83: {  	[sflag:s0] =	ssyncadd.tile.s32 @!p0 $0x1;
	_ =	shalt  }
.Lfunc_end2:
_tile_overlayer_lowered:
.L_overlay_start_2:
0x84: {  	(tag) =	ssettag $0x2  }
0x85: {  	s0 =	rddreg [dreg:$0x0];
	s2 =	stileid.u32  }
0x86: {  	s1 =	rddreg [dreg:$0x1];
	p0 =	sne.s32 s2, $0x0  }
0x87: {  	s3 =	rddreg [dreg:$0x2];
	[bflag:$0x3] =	sbarrier.arrive $0xFFFF;
	s2 =	simm.s32 @!p0 $0x1C03  }
0x88: {  	[timem:s3], [sflag:s2] =	dma.local @!p0 [hbm:s0], s1  }
0x89: {  	s0 =	simm.s32 @!p0 $0x3  }
0x8a: {  	_ =	swait.ge @!p0 [sflag:s0], s1  }
0x8b: {  	s1 =	ssub.s32 @!p0 $0x0, s1;
	[sflag:s0] =	ssyncset.done @!p0 $0x0  }
0x8c: {  	[sflag:s0] =	ssyncadd.s32 @!p0 s1  }
0x8d: {  	[bflag:$0x3] =	sbarrier.arrive $0xFFFF  }
0x8e: {  	_ =	shalt  }

// kernel: kernel.8.cloned.1.call-start
scs
__scs_entry_jumppad:
0x0: {  	(pc) =	sbr.rel $0x88, $3  }
0x1: {  	(tag) =	ssettag $0x0;
	lr =	simm.s32 $0x1  }
0x2: {  	[smem:$0x3F99] =	sst lr;
	_ =	strace $0xD0000000  }
0x3: {  	_ = 	snop  }
0x4: {  	_ = 	snop  }
0x5: {  	_ = 	snop  }
0x6: {  	_ = 	snop  }
0x7: {  	_ = 	snop  }
__scs_overlays_trampoline_lowered:
0x8: {  	[smem:$0x3FA8] =	sst s0  }
0x9: {  	[smem:$0x3FA9] =	sst s1  }
0xa: {  	[smem:$0x3FAA] =	sst s2  }
0xb: {  	[smem:$0x3FAB] =	sst s3  }
0xc: {  	[smem:$0x3FAC] =	sst s4  }
0xd: {  	[smem:$0x3FAD] =	sst s5  }
0xe: {  	[smem:$0x3FAE] =	sst s6  }
0xf: {  	[smem:$0x3FAF] =	sst s7  }
0x10: {  	[smem:$0x3FB0] =	sst s8  }
0x11: {  	[smem:$0x3FB1] =	sst s9;
	s0 =	simm.s32 @!p0 $0x0  }
0x12: {  	s1 =	sld [smem:$0x3F97];
	s0 =	simm.s32 @p0 $0x1  }
0x13: {  	[smem:$0x3FB2] =	sst s0;
	s0 =	simm.s32 @!p1 $0x0  }
0x14: {  	s2 =	sld [smem:$0x3F96];
	s0 =	simm.s32 @p1 $0x1  }
0x15: {  	[smem:$0x3FB3] =	sst s0;
	s0 =	simm.s32 @!p2 $0x0  }
0x16: {  	s3 =	sld [smem:$0x3FDB];
	s0 =	simm.s32 @p2 $0x1  }
0x17: {  	s4 =	simm.s32 $0x1BF5;
	[smem:$0x3FB5] =	sst s0  }
0x18: {  	s0 =	sld [smem:$0x3F98];
	_ =	swait.ge [sflag:s4], $0x0  }
0x19: {  	s7 =	sld [smem:$0x3F99]  }
0x1a: {  	s8 =	sadd.s32 $0xFFFFE003, lr  }
0x1b: {  	s9 =	sadd.s32 $0xFFFFFEF7, lr;
	s5 =	simm.s32 $0xFFFFFFFF;
	p2 =	slt.u32 s8, $0xFFFFF086  }
0x1c: {  	p1 =	slt.u32 s9, $0xF7A;
	s5 =	simm.s32 @!p2 $0x0  }
0x1d: {  	s5 =	simm.s32 @p1 $0x1;
	p0 =	seq.s32 s7, s2  }
0x1e: {  	s7 =	smul.u32 @!p0 $0xF7A, s2;
	p2 =	seq.s32 @!p0 s5, $0x0  }
0x1f: {  	s9 =	smul.u32 $0xF7A, s1;
	s8 =	simm.s32 @!p0 $0x1BF5;
	p2 =	por !p2, p0  }
0x20: {  	[sflag:s8] =	ssyncset.s32 @!p0 $0xFFFFF086;
	s6 =	sadd.s32 @!p0 s3, s7;
	s7 =	simm.s32 @!p0 $0x108  }
0x21: {  	s3 =	sadd.s32 s3, s9;
	s6 =	sadd.s32 @!p0 $0x88, s6;
	s7 =	simm.s32 @p2 $0x1082  }
0x22: {  	[simem:s7], [sflag:s8] =	dma.local @!p0 [hbm:s6], $0xF7A  }
0x23: {  	s9 =	sor.u32 $0xD0000000, s2;
	s6 =	simm.s32 $0x108;
	_ =	swait.ge @!p0 [sflag:s8], $0x0  }
0x24: {  	s3 =	sadd.s32 $0x88, s3;
	s6 =	simm.s32 @!p1 $0x1082;
	[sflag:s4] =	ssyncset.s32 $0xFFFFF086  }
0x25: {  	[simem:s6], [sflag:s4] =	dma.local [hbm:s3], $0xF7A  }
0x26: {  	[smem:$0x3F99] =	sst s1;
	(tag) =	ssettag s2;
	_ =	strace s9  }
0x27: {  	s1 =	sld [smem:$0x3FA9]  }
0x28: {  	s2 =	sld [smem:$0x3FAA]  }
0x29: {  	s4 =	sld [smem:$0x3FAC]  }
0x2a: {  	p0 =	seq.s32 s5, $0x0;
	s5 =	sld [smem:$0x3FAD]  }
0x2b: {  	s6 =	sld [smem:$0x3FAE]  }
0x2c: {  	s7 =	sld [smem:$0x3FAF]  }
0x2d: {  	s3 =	simm.s32 $0x108;
	s8 =	sld [smem:$0x3FB0]  }
0x2e: {  	s3 =	simm.s32 @!p0 $0x1082;
	s9 =	sld [smem:$0x3FB1]  }
0x2f: {  	lr =	sadd.s32 s0, s3;
	s0 =	sld [smem:$0x3FA8]  }
0x30: {  	s3 =	sld [smem:$0x3FAB]  }
0x31: {  	[smem:$0x3FB4] =	sst s10  }
0x32: {  	s10 =	sld [smem:$0x3FB2];
	_ =	sdelay $0x3  }
0x33: {  	p0 =	seq.s32 s10, $0x1;
	s10 =	sld [smem:$0x3FB4];
	_ =	sdelay $0x3  }
0x34: {  	[smem:$0x3FB4] =	sst s10  }
0x35: {  	s10 =	sld [smem:$0x3FB3];
	_ =	sdelay $0x3  }
0x36: {  	p1 =	seq.s32 s10, $0x1;
	s10 =	sld [smem:$0x3FB4];
	_ =	sdelay $0x3  }
0x37: {  	[smem:$0x3FB4] =	sst s10  }
0x38: {  	s10 =	sld [smem:$0x3FB5]  }
0x39: {  	_ = 	snop;
	(pc) =	sbr.ind lr, $3  }
0x3a: {  	_ = 	snop  }
0x3b: {  	_ = 	snop  }
0x3c: {  	p2 =	seq.s32 s10, $0x1;
	s10 =	sld [smem:$0x3FB4]  }
0x3d: {  	_ =	shalt  }
0x3e: {  	_ =	shalt  }
0x3f: {  	_ =	shalt  }
0x40: {  	_ =	shalt  }
0x41: {  	_ =	shalt  }
0x42: {  	_ =	shalt  }
0x43: {  	_ =	shalt  }
0x44: {  	_ =	shalt  }
0x45: {  	_ =	shalt  }
0x46: {  	_ =	shalt  }
0x47: {  	_ =	shalt  }
0x48: {  	_ =	shalt  }
0x49: {  	_ =	shalt  }
0x4a: {  	_ =	shalt  }
0x4b: {  	_ =	shalt  }
0x4c: {  	_ =	shalt  }
0x4d: {  	_ =	shalt  }
0x4e: {  	_ =	shalt  }
0x4f: {  	_ =	shalt  }
0x50: {  	_ =	shalt  }
0x51: {  	_ =	shalt  }
0x52: {  	_ =	shalt  }
0x53: {  	_ =	shalt  }
0x54: {  	_ =	shalt  }
0x55: {  	_ =	shalt  }
0x56: {  	_ =	shalt  }
0x57: {  	_ =	shalt  }
0x58: {  	_ =	shalt  }
0x59: {  	_ =	shalt  }
0x5a: {  	_ =	shalt  }
0x5b: {  	_ =	shalt  }
0x5c: {  	_ =	shalt  }
0x5d: {  	_ =	shalt  }
0x5e: {  	_ =	shalt  }
0x5f: {  	_ =	shalt  }
0x60: {  	_ =	shalt  }
0x61: {  	_ =	shalt  }
0x62: {  	_ =	shalt  }
0x63: {  	_ =	shalt  }
0x64: {  	_ =	shalt  }
0x65: {  	_ =	shalt  }
0x66: {  	_ =	shalt  }
0x67: {  	_ =	shalt  }
0x68: {  	_ =	shalt  }
0x69: {  	_ =	shalt  }
0x6a: {  	_ =	shalt  }
0x6b: {  	_ =	shalt  }
0x6c: {  	_ =	shalt  }
0x6d: {  	_ =	shalt  }
0x6e: {  	_ =	shalt  }
0x6f: {  	_ =	shalt  }
0x70: {  	_ =	shalt  }
0x71: {  	_ =	shalt  }
0x72: {  	_ =	shalt  }
0x73: {  	_ =	shalt  }
0x74: {  	_ =	shalt  }
0x75: {  	_ =	shalt  }
0x76: {  	_ =	shalt  }
0x77: {  	_ =	shalt  }
0x78: {  	_ =	shalt  }
0x79: {  	_ =	shalt  }
0x7a: {  	_ =	shalt  }
0x7b: {  	_ =	shalt  }
0x7c: {  	_ =	shalt  }
0x7d: {  	_ =	shalt  }
0x7e: {  	_ =	shalt  }
0x7f: {  	_ =	shalt  }
0x80: {  	_ =	shalt  }
0x81: {  	_ =	shalt  }
0x82: {  	_ =	shalt  }
0x83: {  	_ =	shalt  }
0x84: {  	_ =	shalt  }
0x85: {  	_ =	shalt  }
0x86: {  	_ =	shalt  }
0x87: {  	_ =	shalt  }
.Lfunc_end0:
.L_simem_size_0:
called_computation_lowered:
.L_overlay_start_0:
0x88: {  	s2 =	sld [smem:$0x3FD9]  }
0x89: {  	s3 =	sld [smem:$0x3FFE];
	_ =	sdelay $0x1  }
0x8a: {  	s1 =	srdreg.scid  }
0x8b: {  	s0 =	sand.u32 $0x1, s1  }
0x8c: {  	s16 =	sshll.u32 s0, $0xA;
	s2 =	sadd.s32 s3, s2  }
0x8d: {  	s2 =	sadd.s32 s2, s16  }
0x8e: {  	[smem:$0x3FC0] =	sst s2  }
0x8f: {  	_ = 	snop  }
0x90: {  	(tm) =	ssettm $0x1  }
0x91: {  	s17 =	sld [smem:$0x3FFB];
	_ =	sdelay $0x3  }
0x92: {  	_ =	strace s17  }
0x93: {  	s2 =	sld [smem:$0x3FFC];
	_ =	sdelay $0x3  }
0x94: {  	_ =	strace s2  }
0x95: {  	s2 =	sld [smem:$0x3FFD];
	_ =	sdelay $0x3  }
0x96: {  	_ =	strace s2  }
0x97: {  	_ =	strace $0x8FFFFFFF  }
0x98: {  	s18 =	sld [smem:$0x3FDB];
	_ =	sdelay $0x1  }
0x99: {  	s19 =	simm.s32 $_scs_section_size  }
0x9a: {  	s4 =	simm.s32 $_size__tile_overlayer_lowered;
	s5 =	simm.s32 $_tile_overlayer_lowered  }
0x9b: {  	s22 =	simm.s32 $0x1BFF;
	s21 =	sshll.u32 s5, $0x1;
	s2 =	sadd.s32 s19, s18  }
0x9c: {  	s6 =	simm.s32 $0x0;
	s20 =	sshll.u32 s4, $0x1;
	s4 =	sadd.s32 s21, s2  }
0x9d: {  	[timem:s6], [sflag:s22] =	dma.local [hbm:s4], s20  }
0x9e: {  	_ =	swait.ge [sflag:s22], s20  }
0x9f: {  	s3 =	ssub.s32 $0x0, s20;
	[sflag:s22] =	ssyncset.done $0x0  }
0xa0: {  	[sflag:s22] =	ssyncadd.s32 s3;
	_ =	sdelay $0x1  }
0xa1: {  	s23 =	simm.s32 $0x1B8B  }
0xa2: {  	_ =	swait.ge [sflag:s23], $0x1  }
0xa3: {  	[sflag:s23] =	ssyncset.done $0x0  }
0xa4: {  	s25 =	simm.s32 $0x1B8E;
	s24 =	sld [smem:$0x3FFE];
	[sflag:s23] =	ssyncadd.s32 $0xFFFFFFFF  }
0xa5: {  	s26 =	simm.s32 $execute0_lowered;
	[smem:$0x3FD2] =	sst s25  }
0xa6: {  	s4 =	sshll.u32 s26, $0x1;
	_ =	strace $0x80000046;
	[dreg:$0x1] =	wrdreg $0xFFFFFFFF  }
0xa7: {  	s28 =	simm.s32 $_size_execute0_lowered;
	s2 =	sadd.s32 s2, s4;
	[dreg:$0x0] =	wrdreg $0x0  }
0xa8: {  	s4 =	sshll.u32 s28, $0x1;
	[dreg:$0x2] =	wrdreg s2  }
0xa9: {  	[dreg:$0x3] =	wrdreg s4  }
0xaa: {  	[dreg:$0x4] =	wrdreg $0xC0  }
0xab: {  	_ =	task [dreg:s6], $0x5FFFF  }
0xac: {  	[dreg:$0x1] =	wrdreg $0xFFFFFFFF  }
0xad: {  	[dreg:$0x0] =	wrdreg $0x60  }
0xae: {  	[dreg:$0x2] =	wrdreg s24  }
0xaf: {  	[dreg:$0x3] =	wrdreg $0x41000  }
0xb0: {  	[dreg:$0x4] =	wrdreg $0x9  }
0xb1: {  	_ =	task.clear_ibuf [dreg:s6], $0x5FFFF;
	_ =	strace $0x90000046  }
0xb2: {  	s29 =	simm.s32 $0x9;
	_ =	strace $0x80000048  }
0xb3: {  	_ =	swait.ge [sflag:s29], $0x1  }
0xb4: {  	[sflag:s29] =	ssyncadd.s32 $0xFFFFFFFF  }
0xb5: {  	_ =	strace $0x90000048  }
0xb6: {  	_ =	sfence  }
0xb7: {  	s30 =	sld [smem:$0x0];
	_ =	sdelay $0x2  }
0xb8: {  	s31 =	sshll.u32 s1, $0xD;
	s1 =	sshrl.u32 s1, $0x2  }
0xb9: {  	s3 =	sand.u32 $0x4000, s31;
	s1 =	sadd.s32 s1, s30  }
0xba: {  	s0 =	sor.u32 s3, s0;
	s1 =	sshll.u32 s1, $0x11  }
0xbb: {  	s0 =	sor.u32 s1, s0  }
0xbc: {  	s0 =	sadd.s32 $0x8F2B, s0  }
0xbd: {  	[sflag:s0] =	ssyncadd.remote.s32 $0x1  }
0xbe: {  	_ =	sfence.sel $0xFFFF  }
0xbf: {  	[dreg:$0x0] =	wrdreg $0xFFFFFFFF;
	(pc) =	sbr.abs _section_cstart, $3  }
0xc0: {  	[dreg:$0x1] =	wrdreg $0xFFFFFFFF  }
0xc1: {  	_ =	task.clear_ibuf [dreg:s6], $0x2FFFF;
	_ =	strace $0x9FFFFFFF  }
0xc2: {  	(tm) =	ssettm $0x7FFFFFFF  }
0xc3: {  	_ =	shalt  }
tec
execute0_lowered:
.L_overlay_start_1:
0x0: {  	(tag) =	ssettag $0x1  }
0x1: {  	s5 =	rddreg [dreg:$0x0];
	s0 =	srdreg.scid  }
0x2: {  	s2 =	rddreg [dreg:$0x1];
	s1 =	stileid.u32  }
0x3: {  	s3 =	simm.s32 $0x0;
	s15 =	simm.s32 $0x100;
	s16 =	simm.s32 $0x2  }
0x4: {  	s17 =	simm.s32 $0x1;
	s18 =	simm.s32 $0x50;
	s7 =	smul.u32 $0x14000, s1  }
0x5: {  	s19 =	simm.s32 $0x80;
	s6 =	sand.u32 $0x1, s0;
	s8 =	smul.u32 $0x50000, s1  }
0x6: {  	s20 =	simm.s32 $0x0;
	s0 =	rddreg [dreg:$0x2];
	s4 =	smul.u32 $0x140000, s6  }
0x7: {  	[smem:$0x7FF] =	sst s3;
	s14 =	smul.u32 $0x7D00, s1;
	s10 =	sshll.u32 s1, $0x8  }
0x8: {  	_ =	strace $0x80000047;
	s30 =	ssub.s32 $0x2, s6;
	s7 =	sadd.s32 s7, s4  }
0x9: {  	s10 =	sand.u32 $0x300, s10;
	s31 =	sshrl.u32 s30, $0x1;
	s7 =	sshrl.u32 s7, $0x3  }
0xa: {  	s4 =	sadd.s32 $0x2400, s5;
	s12 =	sadd.s32 s7, s5;
	s5 =	smul.u32 $0x7D000, s6  }
0xb: {  	s9 =	sand.u32 $0x7FC00, s14;
	s8 =	sshrl.u32 s8, $0x2;
	s14 =	sor.u32 $0x80, s14  }
0xc: {  	s13 =	ssub.s32 s30, s31;
	s6 =	sadd.s32 s8, s2;
	s9 =	sadd.s32 s5, s9  }
0xd: {  	s13 =	smax.u32 s13, $0x1;
	s7 =	sadd.s32 $0x4000, s6;
	s9 =	sor.u32 s10, s9  }
0xe: {  	s8 =	sadd.s32 $0x8000, s6;
	s12 =	sadd.s32 $0x21800, s12;
	s11 =	sshrl.u32 s9, $0x3  }
0xf: {  	v0 =	vimm.f32 $0.0e+00;
	v1 =	vimm.f32 $1.000000000e+00;
	s10 =	sadd.s32 $0x10000, s6;
	s9 =	sadd.s32 $0xC000, s6;
	s11 =	sadd.s32 s4, s11  }
.LBB2_1:
0x10: {  	s21 =	simm.s32 $0x0;
	s22 =	simm.s32 $0x200  }
.LBB2_2:
0x11: {  	p0 =	sne.s32 s22, $0xFE00;
	[tilespmem:s21+$0x170] =	vst v0  }
0x12: {  	[tilespmem:s21+$0x100] =	vst v0  }
0x13: {  	[tilespmem:s21+$0x110] =	vst v0  }
.Ltmp0:
0x14: {  	[tilespmem:s21+$0x120] =	vst v0;
	(pc) =	sbr.rel @p0 .LBB2_2-.Ltmp0, $4  }
0x15: {  	[tilespmem:s21+$0x130] =	vst v0  }
0x16: {  	[tilespmem:s21+$0x140] =	vst v0  }
0x17: {  	[tilespmem:s21+$0x150] =	vst v0  }
0x18: {  	[tilespmem:s21+$0x160] =	vst v0;
	s21 =	sshra.s32 s22, $0x2;
	s22 =	sadd.s32 $0x200, s22  }
0x19: {  	[tilespmem:s21+$0x170] =	vst v0  }
0x1a: {  	[tilespmem:s21+$0x100] =	vst v0  }
0x1b: {  	[tilespmem:s21+$0x110] =	vst v0  }
0x1c: {  	[tilespmem:s21+$0x120] =	vst v0  }
0x1d: {  	[tilespmem:s21+$0x130] =	vst v0  }
0x1e: {  	[tilespmem:s21+$0x140] =	vst v0  }
0x1f: {  	[tilespmem:s21+$0x150] =	vst v0  }
0x20: {  	[tilespmem:s21+$0x160] =	vst v0  }
0x21: {  	[spmem:s6] =	stream.linear.scatter [tilespmem:s15], [sflag:$0x2], $0x4000, $0x38;
	[tilespmem:$0x18100] =	vst v63  }
0x22: {  	_ =	swait.ge [sflag:s16], $0x4000  }
0x23: {  	[sflag:s16] =	ssyncset.done $0x0  }
0x24: {  	[sflag:s16] =	ssyncadd.s32 $0xFFFFC000  }
0x25: {  	[spmem:s7] =	stream.linear.scatter [tilespmem:s15], [sflag:$0x2], $0x4000, $0x38;
	[tilespmem:$0x18100] =	vst v63  }
0x26: {  	_ =	swait.ge [sflag:s16], $0x4000  }
0x27: {  	[sflag:s16] =	ssyncset.done $0x0  }
0x28: {  	[sflag:s16] =	ssyncadd.s32 $0xFFFFC000  }
0x29: {  	[spmem:s8] =	stream.linear.scatter [tilespmem:s15], [sflag:$0x2], $0x4000, $0x38;
	[tilespmem:$0x18100] =	vst v63  }
0x2a: {  	_ =	swait.ge [sflag:s16], $0x4000  }
0x2b: {  	[sflag:s16] =	ssyncset.done $0x0  }
0x2c: {  	[sflag:s16] =	ssyncadd.s32 $0xFFFFC000  }
0x2d: {  	[spmem:s9] =	stream.linear.scatter [tilespmem:s15], [sflag:$0x2], $0x4000, $0x38;
	[tilespmem:$0x18100] =	vst v63  }
0x2e: {  	_ =	swait.ge [sflag:s16], $0x4000  }
0x2f: {  	[sflag:s16] =	ssyncset.done $0x0  }
0x30: {  	[sflag:s16] =	ssyncadd.s32 $0xFFFFC000  }
0x31: {  	[spmem:s10] =	stream.linear.scatter [tilespmem:s15], [sflag:$0x2], $0x4000, $0x38;
	[tilespmem:$0x18100] =	vst v63  }
0x32: {  	_ =	swait.ge [sflag:s16], $0x4000  }
0x33: {  	[sflag:s16] =	ssyncset.done $0x0  }
0x34: {  	s21 =	simm.s32 $0x0;
	s22 =	simm.s32 $0x200;
	[sflag:s16] =	ssyncadd.s32 $0xFFFFC000  }
.LBB2_4:
0x35: {  	p0 =	sne.s32 s22, $0xFE00;
	[tilespmem:s21+$0x170] =	vst v1  }
0x36: {  	[tilespmem:s21+$0x100] =	vst v1  }
0x37: {  	[tilespmem:s21+$0x110] =	vst v1  }
.Ltmp1:
0x38: {  	[tilespmem:s21+$0x120] =	vst v1;
	(pc) =	sbr.rel @p0 .LBB2_4-.Ltmp1, $4  }
0x39: {  	[tilespmem:s21+$0x130] =	vst v1  }
0x3a: {  	[tilespmem:s21+$0x140] =	vst v1  }
0x3b: {  	[tilespmem:s21+$0x150] =	vst v1  }
0x3c: {  	[tilespmem:s21+$0x160] =	vst v1;
	s21 =	sshra.s32 s22, $0x2;
	s22 =	sadd.s32 $0x200, s22  }
0x3d: {  	[tilespmem:s21+$0x170] =	vst v1  }
0x3e: {  	[tilespmem:s21+$0x100] =	vst v1  }
0x3f: {  	[tilespmem:s21+$0x110] =	vst v1  }
0x40: {  	[tilespmem:s21+$0x120] =	vst v1  }
0x41: {  	[tilespmem:s21+$0x130] =	vst v1  }
0x42: {  	[tilespmem:s21+$0x140] =	vst v1  }
0x43: {  	[tilespmem:s21+$0x150] =	vst v1  }
0x44: {  	[tilespmem:s21+$0x160] =	vst v1;
	s29 =	simm.s32 $0x0;
	s30 =	sand.u32 $0x1FFC00, s14  }
0x45: {  	s22 =	sand.u32 $0x380, s14;
	[bflag:$0x0] =	sbarrier.arrive $0xFFFF;
	s21 =	sadd.s32 s5, s30  }
0x46: {  	[tilespmem:s29], [sflag:$0x1] =	stream.linear.gather [hbm4b:s11+s29], $0x80, $0x38;
	[tilespmem:$0x18100] =	vst v63  }
0x47: {  	s31 =	simm.s32 $0x0;
	s21 =	sor.u32 s22, s21;
	_ =	swait.ge [sflag:s17], $0x80  }
0x48: {  	s22 =	sand.u32 $0x80, s31;
	s21 =	sshrl.u32 s21, $0x3;
	[sflag:s17] =	ssyncset.done $0x0  }
0x49: {  	s23 =	sxor.u32 $0x80, s22;
	s21 =	sadd.s32 s4, s21;
	[sflag:s17] =	ssyncadd.s32 $0xFFFFFF80  }
0x4a: {  	[tilespmem:s23], [sflag:$0x1] =	stream.linear.gather [hbm4b:s21+s3], $0x80, $0x38;
	[tilespmem:$0x18100] =	vst v63  }
0x4b: {  	_ = 	snop  }
0x4c: {  	[spmem:s2] =	stream.indirect.scatter.add.f32 [tilespmem:s15], [sflag:$0x2], $0x80, s22, s18, $0xb8;
	[tilespmem:$0x18100] =	vst v63  }
0x4d: {  	s23 =	simm.s32 $0x1;
	_ =	swait.ge [sflag:s16], $0x2800  }
0x4e: {  	s21 =	sadd.s32 $0x80, s14;
	s22 =	simm.s32 $0x2;
	[sflag:s16] =	ssyncset.done $0x0  }
.LBB2_6:
0x4f: {  	p0 =	sne.s32 s22, $0xF8  }
0x50: {  	s24 =	sand.u32 $0x1FFC00, s21;
	[sflag:s16] =	ssyncadd.s32 $0xFFFFD800;
	s25 =	smov.u32 s22  }
0x51: {  	s26 =	sand.u32 $0x380, s21;
	_ =	swait.ge [sflag:s17], $0x80;
	s24 =	sadd.s32 s5, s24  }
0x52: {  	s22 =	sadd.s32 $0x1, s22;
	s23 =	sshll.u32 s23, $0x7;
	s24 =	sor.u32 s26, s24  }
0x53: {  	s26 =	sand.u32 $0x80, s23;
	[sflag:s17] =	ssyncset.done $0x0;
	s23 =	sshrl.u32 s24, $0x3  }
0x54: {  	s24 =	sxor.u32 $0x80, s26;
	[sflag:s17] =	ssyncadd.s32 $0xFFFFFF80;
	s23 =	sadd.s32 s4, s23  }
0x55: {  	[tilespmem:s24], [sflag:$0x1] =	stream.linear.gather [hbm4b:s23+s3], $0x80, $0x38;
	[tilespmem:$0x18100] =	vst v63  }
.Ltmp2:
0x56: {  	_ = 	snop;
	(pc) =	sbr.rel @p0 .LBB2_6-.Ltmp2, $4  }
0x57: {  	s23 =	smov.u32 s25  }
0x58: {  	[spmem:s2] =	stream.indirect.scatter.add.f32 [tilespmem:s15], [sflag:$0x2], $0x80, s26, s18, $0xb8;
	[tilespmem:$0x18100] =	vst v63  }
0x59: {  	_ =	swait.ge [sflag:s16], $0x2800  }
0x5a: {  	s21 =	sadd.s32 $0x80, s21;
	[sflag:s16] =	ssyncset.done $0x0  }
0x5b: {  	s22 =	sand.u32 $0x1FFC00, s21  }
0x5c: {  	[sflag:s16] =	ssyncadd.s32 $0xFFFFD800;
	s26 =	sand.u32 $0x380, s21;
	s22 =	sadd.s32 s5, s22  }
0x5d: {  	s28 =	sshll.u32 s23, $0x7;
	_ =	swait.ge [sflag:s17], $0x80;
	s21 =	sor.u32 s26, s22  }
0x5e: {  	[sflag:s17] =	ssyncset.done $0x0;
	s22 =	sand.u32 $0x80, s28;
	s21 =	sshrl.u32 s21, $0x3  }
0x5f: {  	[sflag:s17] =	ssyncadd.s32 $0xFFFFFF80;
	s29 =	sxor.u32 $0x80, s22;
	s21 =	sadd.s32 s4, s21  }
0x60: {  	[tilespmem:s29], [sflag:$0x1] =	stream.linear.gather [hbm4b:s21+s3], $0x80, $0x38;
	[tilespmem:$0x18100] =	vst v63  }
0x61: {  	_ = 	snop  }
0x62: {  	[spmem:s2] =	stream.indirect.scatter.add.f32 [tilespmem:s15], [sflag:$0x2], $0x80, s22, s18, $0xb8;
	[tilespmem:$0x18100] =	vst v63  }
0x63: {  	_ =	swait.ge [sflag:s16], $0x2800  }
0x64: {  	[sflag:s16] =	ssyncset.done $0x0  }
0x65: {  	[sflag:s16] =	ssyncadd.s32 $0xFFFFD800  }
0x66: {  	_ =	swait.ge [sflag:s17], $0x80  }
0x67: {  	[sflag:s17] =	ssyncset.done $0x0  }
0x68: {  	[sflag:s17] =	ssyncadd.s32 $0xFFFFFF80  }
0x69: {  	[spmem:s2] =	stream.indirect.scatter.add.f32 [tilespmem:s15], [sflag:$0x2], $0x80, s19, s18, $0xb8;
	[tilespmem:$0x18100] =	vst v63  }
0x6a: {  	_ =	swait.ge [sflag:s16], $0x2800  }
0x6b: {  	s30 =	sshll.u32 s1, $0x6;
	s20 =	sadd.s32 $0x1, s20;
	[sflag:s16] =	ssyncset.done $0x0  }
0x6c: {  	s31 =	sshrl.u32 s6, $0x3;
	p0 =	sne.s32 s20, s13;
	[sflag:s16] =	ssyncadd.s32 $0xFFFFD800  }
.Ltmp3:
0x6d: {  	s21 =	sor.u32 $0x1C02, s30;
	[bflag:$0x0] =	sbarrier.arrive $0xFFFF;
	(pc) =	sbr.rel @p0 .LBB2_1-.Ltmp3, $4  }
0x6e: {  	[hbm:s12], [sflag:s21] =	dma.local [spmem:s31], $0x2800  }
0x6f: {  	_ =	swait.ge [sflag:s16], $0x2800  }
0x70: {  	[sflag:s16] =	ssyncset.done $0x0  }
0x71: {  	[sflag:s16] =	ssyncadd.s32 $0xFFFFD800  }
0x72: {  	_ =	sfence.sel $0x180000  }
0x73: {  	[bflag:$0x0] =	sbarrier.arrive $0xFFFF  }
0x74: {  	p0 =	sne.s32 s1, $0x0;
	_ =	strace $0x90000047  }
0x75: {  	s0 =	sadd.s32 @!p0 $0x100000, s0;
	[bflag:$0x2] =	sbarrier.arrive $0xFFFF  }
0x76: {  	[sflag:s0] =	ssyncadd.tile.s32 @!p0 $0x1;
	_ =	shalt  }
.Lfunc_end2:
_tile_overlayer_lowered:
.L_overlay_start_2:
0x77: {  	(tag) =	ssettag $0x2  }
0x78: {  	s0 =	rddreg [dreg:$0x0];
	s2 =	stileid.u32  }
0x79: {  	s1 =	rddreg [dreg:$0x1];
	p0 =	sne.s32 s2, $0x0  }
0x7a: {  	s3 =	rddreg [dreg:$0x2];
	[bflag:$0x3] =	sbarrier.arrive $0xFFFF;
	s2 =	simm.s32 @!p0 $0x1C02  }
0x7b: {  	[timem:s3], [sflag:s2] =	dma.local @!p0 [hbm:s0], s1  }
0x7c: {  	s0 =	simm.s32 @!p0 $0x2  }
0x7d: {  	_ =	swait.ge @!p0 [sflag:s0], s1  }
0x7e: {  	s1 =	ssub.s32 @!p0 $0x0, s1;
	[sflag:s0] =	ssyncset.done @!p0 $0x0  }
0x7f: {  	[sflag:s0] =	ssyncadd.s32 @!p0 s1  }
0x80: {  	[bflag:$0x3] =	sbarrier.arrive $0xFFFF  }
0x81: {  	_ =	shalt  }

</sc_bundles>
